<compile_context>
chip_gen: v7x
topology: tpu7x:2x2x1
jax: 0.10.2.dev20260603
libtpu: 0.0.44.dev20260713+nightly
codegen_flags: <defaults>
</compile_context>

<pallas_src>
import functools

import jax
import jax.numpy as jnp
from jax import lax
from jax.experimental import pallas as pl
from jax.experimental.pallas import tpu as pltpu
from jax.experimental.pallas import tpu_sc as plsc

_N = 10000
_E = 320000
_D = 128
_H = 128
_T = 1000

_NC = 2
_NS = 16
_NW = _NC * _NS
_EPW = _E // _NW
_C = 400
_NCHUNK = _EPW // _C
_IW = 80
_ISUB = _C // _IW
_NP = 10240
_NR = _NP // 16


def _proj_body(x_ref, w1a_ref, w1b_ref, b1h_ref, pa_ref, pe_ref):
    x = x_ref[...]
    b = b1h_ref[...]
    pa_ref[...] = jnp.dot(x, w1a_ref[...], preferred_element_type=jnp.float32) + b
    pe_ref[...] = jnp.dot(x, w1b_ref[...], preferred_element_type=jnp.float32) + b


def _project(x, w1a, w1b, b1h):
    rb = 1000
    return pl.pallas_call(
        _proj_body,
        grid=(_N // rb,),
        in_specs=[
            pl.BlockSpec((rb, _D), lambda i: (i, 0)),
            pl.BlockSpec((_D, _H), lambda i: (0, 0)),
            pl.BlockSpec((_D, _H), lambda i: (0, 0)),
            pl.BlockSpec((1, _H), lambda i: (0, 0)),
        ],
        out_specs=[
            pl.BlockSpec((rb, _H), lambda i: (i, 0)),
            pl.BlockSpec((rb, _H), lambda i: (i, 0)),
        ],
        out_shape=[
            jax.ShapeDtypeStruct((_N, _H), jnp.float32),
            jax.ShapeDtypeStruct((_N, _H), jnp.float32),
        ],
    )(x, w1a, w1b, b1h)


def _sc_edges_fn(pa_hbm, pe_hbm, dst_hbm, src_hbm, w2_hbm, b2_hbm,
                 attack_hbm, partials_hbm,
                 dsti_v, srci_v, rows_a, rows_e, att_v, nacc_v, w2_v, b2_v,
                 rowid_v, shared_acc, sem):
    c = lax.axis_index("c")
    s = lax.axis_index("s")
    wid = s * _NC + c

    pltpu.sync_copy(w2_hbm, w2_v)
    pltpu.sync_copy(b2_hbm, b2_v)

    for b in range(_NR // 128):
        for t in range(8):
            rowid_v[b, pl.ds(t * 16, 16)] = (
                lax.iota(jnp.int32, 16) + (b * 128 + t * 16))

    def _zero(i, _):
        nacc_v[i, :] = jnp.zeros((16,), jnp.float32)
        return 0
    lax.fori_loop(0, _NR, _zero, 0)

    w2r = tuple(w2_v[pl.ds(16 * j, 16)] for j in range(8))
    b2r = b2_v[...]

    def chunk_body(k, carry):
        w2r, b2r = carry
        ebase = wid * _EPW + k * _C
        pltpu.sync_copy(dst_hbm.at[pl.ds(ebase, _C)], dsti_v)
        pltpu.sync_copy(src_hbm.at[pl.ds(ebase, _C)], srci_v)
        cps = []
        for i in range(_ISUB):
            cps.append(pltpu.async_copy(
                pa_hbm.at[dsti_v.at[pl.ds(i * _IW, _IW)]],
                rows_a.at[pl.ds(i * _IW, _IW)], sem))
            cps.append(pltpu.async_copy(
                pe_hbm.at[srci_v.at[pl.ds(i * _IW, _IW)]],
                rows_e.at[pl.ds(i * _IW, _IW)], sem))
        for cp in cps:
            cp.wait()

        for z in range(_C // 16):
            att_v[pl.ds(z * 16, 16)] = jnp.zeros((16,), jnp.float32)

        def edge_body(g, carry):
            w2r, b2r = carry
            for u in range(4):
                e = g * 4 + u
                acc = b2r
                for j in range(8):
                    av = rows_a[e, pl.ds(16 * j, 16)]
                    ev = rows_e[e, pl.ds(16 * j, 16)]
                    h = av + ev
                    h = jnp.maximum(h, h * 0.01)
                    acc = acc + h * w2r[j]
                plsc.addupdate_scatter(
                    att_v, [jnp.full((16,), e, jnp.int32)], acc)
            return carry
        lax.fori_loop(0, _C // 4, edge_body, (w2r, b2r))

        for g in range(_C // 16):
            idx = dsti_v[pl.ds(g * 16, 16)]
            vals = att_v[pl.ds(g * 16, 16)]
            hi = lax.shift_right_logical(idx, 4)
            lo = lax.bitwise_and(idx, 15)
            plsc.addupdate_scatter(nacc_v, [hi, lo], vals)

        pltpu.sync_copy(att_v, attack_hbm.at[pl.ds(ebase, _C)])
        return carry

    lax.fori_loop(0, _NCHUNK, chunk_body, (w2r, b2r))

    @pl.when(s == 0)
    def _():
        pltpu.sync_copy(nacc_v, shared_acc)
    plsc.subcore_barrier()

    @pl.when(s != 0)
    def _():
        for b in range(_NR // 128):
            pltpu.sync_copy(
                nacc_v.at[pl.ds(b * 128, 128)],
                shared_acc.at[rowid_v.at[b]],
                add=True)
    plsc.subcore_barrier()

    @pl.when(s == 0)
    def _():
        pltpu.sync_copy(shared_acc, partials_hbm.at[c])


def _sc_edges(pa, pe, dst2, src2, w2, b2v):
    mesh = plsc.VectorSubcoreMesh(core_axis_name="c", subcore_axis_name="s")
    f = functools.partial(
        pl.kernel,
        mesh=mesh,
        out_type=[
            jax.ShapeDtypeStruct((_E,), jnp.float32),
            jax.ShapeDtypeStruct((_NC, _NR, 16), jnp.float32),
        ],
        scratch_types=[
            pltpu.VMEM((_C,), jnp.int32),
            pltpu.VMEM((_C,), jnp.int32),
            pltpu.VMEM((_C, _H), jnp.float32),
            pltpu.VMEM((_C, _H), jnp.float32),
            pltpu.VMEM((_C,), jnp.float32),
            pltpu.VMEM((_NR, 16), jnp.float32),
            pltpu.VMEM((_H,), jnp.float32),
            pltpu.VMEM((16,), jnp.float32),
            pltpu.VMEM((_NR // 128, 128), jnp.int32),
            pltpu.VMEM_SHARED((_NR, 16), jnp.float32),
            pltpu.SemaphoreType.DMA,
        ],
        compiler_params=pltpu.CompilerParams(
            needs_layout_passes=False, use_tc_tiling_on_sc=False),
    )(_sc_edges_fn)
    return f(pa, pe, dst2, src2, w2, b2v)


def _sc_targets_fn(partials_hbm, tgt_hbm, out_hbm, p0_v, p1_v, tgt_v, out_v):
    c = lax.axis_index("c")
    s = lax.axis_index("s")

    @pl.when(jnp.logical_and(c == 0, s == 0))
    def _():
        pltpu.sync_copy(partials_hbm.at[0], p0_v)
        pltpu.sync_copy(partials_hbm.at[1], p1_v)
        tgt_v[pl.ds(992, 16)] = jnp.zeros((16,), jnp.int32)
        tgt_v[pl.ds(1008, 16)] = jnp.zeros((16,), jnp.int32)
        pltpu.sync_copy(tgt_hbm, tgt_v.at[pl.ds(0, _T)])

        def body(g, _):
            idx = tgt_v[pl.ds(g * 16, 16)]
            hi = lax.shift_right_logical(idx, 4)
            lo = lax.bitwise_and(idx, 15)
            v0 = plsc.load_gather(p0_v, [hi, lo])
            v1 = plsc.load_gather(p1_v, [hi, lo])
            out_v[pl.ds(g * 16, 16)] = v0 + v1
            return 0
        lax.fori_loop(0, 64, body, 0)
        pltpu.sync_copy(out_v.at[pl.ds(0, _T)], out_hbm)


def _sc_targets(partials, tgt):
    mesh = plsc.VectorSubcoreMesh(core_axis_name="c", subcore_axis_name="s")
    f = functools.partial(
        pl.kernel,
        mesh=mesh,
        out_type=jax.ShapeDtypeStruct((_T,), jnp.float32),
        scratch_types=[
            pltpu.VMEM((_NR, 16), jnp.float32),
            pltpu.VMEM((_NR, 16), jnp.float32),
            pltpu.VMEM((1024,), jnp.int32),
            pltpu.VMEM((1024,), jnp.float32),
        ],
        compiler_params=pltpu.CompilerParams(
            needs_layout_passes=False, use_tc_tiling_on_sc=False),
    )(_sc_targets_fn)
    return f(partials, tgt)


def kernel(node_feature, W1, b1, W2, b2, edge_index, target_node_index):
    src = edge_index[0]
    dst = edge_index[1]
    b1h = (0.5 * b1).reshape(1, _H).astype(jnp.float32)
    pa, pe = _project(node_feature, W1[:_D], W1[_D:], b1h)
    w2 = W2[:, 0]
    b2v = jnp.full((16,), b2[0] / 16.0, dtype=jnp.float32)
    attack, partials = _sc_edges(pa, pe, dst, src, w2, b2v)
    target_attack = _sc_targets(partials, target_node_index)
    return (attack, target_attack, src)

# --- scband reference (transcript-rebuilt; emitter-appended) ---
"""Pipeline reference for scband-attack-module-19791209300473 (READ-ONLY COPY).

The authoritative reference and input builder live on the scoring server;
editing this copy changes nothing except your own understanding.
"""

import jax, jax.numpy as jnp
import numpy as np

N = 10000
E = 320000
D = 128
H = 128
T = 1000


def setup_inputs(seed: int = 0) -> dict:
    key = jax.random.key(seed)
    ks = jax.random.split(key, 8)
    node_feature = jax.random.normal(ks[0], (N, D), dtype=jnp.float32)
    edge_index = jax.random.randint(ks[1], (2, E), 0, N, dtype=jnp.int32)
    target_node_index = jax.random.randint(ks[2], (T,), 0, N, dtype=jnp.int32)
    # MLP params: input dim = 2*node_dim = 256, hidden [128], output 1
    W1 = jax.random.normal(ks[3], (2 * D, H), dtype=jnp.float32) * (1.0 / np.sqrt(2 * D))
    b1 = jnp.zeros((H,), dtype=jnp.float32)
    W2 = jax.random.normal(ks[4], (H, 1), dtype=jnp.float32) * (1.0 / np.sqrt(H))
    b2 = jnp.zeros((1,), dtype=jnp.float32)
    return {
        'node_feature': node_feature,
        'W1': W1, 'b1': b1, 'W2': W2, 'b2': b2,
        'edge_index': edge_index,
        'target_node_index': target_node_index,
    }


def reference(node_feature, W1, b1, W2, b2, edge_index, target_node_index):
    # message_function: for each edge, src = enemy node, dst = ally (target) node
    src = edge_index[0]
    dst = edge_index[1]
    enemy_feat = jnp.take(node_feature, src, axis=0)   # edges.src['node_feature']
    ally_feat = jnp.take(node_feature, dst, axis=0)    # edges.dst['node_feature']
    attack_input = jnp.concatenate([ally_feat, enemy_feat], axis=-1)  # [E, 2D]
    h = jax.nn.leaky_relu(attack_input @ W1 + b1, negative_slope=0.01)
    attack_argument = (h @ W2 + b2)[:, 0]  # [E], per-edge scalar (mailbox squeeze(-1))
    # reduce_function: DGL stacks the mailbox per dst node; with static shapes we
    # aggregate per destination via segment_sum and gather at the pulled target nodes.
    node_attack = jax.ops.segment_sum(attack_argument, dst, num_segments=N)
    target_attack = jnp.take(node_attack, target_node_index, axis=0)  # [T]
    enemy_index = src  # edges.src['node_indices']
    return (attack_argument, target_attack, enemy_index)

if __name__ == "__main__":
    import jax
    _d = setup_inputs()
    print(jax.jit(kernel)(*tuple(_d.values())))

</pallas_src>

<mosaic_0001>
#map = affine_map<(d0, d1) -> (0, 0, 0)>
#map1 = affine_map<(d0, d1) -> (0)>
module attributes {stable_mosaic.version = 14 : i64} {
  func.func @_sc_targets_fn(%arg0: i32, %arg1: i32, %arg2: memref<2x640x16xf32, #tpu.memory_space<hbm>>, %arg3: memref<1000xi32, #tpu.memory_space<hbm>>, %arg4: memref<1000xf32, #tpu.memory_space<hbm>>, %arg5: memref<640x16xf32, #tpu.memory_space<vmem>>, %arg6: memref<640x16xf32, #tpu.memory_space<vmem>>, %arg7: memref<1024xi32, #tpu.memory_space<vmem>>, %arg8: memref<1024xf32, #tpu.memory_space<vmem>>) attributes {dimension_semantics = [#tpu.dimension_semantics<core_parallel>, #tpu.dimension_semantics<subcore_parallel>], iteration_bounds = array<i64: 2, 16>, scalar_prefetch = 0 : i64, scratch_operands = 4 : i64, tpu.core_type = #tpu.core_type<sc_vector_subcore>, window_params = [{transform_indices = #map}, {transform_indices = #map1}, {transform_indices = #map1}]} {
    %eq3A = arith.constant 0 : i32
    %eq3A_0 = arith.cmpi eq, %arg0, %eq3A : i32
    %eq3A_1 = arith.constant 0 : i32
    %eq3A_2 = arith.cmpi eq, %arg1, %eq3A_1 : i32
    %and3A = arith.andi %eq3A_0, %eq3A_2 : i1
    %convert_element_type3A = arith.extui %and3A : i1 to i32
    %cond3A = arith.constant 0 : i32
    %cond3A_3 = arith.cmpi ne, %convert_element_type3A, %cond3A : i32
    scf.if %cond3A_3 {
      %run_scoped3A = arith.constant 0 : i32
      "tpu.region"() ({
        %run_scoped3A_17 = tpu.sem_alloc : memref<!tpu.dma_semaphore, #tpu.memory_space<semaphore_mem>>
        %dma_start3A = arith.constant 0 : i32
        %dma_start3A_18 = arith.constant 0 : i32
        %dma_start3A_19 = tpu.memref_slice %arg2[%run_scoped3A, %dma_start3A, %dma_start3A_18] : memref<2x640x16xf32, #tpu.memory_space<hbm>> -> memref<1x640x16xf32, #tpu.memory_space<hbm>>
        %dma_start3A_20 = tpu.memref_squeeze %dma_start3A_19 : memref<1x640x16xf32, #tpu.memory_space<hbm>> -> memref<640x16xf32, #tpu.memory_space<hbm>>
        %dma_start3A_21 = arith.constant 0 : i32
        %dma_start3A_22 = arith.constant 0 : i32
        %dma_start3A_23 = tpu.memref_slice %arg2[%run_scoped3A, %dma_start3A_21, %dma_start3A_22] : memref<2x640x16xf32, #tpu.memory_space<hbm>> -> memref<1x640x16xf32, #tpu.memory_space<hbm>>
        %dma_start3A_24 = tpu.memref_squeeze %dma_start3A_23 : memref<1x640x16xf32, #tpu.memory_space<hbm>> -> memref<640x16xf32, #tpu.memory_space<hbm>>
        tpu.enqueue_dma source(%dma_start3A_24 : memref<640x16xf32, #tpu.memory_space<hbm>>) target(%arg5 : memref<640x16xf32, #tpu.memory_space<vmem>>) target_semaphore(%run_scoped3A_17 : memref<!tpu.dma_semaphore, #tpu.memory_space<semaphore_mem>>)
        %dma_wait3A = arith.constant 0 : i32
        %dma_wait3A_25 = arith.constant 0 : i32
        %dma_wait3A_26 = tpu.memref_slice %arg2[%run_scoped3A, %dma_wait3A, %dma_wait3A_25] : memref<2x640x16xf32, #tpu.memory_space<hbm>> -> memref<1x640x16xf32, #tpu.memory_space<hbm>>
        %dma_wait3A_27 = tpu.memref_squeeze %dma_wait3A_26 : memref<1x640x16xf32, #tpu.memory_space<hbm>> -> memref<640x16xf32, #tpu.memory_space<hbm>>
        %dma_wait3A_28 = arith.constant 0 : i32
        %dma_wait3A_29 = arith.constant 0 : i32
        %dma_wait3A_30 = tpu.memref_slice %arg2[%run_scoped3A, %dma_wait3A_28, %dma_wait3A_29] : memref<2x640x16xf32, #tpu.memory_space<hbm>> -> memref<1x640x16xf32, #tpu.memory_space<hbm>>
        %dma_wait3A_31 = tpu.memref_squeeze %dma_wait3A_30 : memref<1x640x16xf32, #tpu.memory_space<hbm>> -> memref<640x16xf32, #tpu.memory_space<hbm>>
        tpu.wait_dma2 semaphore(%run_scoped3A_17 : memref<!tpu.dma_semaphore, #tpu.memory_space<semaphore_mem>>) src(%dma_wait3A_31 : memref<640x16xf32, #tpu.memory_space<hbm>>) dst(%arg5 : memref<640x16xf32, #tpu.memory_space<vmem>>)
        tpu.yield
      }) : () -> ()
      %run_scoped3A_4 = arith.constant 1 : i32
      "tpu.region"() ({
        %run_scoped3A_17 = tpu.sem_alloc : memref<!tpu.dma_semaphore, #tpu.memory_space<semaphore_mem>>
        %dma_start3A = arith.constant 0 : i32
        %dma_start3A_18 = arith.constant 0 : i32
        %dma_start3A_19 = tpu.memref_slice %arg2[%run_scoped3A_4, %dma_start3A, %dma_start3A_18] : memref<2x640x16xf32, #tpu.memory_space<hbm>> -> memref<1x640x16xf32, #tpu.memory_space<hbm>>
        %dma_start3A_20 = tpu.memref_squeeze %dma_start3A_19 : memref<1x640x16xf32, #tpu.memory_space<hbm>> -> memref<640x16xf32, #tpu.memory_space<hbm>>
        %dma_start3A_21 = arith.constant 0 : i32
        %dma_start3A_22 = arith.constant 0 : i32
        %dma_start3A_23 = tpu.memref_slice %arg2[%run_scoped3A_4, %dma_start3A_21, %dma_start3A_22] : memref<2x640x16xf32, #tpu.memory_space<hbm>> -> memref<1x640x16xf32, #tpu.memory_space<hbm>>
        %dma_start3A_24 = tpu.memref_squeeze %dma_start3A_23 : memref<1x640x16xf32, #tpu.memory_space<hbm>> -> memref<640x16xf32, #tpu.memory_space<hbm>>
        tpu.enqueue_dma source(%dma_start3A_24 : memref<640x16xf32, #tpu.memory_space<hbm>>) target(%arg6 : memref<640x16xf32, #tpu.memory_space<vmem>>) target_semaphore(%run_scoped3A_17 : memref<!tpu.dma_semaphore, #tpu.memory_space<semaphore_mem>>)
        %dma_wait3A = arith.constant 0 : i32
        %dma_wait3A_25 = arith.constant 0 : i32
        %dma_wait3A_26 = tpu.memref_slice %arg2[%run_scoped3A_4, %dma_wait3A, %dma_wait3A_25] : memref<2x640x16xf32, #tpu.memory_space<hbm>> -> memref<1x640x16xf32, #tpu.memory_space<hbm>>
        %dma_wait3A_27 = tpu.memref_squeeze %dma_wait3A_26 : memref<1x640x16xf32, #tpu.memory_space<hbm>> -> memref<640x16xf32, #tpu.memory_space<hbm>>
        %dma_wait3A_28 = arith.constant 0 : i32
        %dma_wait3A_29 = arith.constant 0 : i32
        %dma_wait3A_30 = tpu.memref_slice %arg2[%run_scoped3A_4, %dma_wait3A_28, %dma_wait3A_29] : memref<2x640x16xf32, #tpu.memory_space<hbm>> -> memref<1x640x16xf32, #tpu.memory_space<hbm>>
        %dma_wait3A_31 = tpu.memref_squeeze %dma_wait3A_30 : memref<1x640x16xf32, #tpu.memory_space<hbm>> -> memref<640x16xf32, #tpu.memory_space<hbm>>
        tpu.wait_dma2 semaphore(%run_scoped3A_17 : memref<!tpu.dma_semaphore, #tpu.memory_space<semaphore_mem>>) src(%dma_wait3A_31 : memref<640x16xf32, #tpu.memory_space<hbm>>) dst(%arg6 : memref<640x16xf32, #tpu.memory_space<vmem>>)
        tpu.yield
      }) : () -> ()
      %broadcast_in_dim3A = arith.constant 0 : i32
      %broadcast_in_dim3A_5 = vector.broadcast %broadcast_in_dim3A : i32 to vector<16xi32>
      %swap3A = arith.constant 992 : index
      %swap3A_6 = tpu.vector_load %arg7[%swap3A] {strides = array<i32>} : memref<1024xi32, #tpu.memory_space<vmem>>, vector<16xi32>,
      tpu.vector_store %arg7[%swap3A], %broadcast_in_dim3A_5 {strides = array<i32>} : memref<1024xi32, #tpu.memory_space<vmem>>, vector<16xi32>,
      %broadcast_in_dim3A_7 = arith.constant 0 : i32
      %broadcast_in_dim3A_8 = vector.broadcast %broadcast_in_dim3A_7 : i32 to vector<16xi32>
      %swap3A_9 = arith.constant 1008 : index
      %swap3A_10 = tpu.vector_load %arg7[%swap3A_9] {strides = array<i32>} : memref<1024xi32, #tpu.memory_space<vmem>>, vector<16xi32>,
      tpu.vector_store %arg7[%swap3A_9], %broadcast_in_dim3A_8 {strides = array<i32>} : memref<1024xi32, #tpu.memory_space<vmem>>, vector<16xi32>,
      "tpu.region"() ({
        %run_scoped3A_17 = tpu.sem_alloc : memref<!tpu.dma_semaphore, #tpu.memory_space<semaphore_mem>>
        %dma_start3A = arith.constant 0 : i32
        %dma_start3A_18 = tpu.memref_slice %arg7[%dma_start3A] : memref<1024xi32, #tpu.memory_space<vmem>> -> memref<1000xi32, #tpu.memory_space<vmem>>
        %dma_start3A_19 = arith.constant 0 : i32
        %dma_start3A_20 = tpu.memref_slice %arg7[%dma_start3A_19] : memref<1024xi32, #tpu.memory_space<vmem>> -> memref<1000xi32, #tpu.memory_space<vmem>>
        tpu.enqueue_dma source(%arg3 : memref<1000xi32, #tpu.memory_space<hbm>>) target(%dma_start3A_20 : memref<1000xi32, #tpu.memory_space<vmem>>) target_semaphore(%run_scoped3A_17 : memref<!tpu.dma_semaphore, #tpu.memory_space<semaphore_mem>>)
        %dma_wait3A = arith.constant 0 : i32
        %dma_wait3A_21 = tpu.memref_slice %arg7[%dma_wait3A] : memref<1024xi32, #tpu.memory_space<vmem>> -> memref<1000xi32, #tpu.memory_space<vmem>>
        %dma_wait3A_22 = arith.constant 0 : i32
        %dma_wait3A_23 = tpu.memref_slice %arg7[%dma_wait3A_22] : memref<1024xi32, #tpu.memory_space<vmem>> -> memref<1000xi32, #tpu.memory_space<vmem>>
        tpu.wait_dma2 semaphore(%run_scoped3A_17 : memref<!tpu.dma_semaphore, #tpu.memory_space<semaphore_mem>>) src(%arg3 : memref<1000xi32, #tpu.memory_space<hbm>>) dst(%dma_wait3A_23 : memref<1000xi32, #tpu.memory_space<vmem>>)
        tpu.yield
      }) : () -> ()
      %scan3A = arith.constant 0 : i32
      %scan3A_11 = arith.constant 0 : i32
      %scan3A_12 = arith.constant 64 : i32
      %scan3A_13 = arith.addi %scan3A_11, %scan3A_12 : i32
      %scan3A_14 = arith.constant 1 : i32
      %scan3A_15 = scf.for %scan3A_17 = %scan3A_11 to %scan3A_13 step %scan3A_14 iter_args(%scan3A_18 = %scan3A) -> (i32)  : i32 {
        %mul3A = arith.constant 16 : i32
        %mul3A_19 = arith.muli %scan3A_17, %mul3A : i32
        %get3A = arith.index_cast %mul3A_19 : i32 to index
        %get3A_20 = tpu.vector_load %arg7[%get3A] {strides = array<i32>} : memref<1024xi32, #tpu.memory_space<vmem>>, vector<16xi32>,
        %shift_right_logical3A = arith.constant 4 : i32
        %shift_right_logical3A_21 = vector.broadcast %shift_right_logical3A : i32 to vector<16xi32>
        %shift_right_logical3A_22 = arith.shrui %get3A_20, %shift_right_logical3A_21 : vector<16xi32>
        %and3A_23 = arith.constant 15 : i32
        %and3A_24 = vector.broadcast %and3A_23 : i32 to vector<16xi32>
        %and3A_25 = arith.andi %get3A_20, %and3A_24 : vector<16xi32>
        %gather3A = tpu.vector_load_idx %arg5[%shift_right_logical3A_22, %and3A_25] : memref<640x16xf32, #tpu.memory_space<vmem>>[vector<16xi32>, vector<16xi32>], vector<16xf32>,
        %gather3A_26 = tpu.vector_load_idx %arg6[%shift_right_logical3A_22, %and3A_25] : memref<640x16xf32, #tpu.memory_space<vmem>>[vector<16xi32>, vector<16xi32>], vector<16xf32>,
        %add3A = arith.addf %gather3A, %gather3A_26 : vector<16xf32>
        %mul3A_27 = arith.constant 16 : i32
        %mul3A_28 = arith.muli %scan3A_17, %mul3A_27 : i32
        %swap3A_29 = arith.index_cast %mul3A_28 : i32 to index
        %swap3A_30 = tpu.vector_load %arg8[%swap3A_29] {strides = array<i32>} : memref<1024xf32, #tpu.memory_space<vmem>>, vector<16xf32>,
        tpu.vector_store %arg8[%swap3A_29], %add3A {strides = array<i32>} : memref<1024xf32, #tpu.memory_space<vmem>>, vector<16xf32>,
        %scan3A_31 = arith.constant 0 : i32
        scf.yield %scan3A_31 : i32
      }
      %scan3A_16 = arith.constant 64 : i32
      "tpu.region"() ({
        %run_scoped3A_17 = tpu.sem_alloc : memref<!tpu.dma_semaphore, #tpu.memory_space<semaphore_mem>>
        %dma_start3A = arith.constant 0 : i32
        %dma_start3A_18 = tpu.memref_slice %arg8[%dma_start3A] : memref<1024xf32, #tpu.memory_space<vmem>> -> memref<1000xf32, #tpu.memory_space<vmem>>
        %dma_start3A_19 = arith.constant 0 : i32
        %dma_start3A_20 = tpu.memref_slice %arg8[%dma_start3A_19] : memref<1024xf32, #tpu.memory_space<vmem>> -> memref<1000xf32, #tpu.memory_space<vmem>>
        tpu.enqueue_dma source(%dma_start3A_20 : memref<1000xf32, #tpu.memory_space<vmem>>) target(%arg4 : memref<1000xf32, #tpu.memory_space<hbm>>) target_semaphore(%run_scoped3A_17 : memref<!tpu.dma_semaphore, #tpu.memory_space<semaphore_mem>>)
        %dma_wait3A = arith.constant 0 : i32
        %dma_wait3A_21 = tpu.memref_slice %arg8[%dma_wait3A] : memref<1024xf32, #tpu.memory_space<vmem>> -> memref<1000xf32, #tpu.memory_space<vmem>>
        %dma_wait3A_22 = arith.constant 0 : i32
        %dma_wait3A_23 = tpu.memref_slice %arg8[%dma_wait3A_22] : memref<1024xf32, #tpu.memory_space<vmem>> -> memref<1000xf32, #tpu.memory_space<vmem>>
        tpu.wait_dma2 semaphore(%run_scoped3A_17 : memref<!tpu.dma_semaphore, #tpu.memory_space<semaphore_mem>>) src(%dma_wait3A_23 : memref<1000xf32, #tpu.memory_space<vmem>>) dst(%arg4 : memref<1000xf32, #tpu.memory_space<hbm>>)
        tpu.yield
      }) : () -> ()
    } else {
    }
    return
  }
}

#map = affine_map<(d0, d1) -> (0, 0)>
#map1 = affine_map<(d0, d1) -> (0)>
#map2 = affine_map<(d0, d1) -> (0, 0, 0)>
module attributes {stable_mosaic.version = 14 : i64} {
  func.func @_sc_edges_fn(%arg0: i32, %arg1: i32, %arg2: memref<10000x128xf32, #tpu.memory_space<hbm>>, %arg3: memref<10000x128xf32, #tpu.memory_space<hbm>>, %arg4: memref<320000xi32, #tpu.memory_space<hbm>>, %arg5: memref<320000xi32, #tpu.memory_space<hbm>>, %arg6: memref<128xf32, #tpu.memory_space<hbm>>, %arg7: memref<16xf32, #tpu.memory_space<hbm>>, %arg8: memref<320000xf32, #tpu.memory_space<hbm>>, %arg9: memref<2x640x16xf32, #tpu.memory_space<hbm>>, %arg10: memref<400xi32, #tpu.memory_space<vmem>>, %arg11: memref<400xi32, #tpu.memory_space<vmem>>, %arg12: memref<400x128xf32, #tpu.memory_space<vmem>>, %arg13: memref<400x128xf32, #tpu.memory_space<vmem>>, %arg14: memref<400xf32, #tpu.memory_space<vmem>>, %arg15: memref<640x16xf32, #tpu.memory_space<vmem>>, %arg16: memref<128xf32, #tpu.memory_space<vmem>>, %arg17: memref<16xf32, #tpu.memory_space<vmem>>, %arg18: memref<5x128xi32, #tpu.memory_space<vmem>>, %arg19: memref<640x16xf32, #tpu.memory_space<vmem_shared>>, %arg20: memref<!tpu.dma_semaphore, #tpu.memory_space<semaphore_mem>>) attributes {dimension_semantics = [#tpu.dimension_semantics<core_parallel>, #tpu.dimension_semantics<subcore_parallel>], iteration_bounds = array<i64: 2, 16>, scalar_prefetch = 0 : i64, scratch_operands = 11 : i64, tpu.core_type = #tpu.core_type<sc_vector_subcore>, window_params = [{transform_indices = #map}, {transform_indices = #map}, {transform_indices = #map1}, {transform_indices = #map1}, {transform_indices = #map1}, {transform_indices = #map1}, {transform_indices = #map1}, {transform_indices = #map2}]} {
    %mul3A = arith.constant 2 : i32
    %mul3A_0 = arith.muli %arg1, %mul3A : i32
    %add3A = arith.addi %mul3A_0, %arg0 : i32
    "tpu.region"() ({
      %run_scoped3A = tpu.sem_alloc : memref<!tpu.dma_semaphore, #tpu.memory_space<semaphore_mem>>
      tpu.enqueue_dma source(%arg6 : memref<128xf32, #tpu.memory_space<hbm>>) target(%arg16 : memref<128xf32, #tpu.memory_space<vmem>>) target_semaphore(%run_scoped3A : memref<!tpu.dma_semaphore, #tpu.memory_space<semaphore_mem>>)
      tpu.wait_dma2 semaphore(%run_scoped3A : memref<!tpu.dma_semaphore, #tpu.memory_space<semaphore_mem>>) src(%arg6 : memref<128xf32, #tpu.memory_space<hbm>>) dst(%arg16 : memref<128xf32, #tpu.memory_space<vmem>>)
      tpu.yield
    }) : () -> ()
    "tpu.region"() ({
      %run_scoped3A = tpu.sem_alloc : memref<!tpu.dma_semaphore, #tpu.memory_space<semaphore_mem>>
      tpu.enqueue_dma source(%arg7 : memref<16xf32, #tpu.memory_space<hbm>>) target(%arg17 : memref<16xf32, #tpu.memory_space<vmem>>) target_semaphore(%run_scoped3A : memref<!tpu.dma_semaphore, #tpu.memory_space<semaphore_mem>>)
      tpu.wait_dma2 semaphore(%run_scoped3A : memref<!tpu.dma_semaphore, #tpu.memory_space<semaphore_mem>>) src(%arg7 : memref<16xf32, #tpu.memory_space<hbm>>) dst(%arg17 : memref<16xf32, #tpu.memory_space<vmem>>)
      tpu.yield
    }) : () -> ()
    %iota3A = tpu.iota {dimensions = array<i32: 0>} : vector<16xi32>
    %add3A_1 = arith.constant 0 : i32
    %add3A_2 = vector.broadcast %add3A_1 : i32 to vector<16xi32>
    %add3A_3 = arith.addi %iota3A, %add3A_2 : vector<16xi32>
    %swap3A = arith.constant 0 : i32
    %swap3A_4 = arith.index_cast %swap3A : i32 to index
    %swap3A_5 = arith.constant 0 : index
    %swap3A_6 = tpu.vector_load %arg18[%swap3A_4, %swap3A_5] {strides = array<i32>} : memref<5x128xi32, #tpu.memory_space<vmem>>, vector<16xi32>,
    tpu.vector_store %arg18[%swap3A_4, %swap3A_5], %add3A_3 {strides = array<i32>} : memref<5x128xi32, #tpu.memory_space<vmem>>, vector<16xi32>,
    %iota3A_7 = tpu.iota {dimensions = array<i32: 0>} : vector<16xi32>
    %add3A_8 = arith.constant 16 : i32
    %add3A_9 = vector.broadcast %add3A_8 : i32 to vector<16xi32>
    %add3A_10 = arith.addi %iota3A_7, %add3A_9 : vector<16xi32>
    %swap3A_11 = arith.constant 0 : i32
    %swap3A_12 = arith.index_cast %swap3A_11 : i32 to index
    %swap3A_13 = arith.constant 16 : index
    %swap3A_14 = tpu.vector_load %arg18[%swap3A_12, %swap3A_13] {strides = array<i32>} : memref<5x128xi32, #tpu.memory_space<vmem>>, vector<16xi32>,
    tpu.vector_store %arg18[%swap3A_12, %swap3A_13], %add3A_10 {strides = array<i32>} : memref<5x128xi32, #tpu.memory_space<vmem>>, vector<16xi32>,
    %iota3A_15 = tpu.iota {dimensions = array<i32: 0>} : vector<16xi32>
    %add3A_16 = arith.constant 32 : i32
    %add3A_17 = vector.broadcast %add3A_16 : i32 to vector<16xi32>
    %add3A_18 = arith.addi %iota3A_15, %add3A_17 : vector<16xi32>
    %swap3A_19 = arith.constant 0 : i32
    %swap3A_20 = arith.index_cast %swap3A_19 : i32 to index
    %swap3A_21 = arith.constant 32 : index
    %swap3A_22 = tpu.vector_load %arg18[%swap3A_20, %swap3A_21] {strides = array<i32>} : memref<5x128xi32, #tpu.memory_space<vmem>>, vector<16xi32>,
    tpu.vector_store %arg18[%swap3A_20, %swap3A_21], %add3A_18 {strides = array<i32>} : memref<5x128xi32, #tpu.memory_space<vmem>>, vector<16xi32>,
    %iota3A_23 = tpu.iota {dimensions = array<i32: 0>} : vector<16xi32>
    %add3A_24 = arith.constant 48 : i32
    %add3A_25 = vector.broadcast %add3A_24 : i32 to vector<16xi32>
    %add3A_26 = arith.addi %iota3A_23, %add3A_25 : vector<16xi32>
    %swap3A_27 = arith.constant 0 : i32
    %swap3A_28 = arith.index_cast %swap3A_27 : i32 to index
    %swap3A_29 = arith.constant 48 : index
    %swap3A_30 = tpu.vector_load %arg18[%swap3A_28, %swap3A_29] {strides = array<i32>} : memref<5x128xi32, #tpu.memory_space<vmem>>, vector<16xi32>,
    tpu.vector_store %arg18[%swap3A_28, %swap3A_29], %add3A_26 {strides = array<i32>} : memref<5x128xi32, #tpu.memory_space<vmem>>, vector<16xi32>,
    %iota3A_31 = tpu.iota {dimensions = array<i32: 0>} : vector<16xi32>
    %add3A_32 = arith.constant 64 : i32
    %add3A_33 = vector.broadcast %add3A_32 : i32 to vector<16xi32>
    %add3A_34 = arith.addi %iota3A_31, %add3A_33 : vector<16xi32>
    %swap3A_35 = arith.constant 0 : i32
    %swap3A_36 = arith.index_cast %swap3A_35 : i32 to index
    %swap3A_37 = arith.constant 64 : index
    %swap3A_38 = tpu.vector_load %arg18[%swap3A_36, %swap3A_37] {strides = array<i32>} : memref<5x128xi32, #tpu.memory_space<vmem>>, vector<16xi32>,
    tpu.vector_store %arg18[%swap3A_36, %swap3A_37], %add3A_34 {strides = array<i32>} : memref<5x128xi32, #tpu.memory_space<vmem>>, vector<16xi32>,
    %iota3A_39 = tpu.iota {dimensions = array<i32: 0>} : vector<16xi32>
    %add3A_40 = arith.constant 80 : i32
    %add3A_41 = vector.broadcast %add3A_40 : i32 to vector<16xi32>
    %add3A_42 = arith.addi %iota3A_39, %add3A_41 : vector<16xi32>
    %swap3A_43 = arith.constant 0 : i32
    %swap3A_44 = arith.index_cast %swap3A_43 : i32 to index
    %swap3A_45 = arith.constant 80 : index
    %swap3A_46 = tpu.vector_load %arg18[%swap3A_44, %swap3A_45] {strides = array<i32>} : memref<5x128xi32, #tpu.memory_space<vmem>>, vector<16xi32>,
    tpu.vector_store %arg18[%swap3A_44, %swap3A_45], %add3A_42 {strides = array<i32>} : memref<5x128xi32, #tpu.memory_space<vmem>>, vector<16xi32>,
    %iota3A_47 = tpu.iota {dimensions = array<i32: 0>} : vector<16xi32>
    %add3A_48 = arith.constant 96 : i32
    %add3A_49 = vector.broadcast %add3A_48 : i32 to vector<16xi32>
    %add3A_50 = arith.addi %iota3A_47, %add3A_49 : vector<16xi32>
    %swap3A_51 = arith.constant 0 : i32
    %swap3A_52 = arith.index_cast %swap3A_51 : i32 to index
    %swap3A_53 = arith.constant 96 : index
    %swap3A_54 = tpu.vector_load %arg18[%swap3A_52, %swap3A_53] {strides = array<i32>} : memref<5x128xi32, #tpu.memory_space<vmem>>, vector<16xi32>,
    tpu.vector_store %arg18[%swap3A_52, %swap3A_53], %add3A_50 {strides = array<i32>} : memref<5x128xi32, #tpu.memory_space<vmem>>, vector<16xi32>,
    %iota3A_55 = tpu.iota {dimensions = array<i32: 0>} : vector<16xi32>
    %add3A_56 = arith.constant 112 : i32
    %add3A_57 = vector.broadcast %add3A_56 : i32 to vector<16xi32>
    %add3A_58 = arith.addi %iota3A_55, %add3A_57 : vector<16xi32>
    %swap3A_59 = arith.constant 0 : i32
    %swap3A_60 = arith.index_cast %swap3A_59 : i32 to index
    %swap3A_61 = arith.constant 112 : index
    %swap3A_62 = tpu.vector_load %arg18[%swap3A_60, %swap3A_61] {strides = array<i32>} : memref<5x128xi32, #tpu.memory_space<vmem>>, vector<16xi32>,
    tpu.vector_store %arg18[%swap3A_60, %swap3A_61], %add3A_58 {strides = array<i32>} : memref<5x128xi32, #tpu.memory_space<vmem>>, vector<16xi32>,
    %iota3A_63 = tpu.iota {dimensions = array<i32: 0>} : vector<16xi32>
    %add3A_64 = arith.constant 128 : i32
    %add3A_65 = vector.broadcast %add3A_64 : i32 to vector<16xi32>
    %add3A_66 = arith.addi %iota3A_63, %add3A_65 : vector<16xi32>
    %swap3A_67 = arith.constant 1 : i32
    %swap3A_68 = arith.index_cast %swap3A_67 : i32 to index
    %swap3A_69 = arith.constant 0 : index
    %swap3A_70 = tpu.vector_load %arg18[%swap3A_68, %swap3A_69] {strides = array<i32>} : memref<5x128xi32, #tpu.memory_space<vmem>>, vector<16xi32>,
    tpu.vector_store %arg18[%swap3A_68, %swap3A_69], %add3A_66 {strides = array<i32>} : memref<5x128xi32, #tpu.memory_space<vmem>>, vector<16xi32>,
    %iota3A_71 = tpu.iota {dimensions = array<i32: 0>} : vector<16xi32>
    %add3A_72 = arith.constant 144 : i32
    %add3A_73 = vector.broadcast %add3A_72 : i32 to vector<16xi32>
    %add3A_74 = arith.addi %iota3A_71, %add3A_73 : vector<16xi32>
    %swap3A_75 = arith.constant 1 : i32
    %swap3A_76 = arith.index_cast %swap3A_75 : i32 to index
    %swap3A_77 = arith.constant 16 : index
    %swap3A_78 = tpu.vector_load %arg18[%swap3A_76, %swap3A_77] {strides = array<i32>} : memref<5x128xi32, #tpu.memory_space<vmem>>, vector<16xi32>,
    tpu.vector_store %arg18[%swap3A_76, %swap3A_77], %add3A_74 {strides = array<i32>} : memref<5x128xi32, #tpu.memory_space<vmem>>, vector<16xi32>,
    %iota3A_79 = tpu.iota {dimensions = array<i32: 0>} : vector<16xi32>
    %add3A_80 = arith.constant 160 : i32
    %add3A_81 = vector.broadcast %add3A_80 : i32 to vector<16xi32>
    %add3A_82 = arith.addi %iota3A_79, %add3A_81 : vector<16xi32>
    %swap3A_83 = arith.constant 1 : i32
    %swap3A_84 = arith.index_cast %swap3A_83 : i32 to index
    %swap3A_85 = arith.constant 32 : index
    %swap3A_86 = tpu.vector_load %arg18[%swap3A_84, %swap3A_85] {strides = array<i32>} : memref<5x128xi32, #tpu.memory_space<vmem>>, vector<16xi32>,
    tpu.vector_store %arg18[%swap3A_84, %swap3A_85], %add3A_82 {strides = array<i32>} : memref<5x128xi32, #tpu.memory_space<vmem>>, vector<16xi32>,
    %iota3A_87 = tpu.iota {dimensions = array<i32: 0>} : vector<16xi32>
    %add3A_88 = arith.constant 176 : i32
    %add3A_89 = vector.broadcast %add3A_88 : i32 to vector<16xi32>
    %add3A_90 = arith.addi %iota3A_87, %add3A_89 : vector<16xi32>
    %swap3A_91 = arith.constant 1 : i32
    %swap3A_92 = arith.index_cast %swap3A_91 : i32 to index
    %swap3A_93 = arith.constant 48 : index
    %swap3A_94 = tpu.vector_load %arg18[%swap3A_92, %swap3A_93] {strides = array<i32>} : memref<5x128xi32, #tpu.memory_space<vmem>>, vector<16xi32>,
    tpu.vector_store %arg18[%swap3A_92, %swap3A_93], %add3A_90 {strides = array<i32>} : memref<5x128xi32, #tpu.memory_space<vmem>>, vector<16xi32>,
    %iota3A_95 = tpu.iota {dimensions = array<i32: 0>} : vector<16xi32>
    %add3A_96 = arith.constant 192 : i32
    %add3A_97 = vector.broadcast %add3A_96 : i32 to vector<16xi32>
    %add3A_98 = arith.addi %iota3A_95, %add3A_97 : vector<16xi32>
    %swap3A_99 = arith.constant 1 : i32
    %swap3A_100 = arith.index_cast %swap3A_99 : i32 to index
    %swap3A_101 = arith.constant 64 : index
    %swap3A_102 = tpu.vector_load %arg18[%swap3A_100, %swap3A_101] {strides = array<i32>} : memref<5x128xi32, #tpu.memory_space<vmem>>, vector<16xi32>,
    tpu.vector_store %arg18[%swap3A_100, %swap3A_101], %add3A_98 {strides = array<i32>} : memref<5x128xi32, #tpu.memory_space<vmem>>, vector<16xi32>,
    %iota3A_103 = tpu.iota {dimensions = array<i32: 0>} : vector<16xi32>
    %add3A_104 = arith.constant 208 : i32
    %add3A_105 = vector.broadcast %add3A_104 : i32 to vector<16xi32>
    %add3A_106 = arith.addi %iota3A_103, %add3A_105 : vector<16xi32>
    %swap3A_107 = arith.constant 1 : i32
    %swap3A_108 = arith.index_cast %swap3A_107 : i32 to index
    %swap3A_109 = arith.constant 80 : index
    %swap3A_110 = tpu.vector_load %arg18[%swap3A_108, %swap3A_109] {strides = array<i32>} : memref<5x128xi32, #tpu.memory_space<vmem>>, vector<16xi32>,
    tpu.vector_store %arg18[%swap3A_108, %swap3A_109], %add3A_106 {strides = array<i32>} : memref<5x128xi32, #tpu.memory_space<vmem>>, vector<16xi32>,
    %iota3A_111 = tpu.iota {dimensions = array<i32: 0>} : vector<16xi32>
    %add3A_112 = arith.constant 224 : i32
    %add3A_113 = vector.broadcast %add3A_112 : i32 to vector<16xi32>
    %add3A_114 = arith.addi %iota3A_111, %add3A_113 : vector<16xi32>
    %swap3A_115 = arith.constant 1 : i32
    %swap3A_116 = arith.index_cast %swap3A_115 : i32 to index
    %swap3A_117 = arith.constant 96 : index
    %swap3A_118 = tpu.vector_load %arg18[%swap3A_116, %swap3A_117] {strides = array<i32>} : memref<5x128xi32, #tpu.memory_space<vmem>>, vector<16xi32>,
    tpu.vector_store %arg18[%swap3A_116, %swap3A_117], %add3A_114 {strides = array<i32>} : memref<5x128xi32, #tpu.memory_space<vmem>>, vector<16xi32>,
    %iota3A_119 = tpu.iota {dimensions = array<i32: 0>} : vector<16xi32>
    %add3A_120 = arith.constant 240 : i32
    %add3A_121 = vector.broadcast %add3A_120 : i32 to vector<16xi32>
    %add3A_122 = arith.addi %iota3A_119, %add3A_121 : vector<16xi32>
    %swap3A_123 = arith.constant 1 : i32
    %swap3A_124 = arith.index_cast %swap3A_123 : i32 to index
    %swap3A_125 = arith.constant 112 : index
    %swap3A_126 = tpu.vector_load %arg18[%swap3A_124, %swap3A_125] {strides = array<i32>} : memref<5x128xi32, #tpu.memory_space<vmem>>, vector<16xi32>,
    tpu.vector_store %arg18[%swap3A_124, %swap3A_125], %add3A_122 {strides = array<i32>} : memref<5x128xi32, #tpu.memory_space<vmem>>, vector<16xi32>,
    %iota3A_127 = tpu.iota {dimensions = array<i32: 0>} : vector<16xi32>
    %add3A_128 = arith.constant 256 : i32
    %add3A_129 = vector.broadcast %add3A_128 : i32 to vector<16xi32>
    %add3A_130 = arith.addi %iota3A_127, %add3A_129 : vector<16xi32>
    %swap3A_131 = arith.constant 2 : i32
    %swap3A_132 = arith.index_cast %swap3A_131 : i32 to index
    %swap3A_133 = arith.constant 0 : index
    %swap3A_134 = tpu.vector_load %arg18[%swap3A_132, %swap3A_133] {strides = array<i32>} : memref<5x128xi32, #tpu.memory_space<vmem>>, vector<16xi32>,
    tpu.vector_store %arg18[%swap3A_132, %swap3A_133], %add3A_130 {strides = array<i32>} : memref<5x128xi32, #tpu.memory_space<vmem>>, vector<16xi32>,
    %iota3A_135 = tpu.iota {dimensions = array<i32: 0>} : vector<16xi32>
    %add3A_136 = arith.constant 272 : i32
    %add3A_137 = vector.broadcast %add3A_136 : i32 to vector<16xi32>
    %add3A_138 = arith.addi %iota3A_135, %add3A_137 : vector<16xi32>
    %swap3A_139 = arith.constant 2 : i32
    %swap3A_140 = arith.index_cast %swap3A_139 : i32 to index
    %swap3A_141 = arith.constant 16 : index
    %swap3A_142 = tpu.vector_load %arg18[%swap3A_140, %swap3A_141] {strides = array<i32>} : memref<5x128xi32, #tpu.memory_space<vmem>>, vector<16xi32>,
    tpu.vector_store %arg18[%swap3A_140, %swap3A_141], %add3A_138 {strides = array<i32>} : memref<5x128xi32, #tpu.memory_space<vmem>>, vector<16xi32>,
    %iota3A_143 = tpu.iota {dimensions = array<i32: 0>} : vector<16xi32>
    %add3A_144 = arith.constant 288 : i32
    %add3A_145 = vector.broadcast %add3A_144 : i32 to vector<16xi32>
    %add3A_146 = arith.addi %iota3A_143, %add3A_145 : vector<16xi32>
    %swap3A_147 = arith.constant 2 : i32
    %swap3A_148 = arith.index_cast %swap3A_147 : i32 to index
    %swap3A_149 = arith.constant 32 : index
    %swap3A_150 = tpu.vector_load %arg18[%swap3A_148, %swap3A_149] {strides = array<i32>} : memref<5x128xi32, #tpu.memory_space<vmem>>, vector<16xi32>,
    tpu.vector_store %arg18[%swap3A_148, %swap3A_149], %add3A_146 {strides = array<i32>} : memref<5x128xi32, #tpu.memory_space<vmem>>, vector<16xi32>,
    %iota3A_151 = tpu.iota {dimensions = array<i32: 0>} : vector<16xi32>
    %add3A_152 = arith.constant 304 : i32
    %add3A_153 = vector.broadcast %add3A_152 : i32 to vector<16xi32>
    %add3A_154 = arith.addi %iota3A_151, %add3A_153 : vector<16xi32>
    %swap3A_155 = arith.constant 2 : i32
    %swap3A_156 = arith.index_cast %swap3A_155 : i32 to index
    %swap3A_157 = arith.constant 48 : index
    %swap3A_158 = tpu.vector_load %arg18[%swap3A_156, %swap3A_157] {strides = array<i32>} : memref<5x128xi32, #tpu.memory_space<vmem>>, vector<16xi32>,
    tpu.vector_store %arg18[%swap3A_156, %swap3A_157], %add3A_154 {strides = array<i32>} : memref<5x128xi32, #tpu.memory_space<vmem>>, vector<16xi32>,
    %iota3A_159 = tpu.iota {dimensions = array<i32: 0>} : vector<16xi32>
    %add3A_160 = arith.constant 320 : i32
    %add3A_161 = vector.broadcast %add3A_160 : i32 to vector<16xi32>
    %add3A_162 = arith.addi %iota3A_159, %add3A_161 : vector<16xi32>
    %swap3A_163 = arith.constant 2 : i32
    %swap3A_164 = arith.index_cast %swap3A_163 : i32 to index
    %swap3A_165 = arith.constant 64 : index
    %swap3A_166 = tpu.vector_load %arg18[%swap3A_164, %swap3A_165] {strides = array<i32>} : memref<5x128xi32, #tpu.memory_space<vmem>>, vector<16xi32>,
    tpu.vector_store %arg18[%swap3A_164, %swap3A_165], %add3A_162 {strides = array<i32>} : memref<5x128xi32, #tpu.memory_space<vmem>>, vector<16xi32>,
    %iota3A_167 = tpu.iota {dimensions = array<i32: 0>} : vector<16xi32>
    %add3A_168 = arith.constant 336 : i32
    %add3A_169 = vector.broadcast %add3A_168 : i32 to vector<16xi32>
    %add3A_170 = arith.addi %iota3A_167, %add3A_169 : vector<16xi32>
    %swap3A_171 = arith.constant 2 : i32
    %swap3A_172 = arith.index_cast %swap3A_171 : i32 to index
    %swap3A_173 = arith.constant 80 : index
    %swap3A_174 = tpu.vector_load %arg18[%swap3A_172, %swap3A_173] {strides = array<i32>} : memref<5x128xi32, #tpu.memory_space<vmem>>, vector<16xi32>,
    tpu.vector_store %arg18[%swap3A_172, %swap3A_173], %add3A_170 {strides = array<i32>} : memref<5x128xi32, #tpu.memory_space<vmem>>, vector<16xi32>,
    %iota3A_175 = tpu.iota {dimensions = array<i32: 0>} : vector<16xi32>
    %add3A_176 = arith.constant 352 : i32
    %add3A_177 = vector.broadcast %add3A_176 : i32 to vector<16xi32>
    %add3A_178 = arith.addi %iota3A_175, %add3A_177 : vector<16xi32>
    %swap3A_179 = arith.constant 2 : i32
    %swap3A_180 = arith.index_cast %swap3A_179 : i32 to index
    %swap3A_181 = arith.constant 96 : index
    %swap3A_182 = tpu.vector_load %arg18[%swap3A_180, %swap3A_181] {strides = array<i32>} : memref<5x128xi32, #tpu.memory_space<vmem>>, vector<16xi32>,
    tpu.vector_store %arg18[%swap3A_180, %swap3A_181], %add3A_178 {strides = array<i32>} : memref<5x128xi32, #tpu.memory_space<vmem>>, vector<16xi32>,
    %iota3A_183 = tpu.iota {dimensions = array<i32: 0>} : vector<16xi32>
    %add3A_184 = arith.constant 368 : i32
    %add3A_185 = vector.broadcast %add3A_184 : i32 to vector<16xi32>
    %add3A_186 = arith.addi %iota3A_183, %add3A_185 : vector<16xi32>
    %swap3A_187 = arith.constant 2 : i32
    %swap3A_188 = arith.index_cast %swap3A_187 : i32 to index
    %swap3A_189 = arith.constant 112 : index
    %swap3A_190 = tpu.vector_load %arg18[%swap3A_188, %swap3A_189] {strides = array<i32>} : memref<5x128xi32, #tpu.memory_space<vmem>>, vector<16xi32>,
    tpu.vector_store %arg18[%swap3A_188, %swap3A_189], %add3A_186 {strides = array<i32>} : memref<5x128xi32, #tpu.memory_space<vmem>>, vector<16xi32>,
    %iota3A_191 = tpu.iota {dimensions = array<i32: 0>} : vector<16xi32>
    %add3A_192 = arith.constant 384 : i32
    %add3A_193 = vector.broadcast %add3A_192 : i32 to vector<16xi32>
    %add3A_194 = arith.addi %iota3A_191, %add3A_193 : vector<16xi32>
    %swap3A_195 = arith.constant 3 : i32
    %swap3A_196 = arith.index_cast %swap3A_195 : i32 to index
    %swap3A_197 = arith.constant 0 : index
    %swap3A_198 = tpu.vector_load %arg18[%swap3A_196, %swap3A_197] {strides = array<i32>} : memref<5x128xi32, #tpu.memory_space<vmem>>, vector<16xi32>,
    tpu.vector_store %arg18[%swap3A_196, %swap3A_197], %add3A_194 {strides = array<i32>} : memref<5x128xi32, #tpu.memory_space<vmem>>, vector<16xi32>,
    %iota3A_199 = tpu.iota {dimensions = array<i32: 0>} : vector<16xi32>
    %add3A_200 = arith.constant 400 : i32
    %add3A_201 = vector.broadcast %add3A_200 : i32 to vector<16xi32>
    %add3A_202 = arith.addi %iota3A_199, %add3A_201 : vector<16xi32>
    %swap3A_203 = arith.constant 3 : i32
    %swap3A_204 = arith.index_cast %swap3A_203 : i32 to index
    %swap3A_205 = arith.constant 16 : index
    %swap3A_206 = tpu.vector_load %arg18[%swap3A_204, %swap3A_205] {strides = array<i32>} : memref<5x128xi32, #tpu.memory_space<vmem>>, vector<16xi32>,
    tpu.vector_store %arg18[%swap3A_204, %swap3A_205], %add3A_202 {strides = array<i32>} : memref<5x128xi32, #tpu.memory_space<vmem>>, vector<16xi32>,
    %iota3A_207 = tpu.iota {dimensions = array<i32: 0>} : vector<16xi32>
    %add3A_208 = arith.constant 416 : i32
    %add3A_209 = vector.broadcast %add3A_208 : i32 to vector<16xi32>
    %add3A_210 = arith.addi %iota3A_207, %add3A_209 : vector<16xi32>
    %swap3A_211 = arith.constant 3 : i32
    %swap3A_212 = arith.index_cast %swap3A_211 : i32 to index
    %swap3A_213 = arith.constant 32 : index
    %swap3A_214 = tpu.vector_load %arg18[%swap3A_212, %swap3A_213] {strides = array<i32>} : memref<5x128xi32, #tpu.memory_space<vmem>>, vector<16xi32>,
    tpu.vector_store %arg18[%swap3A_212, %swap3A_213], %add3A_210 {strides = array<i32>} : memref<5x128xi32, #tpu.memory_space<vmem>>, vector<16xi32>,
    %iota3A_215 = tpu.iota {dimensions = array<i32: 0>} : vector<16xi32>
    %add3A_216 = arith.constant 432 : i32
    %add3A_217 = vector.broadcast %add3A_216 : i32 to vector<16xi32>
    %add3A_218 = arith.addi %iota3A_215, %add3A_217 : vector<16xi32>
    %swap3A_219 = arith.constant 3 : i32
    %swap3A_220 = arith.index_cast %swap3A_219 : i32 to index
    %swap3A_221 = arith.constant 48 : index
    %swap3A_222 = tpu.vector_load %arg18[%swap3A_220, %swap3A_221] {strides = array<i32>} : memref<5x128xi32, #tpu.memory_space<vmem>>, vector<16xi32>,
    tpu.vector_store %arg18[%swap3A_220, %swap3A_221], %add3A_218 {strides = array<i32>} : memref<5x128xi32, #tpu.memory_space<vmem>>, vector<16xi32>,
    %iota3A_223 = tpu.iota {dimensions = array<i32: 0>} : vector<16xi32>
    %add3A_224 = arith.constant 448 : i32
    %add3A_225 = vector.broadcast %add3A_224 : i32 to vector<16xi32>
    %add3A_226 = arith.addi %iota3A_223, %add3A_225 : vector<16xi32>
    %swap3A_227 = arith.constant 3 : i32
    %swap3A_228 = arith.index_cast %swap3A_227 : i32 to index
    %swap3A_229 = arith.constant 64 : index
    %swap3A_230 = tpu.vector_load %arg18[%swap3A_228, %swap3A_229] {strides = array<i32>} : memref<5x128xi32, #tpu.memory_space<vmem>>, vector<16xi32>,
    tpu.vector_store %arg18[%swap3A_228, %swap3A_229], %add3A_226 {strides = array<i32>} : memref<5x128xi32, #tpu.memory_space<vmem>>, vector<16xi32>,
    %iota3A_231 = tpu.iota {dimensions = array<i32: 0>} : vector<16xi32>
    %add3A_232 = arith.constant 464 : i32
    %add3A_233 = vector.broadcast %add3A_232 : i32 to vector<16xi32>
    %add3A_234 = arith.addi %iota3A_231, %add3A_233 : vector<16xi32>
    %swap3A_235 = arith.constant 3 : i32
    %swap3A_236 = arith.index_cast %swap3A_235 : i32 to index
    %swap3A_237 = arith.constant 80 : index
    %swap3A_238 = tpu.vector_load %arg18[%swap3A_236, %swap3A_237] {strides = array<i32>} : memref<5x128xi32, #tpu.memory_space<vmem>>, vector<16xi32>,
    tpu.vector_store %arg18[%swap3A_236, %swap3A_237], %add3A_234 {strides = array<i32>} : memref<5x128xi32, #tpu.memory_space<vmem>>, vector<16xi32>,
    %iota3A_239 = tpu.iota {dimensions = array<i32: 0>} : vector<16xi32>
    %add3A_240 = arith.constant 480 : i32
    %add3A_241 = vector.broadcast %add3A_240 : i32 to vector<16xi32>
    %add3A_242 = arith.addi %iota3A_239, %add3A_241 : vector<16xi32>
    %swap3A_243 = arith.constant 3 : i32
    %swap3A_244 = arith.index_cast %swap3A_243 : i32 to index
    %swap3A_245 = arith.constant 96 : index
    %swap3A_246 = tpu.vector_load %arg18[%swap3A_244, %swap3A_245] {strides = array<i32>} : memref<5x128xi32, #tpu.memory_space<vmem>>, vector<16xi32>,
    tpu.vector_store %arg18[%swap3A_244, %swap3A_245], %add3A_242 {strides = array<i32>} : memref<5x128xi32, #tpu.memory_space<vmem>>, vector<16xi32>,
    %iota3A_247 = tpu.iota {dimensions = array<i32: 0>} : vector<16xi32>
    %add3A_248 = arith.constant 496 : i32
    %add3A_249 = vector.broadcast %add3A_248 : i32 to vector<16xi32>
    %add3A_250 = arith.addi %iota3A_247, %add3A_249 : vector<16xi32>
    %swap3A_251 = arith.constant 3 : i32
    %swap3A_252 = arith.index_cast %swap3A_251 : i32 to index
    %swap3A_253 = arith.constant 112 : index
    %swap3A_254 = tpu.vector_load %arg18[%swap3A_252, %swap3A_253] {strides = array<i32>} : memref<5x128xi32, #tpu.memory_space<vmem>>, vector<16xi32>,
    tpu.vector_store %arg18[%swap3A_252, %swap3A_253], %add3A_250 {strides = array<i32>} : memref<5x128xi32, #tpu.memory_space<vmem>>, vector<16xi32>,
    %iota3A_255 = tpu.iota {dimensions = array<i32: 0>} : vector<16xi32>
    %add3A_256 = arith.constant 512 : i32
    %add3A_257 = vector.broadcast %add3A_256 : i32 to vector<16xi32>
    %add3A_258 = arith.addi %iota3A_255, %add3A_257 : vector<16xi32>
    %swap3A_259 = arith.constant 4 : i32
    %swap3A_260 = arith.index_cast %swap3A_259 : i32 to index
    %swap3A_261 = arith.constant 0 : index
    %swap3A_262 = tpu.vector_load %arg18[%swap3A_260, %swap3A_261] {strides = array<i32>} : memref<5x128xi32, #tpu.memory_space<vmem>>, vector<16xi32>,
    tpu.vector_store %arg18[%swap3A_260, %swap3A_261], %add3A_258 {strides = array<i32>} : memref<5x128xi32, #tpu.memory_space<vmem>>, vector<16xi32>,
    %iota3A_263 = tpu.iota {dimensions = array<i32: 0>} : vector<16xi32>
    %add3A_264 = arith.constant 528 : i32
    %add3A_265 = vector.broadcast %add3A_264 : i32 to vector<16xi32>
    %add3A_266 = arith.addi %iota3A_263, %add3A_265 : vector<16xi32>
    %swap3A_267 = arith.constant 4 : i32
    %swap3A_268 = arith.index_cast %swap3A_267 : i32 to index
    %swap3A_269 = arith.constant 16 : index
    %swap3A_270 = tpu.vector_load %arg18[%swap3A_268, %swap3A_269] {strides = array<i32>} : memref<5x128xi32, #tpu.memory_space<vmem>>, vector<16xi32>,
    tpu.vector_store %arg18[%swap3A_268, %swap3A_269], %add3A_266 {strides = array<i32>} : memref<5x128xi32, #tpu.memory_space<vmem>>, vector<16xi32>,
    %iota3A_271 = tpu.iota {dimensions = array<i32: 0>} : vector<16xi32>
    %add3A_272 = arith.constant 544 : i32
    %add3A_273 = vector.broadcast %add3A_272 : i32 to vector<16xi32>
    %add3A_274 = arith.addi %iota3A_271, %add3A_273 : vector<16xi32>
    %swap3A_275 = arith.constant 4 : i32
    %swap3A_276 = arith.index_cast %swap3A_275 : i32 to index
    %swap3A_277 = arith.constant 32 : index
    %swap3A_278 = tpu.vector_load %arg18[%swap3A_276, %swap3A_277] {strides = array<i32>} : memref<5x128xi32, #tpu.memory_space<vmem>>, vector<16xi32>,
    tpu.vector_store %arg18[%swap3A_276, %swap3A_277], %add3A_274 {strides = array<i32>} : memref<5x128xi32, #tpu.memory_space<vmem>>, vector<16xi32>,
    %iota3A_279 = tpu.iota {dimensions = array<i32: 0>} : vector<16xi32>
    %add3A_280 = arith.constant 560 : i32
    %add3A_281 = vector.broadcast %add3A_280 : i32 to vector<16xi32>
    %add3A_282 = arith.addi %iota3A_279, %add3A_281 : vector<16xi32>
    %swap3A_283 = arith.constant 4 : i32
    %swap3A_284 = arith.index_cast %swap3A_283 : i32 to index
    %swap3A_285 = arith.constant 48 : index
    %swap3A_286 = tpu.vector_load %arg18[%swap3A_284, %swap3A_285] {strides = array<i32>} : memref<5x128xi32, #tpu.memory_space<vmem>>, vector<16xi32>,
    tpu.vector_store %arg18[%swap3A_284, %swap3A_285], %add3A_282 {strides = array<i32>} : memref<5x128xi32, #tpu.memory_space<vmem>>, vector<16xi32>,
    %iota3A_287 = tpu.iota {dimensions = array<i32: 0>} : vector<16xi32>
    %add3A_288 = arith.constant 576 : i32
    %add3A_289 = vector.broadcast %add3A_288 : i32 to vector<16xi32>
    %add3A_290 = arith.addi %iota3A_287, %add3A_289 : vector<16xi32>
    %swap3A_291 = arith.constant 4 : i32
    %swap3A_292 = arith.index_cast %swap3A_291 : i32 to index
    %swap3A_293 = arith.constant 64 : index
    %swap3A_294 = tpu.vector_load %arg18[%swap3A_292, %swap3A_293] {strides = array<i32>} : memref<5x128xi32, #tpu.memory_space<vmem>>, vector<16xi32>,
    tpu.vector_store %arg18[%swap3A_292, %swap3A_293], %add3A_290 {strides = array<i32>} : memref<5x128xi32, #tpu.memory_space<vmem>>, vector<16xi32>,
    %iota3A_295 = tpu.iota {dimensions = array<i32: 0>} : vector<16xi32>
    %add3A_296 = arith.constant 592 : i32
    %add3A_297 = vector.broadcast %add3A_296 : i32 to vector<16xi32>
    %add3A_298 = arith.addi %iota3A_295, %add3A_297 : vector<16xi32>
    %swap3A_299 = arith.constant 4 : i32
    %swap3A_300 = arith.index_cast %swap3A_299 : i32 to index
    %swap3A_301 = arith.constant 80 : index
    %swap3A_302 = tpu.vector_load %arg18[%swap3A_300, %swap3A_301] {strides = array<i32>} : memref<5x128xi32, #tpu.memory_space<vmem>>, vector<16xi32>,
    tpu.vector_store %arg18[%swap3A_300, %swap3A_301], %add3A_298 {strides = array<i32>} : memref<5x128xi32, #tpu.memory_space<vmem>>, vector<16xi32>,
    %iota3A_303 = tpu.iota {dimensions = array<i32: 0>} : vector<16xi32>
    %add3A_304 = arith.constant 608 : i32
    %add3A_305 = vector.broadcast %add3A_304 : i32 to vector<16xi32>
    %add3A_306 = arith.addi %iota3A_303, %add3A_305 : vector<16xi32>
    %swap3A_307 = arith.constant 4 : i32
    %swap3A_308 = arith.index_cast %swap3A_307 : i32 to index
    %swap3A_309 = arith.constant 96 : index
    %swap3A_310 = tpu.vector_load %arg18[%swap3A_308, %swap3A_309] {strides = array<i32>} : memref<5x128xi32, #tpu.memory_space<vmem>>, vector<16xi32>,
    tpu.vector_store %arg18[%swap3A_308, %swap3A_309], %add3A_306 {strides = array<i32>} : memref<5x128xi32, #tpu.memory_space<vmem>>, vector<16xi32>,
    %iota3A_311 = tpu.iota {dimensions = array<i32: 0>} : vector<16xi32>
    %add3A_312 = arith.constant 624 : i32
    %add3A_313 = vector.broadcast %add3A_312 : i32 to vector<16xi32>
    %add3A_314 = arith.addi %iota3A_311, %add3A_313 : vector<16xi32>
    %swap3A_315 = arith.constant 4 : i32
    %swap3A_316 = arith.index_cast %swap3A_315 : i32 to index
    %swap3A_317 = arith.constant 112 : index
    %swap3A_318 = tpu.vector_load %arg18[%swap3A_316, %swap3A_317] {strides = array<i32>} : memref<5x128xi32, #tpu.memory_space<vmem>>, vector<16xi32>,
    tpu.vector_store %arg18[%swap3A_316, %swap3A_317], %add3A_314 {strides = array<i32>} : memref<5x128xi32, #tpu.memory_space<vmem>>, vector<16xi32>,
    %scan3A = arith.constant 0 : i32
    %scan3A_319 = arith.constant 0 : i32
    %scan3A_320 = arith.constant 640 : i32
    %scan3A_321 = arith.addi %scan3A_319, %scan3A_320 : i32
    %scan3A_322 = arith.constant 1 : i32
    %scan3A_323 = scf.for %scan3A_359 = %scan3A_319 to %scan3A_321 step %scan3A_322 iter_args(%scan3A_360 = %scan3A) -> (i32)  : i32 {
      %broadcast_in_dim3A = arith.constant 0.000000e+00 : f32
      %broadcast_in_dim3A_361 = vector.broadcast %broadcast_in_dim3A : f32 to vector<16xf32>
      %swap3A_362 = arith.index_cast %scan3A_359 : i32 to index
      %swap3A_363 = arith.constant 0 : index
      %swap3A_364 = tpu.vector_load %arg15[%swap3A_362, %swap3A_363] {strides = array<i32>} : memref<640x16xf32, #tpu.memory_space<vmem>>, vector<16xf32>,
      tpu.vector_store %arg15[%swap3A_362, %swap3A_363], %broadcast_in_dim3A_361 {strides = array<i32>} : memref<640x16xf32, #tpu.memory_space<vmem>>, vector<16xf32>,
      %scan3A_365 = arith.constant 0 : i32
      scf.yield %scan3A_365 : i32
    }
    %scan3A_324 = arith.constant 640 : i32
    %get3A = arith.constant 0 : index
    %get3A_325 = tpu.vector_load %arg16[%get3A] {strides = array<i32>} : memref<128xf32, #tpu.memory_space<vmem>>, vector<16xf32>,
    %get3A_326 = arith.constant 16 : index
    %get3A_327 = tpu.vector_load %arg16[%get3A_326] {strides = array<i32>} : memref<128xf32, #tpu.memory_space<vmem>>, vector<16xf32>,
    %get3A_328 = arith.constant 32 : index
    %get3A_329 = tpu.vector_load %arg16[%get3A_328] {strides = array<i32>} : memref<128xf32, #tpu.memory_space<vmem>>, vector<16xf32>,
    %get3A_330 = arith.constant 48 : index
    %get3A_331 = tpu.vector_load %arg16[%get3A_330] {strides = array<i32>} : memref<128xf32, #tpu.memory_space<vmem>>, vector<16xf32>,
    %get3A_332 = arith.constant 64 : index
    %get3A_333 = tpu.vector_load %arg16[%get3A_332] {strides = array<i32>} : memref<128xf32, #tpu.memory_space<vmem>>, vector<16xf32>,
    %get3A_334 = arith.constant 80 : index
    %get3A_335 = tpu.vector_load %arg16[%get3A_334] {strides = array<i32>} : memref<128xf32, #tpu.memory_space<vmem>>, vector<16xf32>,
    %get3A_336 = arith.constant 96 : index
    %get3A_337 = tpu.vector_load %arg16[%get3A_336] {strides = array<i32>} : memref<128xf32, #tpu.memory_space<vmem>>, vector<16xf32>,
    %get3A_338 = arith.constant 112 : index
    %get3A_339 = tpu.vector_load %arg16[%get3A_338] {strides = array<i32>} : memref<128xf32, #tpu.memory_space<vmem>>, vector<16xf32>,
    %get3A_340 = arith.constant 0 : index
    %get3A_341 = tpu.vector_load %arg17[%get3A_340] {strides = array<i32>} : memref<16xf32, #tpu.memory_space<vmem>>, vector<16xf32>,
    %scan3A_342 = arith.constant 0 : i32
    %scan3A_343 = arith.constant 25 : i32
    %scan3A_344 = arith.addi %scan3A_342, %scan3A_343 : i32
    %scan3A_345 = arith.constant 1 : i32
    scf.for %scan3A_359 = %scan3A_342 to %scan3A_344 step %scan3A_345  : i32 {
      %mul3A_360 = arith.constant 10000 : i32
      %mul3A_361 = arith.muli %add3A, %mul3A_360 : i32
      %mul3A_362 = arith.constant 400 : i32
      %mul3A_363 = arith.muli %scan3A_359, %mul3A_362 : i32
      %add3A_364 = arith.addi %mul3A_361, %mul3A_363 : i32
      "tpu.region"() ({
        %run_scoped3A = tpu.sem_alloc : memref<!tpu.dma_semaphore, #tpu.memory_space<semaphore_mem>>
        %dma_start3A_875 = tpu.memref_slice %arg4[%add3A_364] : memref<320000xi32, #tpu.memory_space<hbm>> -> memref<400xi32, #tpu.memory_space<hbm>>
        %dma_start3A_876 = tpu.memref_slice %arg4[%add3A_364] : memref<320000xi32, #tpu.memory_space<hbm>> -> memref<400xi32, #tpu.memory_space<hbm>>
        tpu.enqueue_dma source(%dma_start3A_876 : memref<400xi32, #tpu.memory_space<hbm>>) target(%arg10 : memref<400xi32, #tpu.memory_space<vmem>>) target_semaphore(%run_scoped3A : memref<!tpu.dma_semaphore, #tpu.memory_space<semaphore_mem>>)
        %dma_wait3A_877 = tpu.memref_slice %arg4[%add3A_364] : memref<320000xi32, #tpu.memory_space<hbm>> -> memref<400xi32, #tpu.memory_space<hbm>>
        %dma_wait3A_878 = tpu.memref_slice %arg4[%add3A_364] : memref<320000xi32, #tpu.memory_space<hbm>> -> memref<400xi32, #tpu.memory_space<hbm>>
        tpu.wait_dma2 semaphore(%run_scoped3A : memref<!tpu.dma_semaphore, #tpu.memory_space<semaphore_mem>>) src(%dma_wait3A_878 : memref<400xi32, #tpu.memory_space<hbm>>) dst(%arg10 : memref<400xi32, #tpu.memory_space<vmem>>)
        tpu.yield
      }) : () -> ()
      "tpu.region"() ({
        %run_scoped3A = tpu.sem_alloc : memref<!tpu.dma_semaphore, #tpu.memory_space<semaphore_mem>>
        %dma_start3A_875 = tpu.memref_slice %arg5[%add3A_364] : memref<320000xi32, #tpu.memory_space<hbm>> -> memref<400xi32, #tpu.memory_space<hbm>>
        %dma_start3A_876 = tpu.memref_slice %arg5[%add3A_364] : memref<320000xi32, #tpu.memory_space<hbm>> -> memref<400xi32, #tpu.memory_space<hbm>>
        tpu.enqueue_dma source(%dma_start3A_876 : memref<400xi32, #tpu.memory_space<hbm>>) target(%arg11 : memref<400xi32, #tpu.memory_space<vmem>>) target_semaphore(%run_scoped3A : memref<!tpu.dma_semaphore, #tpu.memory_space<semaphore_mem>>)
        %dma_wait3A_877 = tpu.memref_slice %arg5[%add3A_364] : memref<320000xi32, #tpu.memory_space<hbm>> -> memref<400xi32, #tpu.memory_space<hbm>>
        %dma_wait3A_878 = tpu.memref_slice %arg5[%add3A_364] : memref<320000xi32, #tpu.memory_space<hbm>> -> memref<400xi32, #tpu.memory_space<hbm>>
        tpu.wait_dma2 semaphore(%run_scoped3A : memref<!tpu.dma_semaphore, #tpu.memory_space<semaphore_mem>>) src(%dma_wait3A_878 : memref<400xi32, #tpu.memory_space<hbm>>) dst(%arg11 : memref<400xi32, #tpu.memory_space<vmem>>)
        tpu.yield
      }) : () -> ()
      %dma_start3A = arith.constant 0 : i32
      %dma_start3A_365 = arith.constant 0 : i32
      %dma_start3A_366 = tpu.memref_slice %arg12[%dma_start3A, %dma_start3A_365] : memref<400x128xf32, #tpu.memory_space<vmem>> -> memref<80x128xf32, #tpu.memory_space<vmem>>
      %dma_start3A_367 = arith.constant 0 : i32
      %dma_start3A_368 = tpu.memref_slice %arg10[%dma_start3A_367] : memref<400xi32, #tpu.memory_space<vmem>> -> memref<80xi32, #tpu.memory_space<vmem>>
      %dma_start3A_369 = arith.constant 0 : i32
      %dma_start3A_370 = arith.constant 0 : i32
      %dma_start3A_371 = tpu.memref_slice %arg2[%dma_start3A_369, %dma_start3A_370] : memref<10000x128xf32, #tpu.memory_space<hbm>> -> memref<10000x128xf32, #tpu.memory_space<hbm>>
      tpu.enqueue_indirect_dma source(%dma_start3A_371 : memref<10000x128xf32, #tpu.memory_space<hbm>>) target(%dma_start3A_366 : memref<80x128xf32, #tpu.memory_space<vmem>>) offsets(%dma_start3A_368 : memref<80xi32, #tpu.memory_space<vmem>>) semaphore(%arg20 : memref<!tpu.dma_semaphore, #tpu.memory_space<semaphore_mem>>)
      %dma_start3A_372 = arith.constant 0 : i32
      %dma_start3A_373 = arith.constant 0 : i32
      %dma_start3A_374 = tpu.memref_slice %arg13[%dma_start3A_372, %dma_start3A_373] : memref<400x128xf32, #tpu.memory_space<vmem>> -> memref<80x128xf32, #tpu.memory_space<vmem>>
      %dma_start3A_375 = arith.constant 0 : i32
      %dma_start3A_376 = tpu.memref_slice %arg11[%dma_start3A_375] : memref<400xi32, #tpu.memory_space<vmem>> -> memref<80xi32, #tpu.memory_space<vmem>>
      %dma_start3A_377 = arith.constant 0 : i32
      %dma_start3A_378 = arith.constant 0 : i32
      %dma_start3A_379 = tpu.memref_slice %arg3[%dma_start3A_377, %dma_start3A_378] : memref<10000x128xf32, #tpu.memory_space<hbm>> -> memref<10000x128xf32, #tpu.memory_space<hbm>>
      tpu.enqueue_indirect_dma source(%dma_start3A_379 : memref<10000x128xf32, #tpu.memory_space<hbm>>) target(%dma_start3A_374 : memref<80x128xf32, #tpu.memory_space<vmem>>) offsets(%dma_start3A_376 : memref<80xi32, #tpu.memory_space<vmem>>) semaphore(%arg20 : memref<!tpu.dma_semaphore, #tpu.memory_space<semaphore_mem>>)
      %dma_start3A_380 = arith.constant 80 : i32
      %dma_start3A_381 = arith.constant 0 : i32
      %dma_start3A_382 = tpu.memref_slice %arg12[%dma_start3A_380, %dma_start3A_381] : memref<400x128xf32, #tpu.memory_space<vmem>> -> memref<80x128xf32, #tpu.memory_space<vmem>>
      %dma_start3A_383 = arith.constant 80 : i32
      %dma_start3A_384 = tpu.memref_slice %arg10[%dma_start3A_383] : memref<400xi32, #tpu.memory_space<vmem>> -> memref<80xi32, #tpu.memory_space<vmem>>
      %dma_start3A_385 = arith.constant 0 : i32
      %dma_start3A_386 = arith.constant 0 : i32
      %dma_start3A_387 = tpu.memref_slice %arg2[%dma_start3A_385, %dma_start3A_386] : memref<10000x128xf32, #tpu.memory_space<hbm>> -> memref<10000x128xf32, #tpu.memory_space<hbm>>
      tpu.enqueue_indirect_dma source(%dma_start3A_387 : memref<10000x128xf32, #tpu.memory_space<hbm>>) target(%dma_start3A_382 : memref<80x128xf32, #tpu.memory_space<vmem>>) offsets(%dma_start3A_384 : memref<80xi32, #tpu.memory_space<vmem>>) semaphore(%arg20 : memref<!tpu.dma_semaphore, #tpu.memory_space<semaphore_mem>>)
      %dma_start3A_388 = arith.constant 80 : i32
      %dma_start3A_389 = arith.constant 0 : i32
      %dma_start3A_390 = tpu.memref_slice %arg13[%dma_start3A_388, %dma_start3A_389] : memref<400x128xf32, #tpu.memory_space<vmem>> -> memref<80x128xf32, #tpu.memory_space<vmem>>
      %dma_start3A_391 = arith.constant 80 : i32
      %dma_start3A_392 = tpu.memref_slice %arg11[%dma_start3A_391] : memref<400xi32, #tpu.memory_space<vmem>> -> memref<80xi32, #tpu.memory_space<vmem>>
      %dma_start3A_393 = arith.constant 0 : i32
      %dma_start3A_394 = arith.constant 0 : i32
      %dma_start3A_395 = tpu.memref_slice %arg3[%dma_start3A_393, %dma_start3A_394] : memref<10000x128xf32, #tpu.memory_space<hbm>> -> memref<10000x128xf32, #tpu.memory_space<hbm>>
      tpu.enqueue_indirect_dma source(%dma_start3A_395 : memref<10000x128xf32, #tpu.memory_space<hbm>>) target(%dma_start3A_390 : memref<80x128xf32, #tpu.memory_space<vmem>>) offsets(%dma_start3A_392 : memref<80xi32, #tpu.memory_space<vmem>>) semaphore(%arg20 : memref<!tpu.dma_semaphore, #tpu.memory_space<semaphore_mem>>)
      %dma_start3A_396 = arith.constant 160 : i32
      %dma_start3A_397 = arith.constant 0 : i32
      %dma_start3A_398 = tpu.memref_slice %arg12[%dma_start3A_396, %dma_start3A_397] : memref<400x128xf32, #tpu.memory_space<vmem>> -> memref<80x128xf32, #tpu.memory_space<vmem>>
      %dma_start3A_399 = arith.constant 160 : i32
      %dma_start3A_400 = tpu.memref_slice %arg10[%dma_start3A_399] : memref<400xi32, #tpu.memory_space<vmem>> -> memref<80xi32, #tpu.memory_space<vmem>>
      %dma_start3A_401 = arith.constant 0 : i32
      %dma_start3A_402 = arith.constant 0 : i32
      %dma_start3A_403 = tpu.memref_slice %arg2[%dma_start3A_401, %dma_start3A_402] : memref<10000x128xf32, #tpu.memory_space<hbm>> -> memref<10000x128xf32, #tpu.memory_space<hbm>>
      tpu.enqueue_indirect_dma source(%dma_start3A_403 : memref<10000x128xf32, #tpu.memory_space<hbm>>) target(%dma_start3A_398 : memref<80x128xf32, #tpu.memory_space<vmem>>) offsets(%dma_start3A_400 : memref<80xi32, #tpu.memory_space<vmem>>) semaphore(%arg20 : memref<!tpu.dma_semaphore, #tpu.memory_space<semaphore_mem>>)
      %dma_start3A_404 = arith.constant 160 : i32
      %dma_start3A_405 = arith.constant 0 : i32
      %dma_start3A_406 = tpu.memref_slice %arg13[%dma_start3A_404, %dma_start3A_405] : memref<400x128xf32, #tpu.memory_space<vmem>> -> memref<80x128xf32, #tpu.memory_space<vmem>>
      %dma_start3A_407 = arith.constant 160 : i32
      %dma_start3A_408 = tpu.memref_slice %arg11[%dma_start3A_407] : memref<400xi32, #tpu.memory_space<vmem>> -> memref<80xi32, #tpu.memory_space<vmem>>
      %dma_start3A_409 = arith.constant 0 : i32
      %dma_start3A_410 = arith.constant 0 : i32
      %dma_start3A_411 = tpu.memref_slice %arg3[%dma_start3A_409, %dma_start3A_410] : memref<10000x128xf32, #tpu.memory_space<hbm>> -> memref<10000x128xf32, #tpu.memory_space<hbm>>
      tpu.enqueue_indirect_dma source(%dma_start3A_411 : memref<10000x128xf32, #tpu.memory_space<hbm>>) target(%dma_start3A_406 : memref<80x128xf32, #tpu.memory_space<vmem>>) offsets(%dma_start3A_408 : memref<80xi32, #tpu.memory_space<vmem>>) semaphore(%arg20 : memref<!tpu.dma_semaphore, #tpu.memory_space<semaphore_mem>>)
      %dma_start3A_412 = arith.constant 240 : i32
      %dma_start3A_413 = arith.constant 0 : i32
      %dma_start3A_414 = tpu.memref_slice %arg12[%dma_start3A_412, %dma_start3A_413] : memref<400x128xf32, #tpu.memory_space<vmem>> -> memref<80x128xf32, #tpu.memory_space<vmem>>
      %dma_start3A_415 = arith.constant 240 : i32
      %dma_start3A_416 = tpu.memref_slice %arg10[%dma_start3A_415] : memref<400xi32, #tpu.memory_space<vmem>> -> memref<80xi32, #tpu.memory_space<vmem>>
      %dma_start3A_417 = arith.constant 0 : i32
      %dma_start3A_418 = arith.constant 0 : i32
      %dma_start3A_419 = tpu.memref_slice %arg2[%dma_start3A_417, %dma_start3A_418] : memref<10000x128xf32, #tpu.memory_space<hbm>> -> memref<10000x128xf32, #tpu.memory_space<hbm>>
      tpu.enqueue_indirect_dma source(%dma_start3A_419 : memref<10000x128xf32, #tpu.memory_space<hbm>>) target(%dma_start3A_414 : memref<80x128xf32, #tpu.memory_space<vmem>>) offsets(%dma_start3A_416 : memref<80xi32, #tpu.memory_space<vmem>>) semaphore(%arg20 : memref<!tpu.dma_semaphore, #tpu.memory_space<semaphore_mem>>)
      %dma_start3A_420 = arith.constant 240 : i32
      %dma_start3A_421 = arith.constant 0 : i32
      %dma_start3A_422 = tpu.memref_slice %arg13[%dma_start3A_420, %dma_start3A_421] : memref<400x128xf32, #tpu.memory_space<vmem>> -> memref<80x128xf32, #tpu.memory_space<vmem>>
      %dma_start3A_423 = arith.constant 240 : i32
      %dma_start3A_424 = tpu.memref_slice %arg11[%dma_start3A_423] : memref<400xi32, #tpu.memory_space<vmem>> -> memref<80xi32, #tpu.memory_space<vmem>>
      %dma_start3A_425 = arith.constant 0 : i32
      %dma_start3A_426 = arith.constant 0 : i32
      %dma_start3A_427 = tpu.memref_slice %arg3[%dma_start3A_425, %dma_start3A_426] : memref<10000x128xf32, #tpu.memory_space<hbm>> -> memref<10000x128xf32, #tpu.memory_space<hbm>>
      tpu.enqueue_indirect_dma source(%dma_start3A_427 : memref<10000x128xf32, #tpu.memory_space<hbm>>) target(%dma_start3A_422 : memref<80x128xf32, #tpu.memory_space<vmem>>) offsets(%dma_start3A_424 : memref<80xi32, #tpu.memory_space<vmem>>) semaphore(%arg20 : memref<!tpu.dma_semaphore, #tpu.memory_space<semaphore_mem>>)
      %dma_start3A_428 = arith.constant 320 : i32
      %dma_start3A_429 = arith.constant 0 : i32
      %dma_start3A_430 = tpu.memref_slice %arg12[%dma_start3A_428, %dma_start3A_429] : memref<400x128xf32, #tpu.memory_space<vmem>> -> memref<80x128xf32, #tpu.memory_space<vmem>>
      %dma_start3A_431 = arith.constant 320 : i32
      %dma_start3A_432 = tpu.memref_slice %arg10[%dma_start3A_431] : memref<400xi32, #tpu.memory_space<vmem>> -> memref<80xi32, #tpu.memory_space<vmem>>
      %dma_start3A_433 = arith.constant 0 : i32
      %dma_start3A_434 = arith.constant 0 : i32
      %dma_start3A_435 = tpu.memref_slice %arg2[%dma_start3A_433, %dma_start3A_434] : memref<10000x128xf32, #tpu.memory_space<hbm>> -> memref<10000x128xf32, #tpu.memory_space<hbm>>
      tpu.enqueue_indirect_dma source(%dma_start3A_435 : memref<10000x128xf32, #tpu.memory_space<hbm>>) target(%dma_start3A_430 : memref<80x128xf32, #tpu.memory_space<vmem>>) offsets(%dma_start3A_432 : memref<80xi32, #tpu.memory_space<vmem>>) semaphore(%arg20 : memref<!tpu.dma_semaphore, #tpu.memory_space<semaphore_mem>>)
      %dma_start3A_436 = arith.constant 320 : i32
      %dma_start3A_437 = arith.constant 0 : i32
      %dma_start3A_438 = tpu.memref_slice %arg13[%dma_start3A_436, %dma_start3A_437] : memref<400x128xf32, #tpu.memory_space<vmem>> -> memref<80x128xf32, #tpu.memory_space<vmem>>
      %dma_start3A_439 = arith.constant 320 : i32
      %dma_start3A_440 = tpu.memref_slice %arg11[%dma_start3A_439] : memref<400xi32, #tpu.memory_space<vmem>> -> memref<80xi32, #tpu.memory_space<vmem>>
      %dma_start3A_441 = arith.constant 0 : i32
      %dma_start3A_442 = arith.constant 0 : i32
      %dma_start3A_443 = tpu.memref_slice %arg3[%dma_start3A_441, %dma_start3A_442] : memref<10000x128xf32, #tpu.memory_space<hbm>> -> memref<10000x128xf32, #tpu.memory_space<hbm>>
      tpu.enqueue_indirect_dma source(%dma_start3A_443 : memref<10000x128xf32, #tpu.memory_space<hbm>>) target(%dma_start3A_438 : memref<80x128xf32, #tpu.memory_space<vmem>>) offsets(%dma_start3A_440 : memref<80xi32, #tpu.memory_space<vmem>>) semaphore(%arg20 : memref<!tpu.dma_semaphore, #tpu.memory_space<semaphore_mem>>)
      %dma_wait3A = arith.constant 0 : i32
      %dma_wait3A_444 = arith.constant 0 : i32
      %dma_wait3A_445 = tpu.memref_slice %arg12[%dma_wait3A, %dma_wait3A_444] : memref<400x128xf32, #tpu.memory_space<vmem>> -> memref<80x128xf32, #tpu.memory_space<vmem>>
      %dma_wait3A_446 = arith.constant 0 : i32
      %dma_wait3A_447 = tpu.memref_slice %arg10[%dma_wait3A_446] : memref<400xi32, #tpu.memory_space<vmem>> -> memref<80xi32, #tpu.memory_space<vmem>>
      %dma_wait3A_448 = arith.constant 0 : i32
      %dma_wait3A_449 = arith.constant 0 : i32
      %dma_wait3A_450 = tpu.memref_slice %arg2[%dma_wait3A_448, %dma_wait3A_449] : memref<10000x128xf32, #tpu.memory_space<hbm>> -> memref<10000x128xf32, #tpu.memory_space<hbm>>
      tpu.wait_indirect_dma semaphore(%arg20 : memref<!tpu.dma_semaphore, #tpu.memory_space<semaphore_mem>>) src(%dma_wait3A_450 : memref<10000x128xf32, #tpu.memory_space<hbm>>) dst(%dma_wait3A_445 : memref<80x128xf32, #tpu.memory_space<vmem>>)
      %dma_wait3A_451 = arith.constant 0 : i32
      %dma_wait3A_452 = arith.constant 0 : i32
      %dma_wait3A_453 = tpu.memref_slice %arg13[%dma_wait3A_451, %dma_wait3A_452] : memref<400x128xf32, #tpu.memory_space<vmem>> -> memref<80x128xf32, #tpu.memory_space<vmem>>
      %dma_wait3A_454 = arith.constant 0 : i32
      %dma_wait3A_455 = tpu.memref_slice %arg11[%dma_wait3A_454] : memref<400xi32, #tpu.memory_space<vmem>> -> memref<80xi32, #tpu.memory_space<vmem>>
      %dma_wait3A_456 = arith.constant 0 : i32
      %dma_wait3A_457 = arith.constant 0 : i32
      %dma_wait3A_458 = tpu.memref_slice %arg3[%dma_wait3A_456, %dma_wait3A_457] : memref<10000x128xf32, #tpu.memory_space<hbm>> -> memref<10000x128xf32, #tpu.memory_space<hbm>>
      tpu.wait_indirect_dma semaphore(%arg20 : memref<!tpu.dma_semaphore, #tpu.memory_space<semaphore_mem>>) src(%dma_wait3A_458 : memref<10000x128xf32, #tpu.memory_space<hbm>>) dst(%dma_wait3A_453 : memref<80x128xf32, #tpu.memory_space<vmem>>)
      %dma_wait3A_459 = arith.constant 80 : i32
      %dma_wait3A_460 = arith.constant 0 : i32
      %dma_wait3A_461 = tpu.memref_slice %arg12[%dma_wait3A_459, %dma_wait3A_460] : memref<400x128xf32, #tpu.memory_space<vmem>> -> memref<80x128xf32, #tpu.memory_space<vmem>>
      %dma_wait3A_462 = arith.constant 80 : i32
      %dma_wait3A_463 = tpu.memref_slice %arg10[%dma_wait3A_462] : memref<400xi32, #tpu.memory_space<vmem>> -> memref<80xi32, #tpu.memory_space<vmem>>
      %dma_wait3A_464 = arith.constant 0 : i32
      %dma_wait3A_465 = arith.constant 0 : i32
      %dma_wait3A_466 = tpu.memref_slice %arg2[%dma_wait3A_464, %dma_wait3A_465] : memref<10000x128xf32, #tpu.memory_space<hbm>> -> memref<10000x128xf32, #tpu.memory_space<hbm>>
      tpu.wait_indirect_dma semaphore(%arg20 : memref<!tpu.dma_semaphore, #tpu.memory_space<semaphore_mem>>) src(%dma_wait3A_466 : memref<10000x128xf32, #tpu.memory_space<hbm>>) dst(%dma_wait3A_461 : memref<80x128xf32, #tpu.memory_space<vmem>>)
      %dma_wait3A_467 = arith.constant 80 : i32
      %dma_wait3A_468 = arith.constant 0 : i32
      %dma_wait3A_469 = tpu.memref_slice %arg13[%dma_wait3A_467, %dma_wait3A_468] : memref<400x128xf32, #tpu.memory_space<vmem>> -> memref<80x128xf32, #tpu.memory_space<vmem>>
      %dma_wait3A_470 = arith.constant 80 : i32
      %dma_wait3A_471 = tpu.memref_slice %arg11[%dma_wait3A_470] : memref<400xi32, #tpu.memory_space<vmem>> -> memref<80xi32, #tpu.memory_space<vmem>>
      %dma_wait3A_472 = arith.constant 0 : i32
      %dma_wait3A_473 = arith.constant 0 : i32
      %dma_wait3A_474 = tpu.memref_slice %arg3[%dma_wait3A_472, %dma_wait3A_473] : memref<10000x128xf32, #tpu.memory_space<hbm>> -> memref<10000x128xf32, #tpu.memory_space<hbm>>
      tpu.wait_indirect_dma semaphore(%arg20 : memref<!tpu.dma_semaphore, #tpu.memory_space<semaphore_mem>>) src(%dma_wait3A_474 : memref<10000x128xf32, #tpu.memory_space<hbm>>) dst(%dma_wait3A_469 : memref<80x128xf32, #tpu.memory_space<vmem>>)
      %dma_wait3A_475 = arith.constant 160 : i32
      %dma_wait3A_476 = arith.constant 0 : i32
      %dma_wait3A_477 = tpu.memref_slice %arg12[%dma_wait3A_475, %dma_wait3A_476] : memref<400x128xf32, #tpu.memory_space<vmem>> -> memref<80x128xf32, #tpu.memory_space<vmem>>
      %dma_wait3A_478 = arith.constant 160 : i32
      %dma_wait3A_479 = tpu.memref_slice %arg10[%dma_wait3A_478] : memref<400xi32, #tpu.memory_space<vmem>> -> memref<80xi32, #tpu.memory_space<vmem>>
      %dma_wait3A_480 = arith.constant 0 : i32
      %dma_wait3A_481 = arith.constant 0 : i32
      %dma_wait3A_482 = tpu.memref_slice %arg2[%dma_wait3A_480, %dma_wait3A_481] : memref<10000x128xf32, #tpu.memory_space<hbm>> -> memref<10000x128xf32, #tpu.memory_space<hbm>>
      tpu.wait_indirect_dma semaphore(%arg20 : memref<!tpu.dma_semaphore, #tpu.memory_space<semaphore_mem>>) src(%dma_wait3A_482 : memref<10000x128xf32, #tpu.memory_space<hbm>>) dst(%dma_wait3A_477 : memref<80x128xf32, #tpu.memory_space<vmem>>)
      %dma_wait3A_483 = arith.constant 160 : i32
      %dma_wait3A_484 = arith.constant 0 : i32
      %dma_wait3A_485 = tpu.memref_slice %arg13[%dma_wait3A_483, %dma_wait3A_484] : memref<400x128xf32, #tpu.memory_space<vmem>> -> memref<80x128xf32, #tpu.memory_space<vmem>>
      %dma_wait3A_486 = arith.constant 160 : i32
      %dma_wait3A_487 = tpu.memref_slice %arg11[%dma_wait3A_486] : memref<400xi32, #tpu.memory_space<vmem>> -> memref<80xi32, #tpu.memory_space<vmem>>
      %dma_wait3A_488 = arith.constant 0 : i32
      %dma_wait3A_489 = arith.constant 0 : i32
      %dma_wait3A_490 = tpu.memref_slice %arg3[%dma_wait3A_488, %dma_wait3A_489] : memref<10000x128xf32, #tpu.memory_space<hbm>> -> memref<10000x128xf32, #tpu.memory_space<hbm>>
      tpu.wait_indirect_dma semaphore(%arg20 : memref<!tpu.dma_semaphore, #tpu.memory_space<semaphore_mem>>) src(%dma_wait3A_490 : memref<10000x128xf32, #tpu.memory_space<hbm>>) dst(%dma_wait3A_485 : memref<80x128xf32, #tpu.memory_space<vmem>>)
      %dma_wait3A_491 = arith.constant 240 : i32
      %dma_wait3A_492 = arith.constant 0 : i32
      %dma_wait3A_493 = tpu.memref_slice %arg12[%dma_wait3A_491, %dma_wait3A_492] : memref<400x128xf32, #tpu.memory_space<vmem>> -> memref<80x128xf32, #tpu.memory_space<vmem>>
      %dma_wait3A_494 = arith.constant 240 : i32
      %dma_wait3A_495 = tpu.memref_slice %arg10[%dma_wait3A_494] : memref<400xi32, #tpu.memory_space<vmem>> -> memref<80xi32, #tpu.memory_space<vmem>>
      %dma_wait3A_496 = arith.constant 0 : i32
      %dma_wait3A_497 = arith.constant 0 : i32
      %dma_wait3A_498 = tpu.memref_slice %arg2[%dma_wait3A_496, %dma_wait3A_497] : memref<10000x128xf32, #tpu.memory_space<hbm>> -> memref<10000x128xf32, #tpu.memory_space<hbm>>
      tpu.wait_indirect_dma semaphore(%arg20 : memref<!tpu.dma_semaphore, #tpu.memory_space<semaphore_mem>>) src(%dma_wait3A_498 : memref<10000x128xf32, #tpu.memory_space<hbm>>) dst(%dma_wait3A_493 : memref<80x128xf32, #tpu.memory_space<vmem>>)
      %dma_wait3A_499 = arith.constant 240 : i32
      %dma_wait3A_500 = arith.constant 0 : i32
      %dma_wait3A_501 = tpu.memref_slice %arg13[%dma_wait3A_499, %dma_wait3A_500] : memref<400x128xf32, #tpu.memory_space<vmem>> -> memref<80x128xf32, #tpu.memory_space<vmem>>
      %dma_wait3A_502 = arith.constant 240 : i32
      %dma_wait3A_503 = tpu.memref_slice %arg11[%dma_wait3A_502] : memref<400xi32, #tpu.memory_space<vmem>> -> memref<80xi32, #tpu.memory_space<vmem>>
      %dma_wait3A_504 = arith.constant 0 : i32
      %dma_wait3A_505 = arith.constant 0 : i32
      %dma_wait3A_506 = tpu.memref_slice %arg3[%dma_wait3A_504, %dma_wait3A_505] : memref<10000x128xf32, #tpu.memory_space<hbm>> -> memref<10000x128xf32, #tpu.memory_space<hbm>>
      tpu.wait_indirect_dma semaphore(%arg20 : memref<!tpu.dma_semaphore, #tpu.memory_space<semaphore_mem>>) src(%dma_wait3A_506 : memref<10000x128xf32, #tpu.memory_space<hbm>>) dst(%dma_wait3A_501 : memref<80x128xf32, #tpu.memory_space<vmem>>)
      %dma_wait3A_507 = arith.constant 320 : i32
      %dma_wait3A_508 = arith.constant 0 : i32
      %dma_wait3A_509 = tpu.memref_slice %arg12[%dma_wait3A_507, %dma_wait3A_508] : memref<400x128xf32, #tpu.memory_space<vmem>> -> memref<80x128xf32, #tpu.memory_space<vmem>>
      %dma_wait3A_510 = arith.constant 320 : i32
      %dma_wait3A_511 = tpu.memref_slice %arg10[%dma_wait3A_510] : memref<400xi32, #tpu.memory_space<vmem>> -> memref<80xi32, #tpu.memory_space<vmem>>
      %dma_wait3A_512 = arith.constant 0 : i32
      %dma_wait3A_513 = arith.constant 0 : i32
      %dma_wait3A_514 = tpu.memref_slice %arg2[%dma_wait3A_512, %dma_wait3A_513] : memref<10000x128xf32, #tpu.memory_space<hbm>> -> memref<10000x128xf32, #tpu.memory_space<hbm>>
      tpu.wait_indirect_dma semaphore(%arg20 : memref<!tpu.dma_semaphore, #tpu.memory_space<semaphore_mem>>) src(%dma_wait3A_514 : memref<10000x128xf32, #tpu.memory_space<hbm>>) dst(%dma_wait3A_509 : memref<80x128xf32, #tpu.memory_space<vmem>>)
      %dma_wait3A_515 = arith.constant 320 : i32
      %dma_wait3A_516 = arith.constant 0 : i32
      %dma_wait3A_517 = tpu.memref_slice %arg13[%dma_wait3A_515, %dma_wait3A_516] : memref<400x128xf32, #tpu.memory_space<vmem>> -> memref<80x128xf32, #tpu.memory_space<vmem>>
      %dma_wait3A_518 = arith.constant 320 : i32
      %dma_wait3A_519 = tpu.memref_slice %arg11[%dma_wait3A_518] : memref<400xi32, #tpu.memory_space<vmem>> -> memref<80xi32, #tpu.memory_space<vmem>>
      %dma_wait3A_520 = arith.constant 0 : i32
      %dma_wait3A_521 = arith.constant 0 : i32
      %dma_wait3A_522 = tpu.memref_slice %arg3[%dma_wait3A_520, %dma_wait3A_521] : memref<10000x128xf32, #tpu.memory_space<hbm>> -> memref<10000x128xf32, #tpu.memory_space<hbm>>
      tpu.wait_indirect_dma semaphore(%arg20 : memref<!tpu.dma_semaphore, #tpu.memory_space<semaphore_mem>>) src(%dma_wait3A_522 : memref<10000x128xf32, #tpu.memory_space<hbm>>) dst(%dma_wait3A_517 : memref<80x128xf32, #tpu.memory_space<vmem>>)
      %broadcast_in_dim3A = arith.constant 0.000000e+00 : f32
      %broadcast_in_dim3A_523 = vector.broadcast %broadcast_in_dim3A : f32 to vector<16xf32>
      %swap3A_524 = arith.constant 0 : index
      %swap3A_525 = tpu.vector_load %arg14[%swap3A_524] {strides = array<i32>} : memref<400xf32, #tpu.memory_space<vmem>>, vector<16xf32>,
      tpu.vector_store %arg14[%swap3A_524], %broadcast_in_dim3A_523 {strides = array<i32>} : memref<400xf32, #tpu.memory_space<vmem>>, vector<16xf32>,
      %broadcast_in_dim3A_526 = arith.constant 0.000000e+00 : f32
      %broadcast_in_dim3A_527 = vector.broadcast %broadcast_in_dim3A_526 : f32 to vector<16xf32>
      %swap3A_528 = arith.constant 16 : index
      %swap3A_529 = tpu.vector_load %arg14[%swap3A_528] {strides = array<i32>} : memref<400xf32, #tpu.memory_space<vmem>>, vector<16xf32>,
      tpu.vector_store %arg14[%swap3A_528], %broadcast_in_dim3A_527 {strides = array<i32>} : memref<400xf32, #tpu.memory_space<vmem>>, vector<16xf32>,
      %broadcast_in_dim3A_530 = arith.constant 0.000000e+00 : f32
      %broadcast_in_dim3A_531 = vector.broadcast %broadcast_in_dim3A_530 : f32 to vector<16xf32>
      %swap3A_532 = arith.constant 32 : index
      %swap3A_533 = tpu.vector_load %arg14[%swap3A_532] {strides = array<i32>} : memref<400xf32, #tpu.memory_space<vmem>>, vector<16xf32>,
      tpu.vector_store %arg14[%swap3A_532], %broadcast_in_dim3A_531 {strides = array<i32>} : memref<400xf32, #tpu.memory_space<vmem>>, vector<16xf32>,
      %broadcast_in_dim3A_534 = arith.constant 0.000000e+00 : f32
      %broadcast_in_dim3A_535 = vector.broadcast %broadcast_in_dim3A_534 : f32 to vector<16xf32>
      %swap3A_536 = arith.constant 48 : index
      %swap3A_537 = tpu.vector_load %arg14[%swap3A_536] {strides = array<i32>} : memref<400xf32, #tpu.memory_space<vmem>>, vector<16xf32>,
      tpu.vector_store %arg14[%swap3A_536], %broadcast_in_dim3A_535 {strides = array<i32>} : memref<400xf32, #tpu.memory_space<vmem>>, vector<16xf32>,
      %broadcast_in_dim3A_538 = arith.constant 0.000000e+00 : f32
      %broadcast_in_dim3A_539 = vector.broadcast %broadcast_in_dim3A_538 : f32 to vector<16xf32>
      %swap3A_540 = arith.constant 64 : index
      %swap3A_541 = tpu.vector_load %arg14[%swap3A_540] {strides = array<i32>} : memref<400xf32, #tpu.memory_space<vmem>>, vector<16xf32>,
      tpu.vector_store %arg14[%swap3A_540], %broadcast_in_dim3A_539 {strides = array<i32>} : memref<400xf32, #tpu.memory_space<vmem>>, vector<16xf32>,
      %broadcast_in_dim3A_542 = arith.constant 0.000000e+00 : f32
      %broadcast_in_dim3A_543 = vector.broadcast %broadcast_in_dim3A_542 : f32 to vector<16xf32>
      %swap3A_544 = arith.constant 80 : index
      %swap3A_545 = tpu.vector_load %arg14[%swap3A_544] {strides = array<i32>} : memref<400xf32, #tpu.memory_space<vmem>>, vector<16xf32>,
      tpu.vector_store %arg14[%swap3A_544], %broadcast_in_dim3A_543 {strides = array<i32>} : memref<400xf32, #tpu.memory_space<vmem>>, vector<16xf32>,
      %broadcast_in_dim3A_546 = arith.constant 0.000000e+00 : f32
      %broadcast_in_dim3A_547 = vector.broadcast %broadcast_in_dim3A_546 : f32 to vector<16xf32>
      %swap3A_548 = arith.constant 96 : index
      %swap3A_549 = tpu.vector_load %arg14[%swap3A_548] {strides = array<i32>} : memref<400xf32, #tpu.memory_space<vmem>>, vector<16xf32>,
      tpu.vector_store %arg14[%swap3A_548], %broadcast_in_dim3A_547 {strides = array<i32>} : memref<400xf32, #tpu.memory_space<vmem>>, vector<16xf32>,
      %broadcast_in_dim3A_550 = arith.constant 0.000000e+00 : f32
      %broadcast_in_dim3A_551 = vector.broadcast %broadcast_in_dim3A_550 : f32 to vector<16xf32>
      %swap3A_552 = arith.constant 112 : index
      %swap3A_553 = tpu.vector_load %arg14[%swap3A_552] {strides = array<i32>} : memref<400xf32, #tpu.memory_space<vmem>>, vector<16xf32>,
      tpu.vector_store %arg14[%swap3A_552], %broadcast_in_dim3A_551 {strides = array<i32>} : memref<400xf32, #tpu.memory_space<vmem>>, vector<16xf32>,
      %broadcast_in_dim3A_554 = arith.constant 0.000000e+00 : f32
      %broadcast_in_dim3A_555 = vector.broadcast %broadcast_in_dim3A_554 : f32 to vector<16xf32>
      %swap3A_556 = arith.constant 128 : index
      %swap3A_557 = tpu.vector_load %arg14[%swap3A_556] {strides = array<i32>} : memref<400xf32, #tpu.memory_space<vmem>>, vector<16xf32>,
      tpu.vector_store %arg14[%swap3A_556], %broadcast_in_dim3A_555 {strides = array<i32>} : memref<400xf32, #tpu.memory_space<vmem>>, vector<16xf32>,
      %broadcast_in_dim3A_558 = arith.constant 0.000000e+00 : f32
      %broadcast_in_dim3A_559 = vector.broadcast %broadcast_in_dim3A_558 : f32 to vector<16xf32>
      %swap3A_560 = arith.constant 144 : index
      %swap3A_561 = tpu.vector_load %arg14[%swap3A_560] {strides = array<i32>} : memref<400xf32, #tpu.memory_space<vmem>>, vector<16xf32>,
      tpu.vector_store %arg14[%swap3A_560], %broadcast_in_dim3A_559 {strides = array<i32>} : memref<400xf32, #tpu.memory_space<vmem>>, vector<16xf32>,
      %broadcast_in_dim3A_562 = arith.constant 0.000000e+00 : f32
      %broadcast_in_dim3A_563 = vector.broadcast %broadcast_in_dim3A_562 : f32 to vector<16xf32>
      %swap3A_564 = arith.constant 160 : index
      %swap3A_565 = tpu.vector_load %arg14[%swap3A_564] {strides = array<i32>} : memref<400xf32, #tpu.memory_space<vmem>>, vector<16xf32>,
      tpu.vector_store %arg14[%swap3A_564], %broadcast_in_dim3A_563 {strides = array<i32>} : memref<400xf32, #tpu.memory_space<vmem>>, vector<16xf32>,
      %broadcast_in_dim3A_566 = arith.constant 0.000000e+00 : f32
      %broadcast_in_dim3A_567 = vector.broadcast %broadcast_in_dim3A_566 : f32 to vector<16xf32>
      %swap3A_568 = arith.constant 176 : index
      %swap3A_569 = tpu.vector_load %arg14[%swap3A_568] {strides = array<i32>} : memref<400xf32, #tpu.memory_space<vmem>>, vector<16xf32>,
      tpu.vector_store %arg14[%swap3A_568], %broadcast_in_dim3A_567 {strides = array<i32>} : memref<400xf32, #tpu.memory_space<vmem>>, vector<16xf32>,
      %broadcast_in_dim3A_570 = arith.constant 0.000000e+00 : f32
      %broadcast_in_dim3A_571 = vector.broadcast %broadcast_in_dim3A_570 : f32 to vector<16xf32>
      %swap3A_572 = arith.constant 192 : index
      %swap3A_573 = tpu.vector_load %arg14[%swap3A_572] {strides = array<i32>} : memref<400xf32, #tpu.memory_space<vmem>>, vector<16xf32>,
      tpu.vector_store %arg14[%swap3A_572], %broadcast_in_dim3A_571 {strides = array<i32>} : memref<400xf32, #tpu.memory_space<vmem>>, vector<16xf32>,
      %broadcast_in_dim3A_574 = arith.constant 0.000000e+00 : f32
      %broadcast_in_dim3A_575 = vector.broadcast %broadcast_in_dim3A_574 : f32 to vector<16xf32>
      %swap3A_576 = arith.constant 208 : index
      %swap3A_577 = tpu.vector_load %arg14[%swap3A_576] {strides = array<i32>} : memref<400xf32, #tpu.memory_space<vmem>>, vector<16xf32>,
      tpu.vector_store %arg14[%swap3A_576], %broadcast_in_dim3A_575 {strides = array<i32>} : memref<400xf32, #tpu.memory_space<vmem>>, vector<16xf32>,
      %broadcast_in_dim3A_578 = arith.constant 0.000000e+00 : f32
      %broadcast_in_dim3A_579 = vector.broadcast %broadcast_in_dim3A_578 : f32 to vector<16xf32>
      %swap3A_580 = arith.constant 224 : index
      %swap3A_581 = tpu.vector_load %arg14[%swap3A_580] {strides = array<i32>} : memref<400xf32, #tpu.memory_space<vmem>>, vector<16xf32>,
      tpu.vector_store %arg14[%swap3A_580], %broadcast_in_dim3A_579 {strides = array<i32>} : memref<400xf32, #tpu.memory_space<vmem>>, vector<16xf32>,
      %broadcast_in_dim3A_582 = arith.constant 0.000000e+00 : f32
      %broadcast_in_dim3A_583 = vector.broadcast %broadcast_in_dim3A_582 : f32 to vector<16xf32>
      %swap3A_584 = arith.constant 240 : index
      %swap3A_585 = tpu.vector_load %arg14[%swap3A_584] {strides = array<i32>} : memref<400xf32, #tpu.memory_space<vmem>>, vector<16xf32>,
      tpu.vector_store %arg14[%swap3A_584], %broadcast_in_dim3A_583 {strides = array<i32>} : memref<400xf32, #tpu.memory_space<vmem>>, vector<16xf32>,
      %broadcast_in_dim3A_586 = arith.constant 0.000000e+00 : f32
      %broadcast_in_dim3A_587 = vector.broadcast %broadcast_in_dim3A_586 : f32 to vector<16xf32>
      %swap3A_588 = arith.constant 256 : index
      %swap3A_589 = tpu.vector_load %arg14[%swap3A_588] {strides = array<i32>} : memref<400xf32, #tpu.memory_space<vmem>>, vector<16xf32>,
      tpu.vector_store %arg14[%swap3A_588], %broadcast_in_dim3A_587 {strides = array<i32>} : memref<400xf32, #tpu.memory_space<vmem>>, vector<16xf32>,
      %broadcast_in_dim3A_590 = arith.constant 0.000000e+00 : f32
      %broadcast_in_dim3A_591 = vector.broadcast %broadcast_in_dim3A_590 : f32 to vector<16xf32>
      %swap3A_592 = arith.constant 272 : index
      %swap3A_593 = tpu.vector_load %arg14[%swap3A_592] {strides = array<i32>} : memref<400xf32, #tpu.memory_space<vmem>>, vector<16xf32>,
      tpu.vector_store %arg14[%swap3A_592], %broadcast_in_dim3A_591 {strides = array<i32>} : memref<400xf32, #tpu.memory_space<vmem>>, vector<16xf32>,
      %broadcast_in_dim3A_594 = arith.constant 0.000000e+00 : f32
      %broadcast_in_dim3A_595 = vector.broadcast %broadcast_in_dim3A_594 : f32 to vector<16xf32>
      %swap3A_596 = arith.constant 288 : index
      %swap3A_597 = tpu.vector_load %arg14[%swap3A_596] {strides = array<i32>} : memref<400xf32, #tpu.memory_space<vmem>>, vector<16xf32>,
      tpu.vector_store %arg14[%swap3A_596], %broadcast_in_dim3A_595 {strides = array<i32>} : memref<400xf32, #tpu.memory_space<vmem>>, vector<16xf32>,
      %broadcast_in_dim3A_598 = arith.constant 0.000000e+00 : f32
      %broadcast_in_dim3A_599 = vector.broadcast %broadcast_in_dim3A_598 : f32 to vector<16xf32>
      %swap3A_600 = arith.constant 304 : index
      %swap3A_601 = tpu.vector_load %arg14[%swap3A_600] {strides = array<i32>} : memref<400xf32, #tpu.memory_space<vmem>>, vector<16xf32>,
      tpu.vector_store %arg14[%swap3A_600], %broadcast_in_dim3A_599 {strides = array<i32>} : memref<400xf32, #tpu.memory_space<vmem>>, vector<16xf32>,
      %broadcast_in_dim3A_602 = arith.constant 0.000000e+00 : f32
      %broadcast_in_dim3A_603 = vector.broadcast %broadcast_in_dim3A_602 : f32 to vector<16xf32>
      %swap3A_604 = arith.constant 320 : index
      %swap3A_605 = tpu.vector_load %arg14[%swap3A_604] {strides = array<i32>} : memref<400xf32, #tpu.memory_space<vmem>>, vector<16xf32>,
      tpu.vector_store %arg14[%swap3A_604], %broadcast_in_dim3A_603 {strides = array<i32>} : memref<400xf32, #tpu.memory_space<vmem>>, vector<16xf32>,
      %broadcast_in_dim3A_606 = arith.constant 0.000000e+00 : f32
      %broadcast_in_dim3A_607 = vector.broadcast %broadcast_in_dim3A_606 : f32 to vector<16xf32>
      %swap3A_608 = arith.constant 336 : index
      %swap3A_609 = tpu.vector_load %arg14[%swap3A_608] {strides = array<i32>} : memref<400xf32, #tpu.memory_space<vmem>>, vector<16xf32>,
      tpu.vector_store %arg14[%swap3A_608], %broadcast_in_dim3A_607 {strides = array<i32>} : memref<400xf32, #tpu.memory_space<vmem>>, vector<16xf32>,
      %broadcast_in_dim3A_610 = arith.constant 0.000000e+00 : f32
      %broadcast_in_dim3A_611 = vector.broadcast %broadcast_in_dim3A_610 : f32 to vector<16xf32>
      %swap3A_612 = arith.constant 352 : index
      %swap3A_613 = tpu.vector_load %arg14[%swap3A_612] {strides = array<i32>} : memref<400xf32, #tpu.memory_space<vmem>>, vector<16xf32>,
      tpu.vector_store %arg14[%swap3A_612], %broadcast_in_dim3A_611 {strides = array<i32>} : memref<400xf32, #tpu.memory_space<vmem>>, vector<16xf32>,
      %broadcast_in_dim3A_614 = arith.constant 0.000000e+00 : f32
      %broadcast_in_dim3A_615 = vector.broadcast %broadcast_in_dim3A_614 : f32 to vector<16xf32>
      %swap3A_616 = arith.constant 368 : index
      %swap3A_617 = tpu.vector_load %arg14[%swap3A_616] {strides = array<i32>} : memref<400xf32, #tpu.memory_space<vmem>>, vector<16xf32>,
      tpu.vector_store %arg14[%swap3A_616], %broadcast_in_dim3A_615 {strides = array<i32>} : memref<400xf32, #tpu.memory_space<vmem>>, vector<16xf32>,
      %broadcast_in_dim3A_618 = arith.constant 0.000000e+00 : f32
      %broadcast_in_dim3A_619 = vector.broadcast %broadcast_in_dim3A_618 : f32 to vector<16xf32>
      %swap3A_620 = arith.constant 384 : index
      %swap3A_621 = tpu.vector_load %arg14[%swap3A_620] {strides = array<i32>} : memref<400xf32, #tpu.memory_space<vmem>>, vector<16xf32>,
      tpu.vector_store %arg14[%swap3A_620], %broadcast_in_dim3A_619 {strides = array<i32>} : memref<400xf32, #tpu.memory_space<vmem>>, vector<16xf32>,
      %scan3A_622 = arith.constant 0 : i32
      %scan3A_623 = arith.constant 100 : i32
      %scan3A_624 = arith.addi %scan3A_622, %scan3A_623 : i32
      %scan3A_625 = arith.constant 1 : i32
      scf.for %scan3A_875 = %scan3A_622 to %scan3A_624 step %scan3A_625  : i32 {
        %mul3A_876 = arith.constant 4 : i32
        %mul3A_877 = arith.muli %scan3A_875, %mul3A_876 : i32
        %add3A_878 = arith.constant 0 : i32
        %add3A_879 = arith.addi %mul3A_877, %add3A_878 : i32
        %get3A_880 = arith.index_cast %add3A_879 : i32 to index
        %get3A_881 = arith.constant 0 : index
        %get3A_882 = tpu.vector_load %arg12[%get3A_880, %get3A_881] {strides = array<i32>} : memref<400x128xf32, #tpu.memory_space<vmem>>, vector<16xf32>,
        %get3A_883 = arith.index_cast %add3A_879 : i32 to index
        %get3A_884 = arith.constant 0 : index
        %get3A_885 = tpu.vector_load %arg13[%get3A_883, %get3A_884] {strides = array<i32>} : memref<400x128xf32, #tpu.memory_space<vmem>>, vector<16xf32>,
        %add3A_886 = arith.addf %get3A_882, %get3A_885 : vector<16xf32>
        %mul3A_887 = arith.constant 0.00999999977 : f32
        %mul3A_888 = vector.broadcast %mul3A_887 : f32 to vector<16xf32>
        %mul3A_889 = arith.mulf %add3A_886, %mul3A_888 : vector<16xf32>
        %max3A = arith.maximumf %add3A_886, %mul3A_889 : vector<16xf32>
        %mul3A_890 = arith.mulf %max3A, %get3A_325 : vector<16xf32>
        %add3A_891 = arith.addf %get3A_341, %mul3A_890 : vector<16xf32>
        %get3A_892 = arith.index_cast %add3A_879 : i32 to index
        %get3A_893 = arith.constant 16 : index
        %get3A_894 = tpu.vector_load %arg12[%get3A_892, %get3A_893] {strides = array<i32>} : memref<400x128xf32, #tpu.memory_space<vmem>>, vector<16xf32>,
        %get3A_895 = arith.index_cast %add3A_879 : i32 to index
        %get3A_896 = arith.constant 16 : index
        %get3A_897 = tpu.vector_load %arg13[%get3A_895, %get3A_896] {strides = array<i32>} : memref<400x128xf32, #tpu.memory_space<vmem>>, vector<16xf32>,
        %add3A_898 = arith.addf %get3A_894, %get3A_897 : vector<16xf32>
        %mul3A_899 = arith.constant 0.00999999977 : f32
        %mul3A_900 = vector.broadcast %mul3A_899 : f32 to vector<16xf32>
        %mul3A_901 = arith.mulf %add3A_898, %mul3A_900 : vector<16xf32>
        %max3A_902 = arith.maximumf %add3A_898, %mul3A_901 : vector<16xf32>
        %mul3A_903 = arith.mulf %max3A_902, %get3A_327 : vector<16xf32>
        %add3A_904 = arith.addf %add3A_891, %mul3A_903 : vector<16xf32>
        %get3A_905 = arith.index_cast %add3A_879 : i32 to index
        %get3A_906 = arith.constant 32 : index
        %get3A_907 = tpu.vector_load %arg12[%get3A_905, %get3A_906] {strides = array<i32>} : memref<400x128xf32, #tpu.memory_space<vmem>>, vector<16xf32>,
        %get3A_908 = arith.index_cast %add3A_879 : i32 to index
        %get3A_909 = arith.constant 32 : index
        %get3A_910 = tpu.vector_load %arg13[%get3A_908, %get3A_909] {strides = array<i32>} : memref<400x128xf32, #tpu.memory_space<vmem>>, vector<16xf32>,
        %add3A_911 = arith.addf %get3A_907, %get3A_910 : vector<16xf32>
        %mul3A_912 = arith.constant 0.00999999977 : f32
        %mul3A_913 = vector.broadcast %mul3A_912 : f32 to vector<16xf32>
        %mul3A_914 = arith.mulf %add3A_911, %mul3A_913 : vector<16xf32>
        %max3A_915 = arith.maximumf %add3A_911, %mul3A_914 : vector<16xf32>
        %mul3A_916 = arith.mulf %max3A_915, %get3A_329 : vector<16xf32>
        %add3A_917 = arith.addf %add3A_904, %mul3A_916 : vector<16xf32>
        %get3A_918 = arith.index_cast %add3A_879 : i32 to index
        %get3A_919 = arith.constant 48 : index
        %get3A_920 = tpu.vector_load %arg12[%get3A_918, %get3A_919] {strides = array<i32>} : memref<400x128xf32, #tpu.memory_space<vmem>>, vector<16xf32>,
        %get3A_921 = arith.index_cast %add3A_879 : i32 to index
        %get3A_922 = arith.constant 48 : index
        %get3A_923 = tpu.vector_load %arg13[%get3A_921, %get3A_922] {strides = array<i32>} : memref<400x128xf32, #tpu.memory_space<vmem>>, vector<16xf32>,
        %add3A_924 = arith.addf %get3A_920, %get3A_923 : vector<16xf32>
        %mul3A_925 = arith.constant 0.00999999977 : f32
        %mul3A_926 = vector.broadcast %mul3A_925 : f32 to vector<16xf32>
        %mul3A_927 = arith.mulf %add3A_924, %mul3A_926 : vector<16xf32>
        %max3A_928 = arith.maximumf %add3A_924, %mul3A_927 : vector<16xf32>
        %mul3A_929 = arith.mulf %max3A_928, %get3A_331 : vector<16xf32>
        %add3A_930 = arith.addf %add3A_917, %mul3A_929 : vector<16xf32>
        %get3A_931 = arith.index_cast %add3A_879 : i32 to index
        %get3A_932 = arith.constant 64 : index
        %get3A_933 = tpu.vector_load %arg12[%get3A_931, %get3A_932] {strides = array<i32>} : memref<400x128xf32, #tpu.memory_space<vmem>>, vector<16xf32>,
        %get3A_934 = arith.index_cast %add3A_879 : i32 to index
        %get3A_935 = arith.constant 64 : index
        %get3A_936 = tpu.vector_load %arg13[%get3A_934, %get3A_935] {strides = array<i32>} : memref<400x128xf32, #tpu.memory_space<vmem>>, vector<16xf32>,
        %add3A_937 = arith.addf %get3A_933, %get3A_936 : vector<16xf32>
        %mul3A_938 = arith.constant 0.00999999977 : f32
        %mul3A_939 = vector.broadcast %mul3A_938 : f32 to vector<16xf32>
        %mul3A_940 = arith.mulf %add3A_937, %mul3A_939 : vector<16xf32>
        %max3A_941 = arith.maximumf %add3A_937, %mul3A_940 : vector<16xf32>
        %mul3A_942 = arith.mulf %max3A_941, %get3A_333 : vector<16xf32>
        %add3A_943 = arith.addf %add3A_930, %mul3A_942 : vector<16xf32>
        %get3A_944 = arith.index_cast %add3A_879 : i32 to index
        %get3A_945 = arith.constant 80 : index
        %get3A_946 = tpu.vector_load %arg12[%get3A_944, %get3A_945] {strides = array<i32>} : memref<400x128xf32, #tpu.memory_space<vmem>>, vector<16xf32>,
        %get3A_947 = arith.index_cast %add3A_879 : i32 to index
        %get3A_948 = arith.constant 80 : index
        %get3A_949 = tpu.vector_load %arg13[%get3A_947, %get3A_948] {strides = array<i32>} : memref<400x128xf32, #tpu.memory_space<vmem>>, vector<16xf32>,
        %add3A_950 = arith.addf %get3A_946, %get3A_949 : vector<16xf32>
        %mul3A_951 = arith.constant 0.00999999977 : f32
        %mul3A_952 = vector.broadcast %mul3A_951 : f32 to vector<16xf32>
        %mul3A_953 = arith.mulf %add3A_950, %mul3A_952 : vector<16xf32>
        %max3A_954 = arith.maximumf %add3A_950, %mul3A_953 : vector<16xf32>
        %mul3A_955 = arith.mulf %max3A_954, %get3A_335 : vector<16xf32>
        %add3A_956 = arith.addf %add3A_943, %mul3A_955 : vector<16xf32>
        %get3A_957 = arith.index_cast %add3A_879 : i32 to index
        %get3A_958 = arith.constant 96 : index
        %get3A_959 = tpu.vector_load %arg12[%get3A_957, %get3A_958] {strides = array<i32>} : memref<400x128xf32, #tpu.memory_space<vmem>>, vector<16xf32>,
        %get3A_960 = arith.index_cast %add3A_879 : i32 to index
        %get3A_961 = arith.constant 96 : index
        %get3A_962 = tpu.vector_load %arg13[%get3A_960, %get3A_961] {strides = array<i32>} : memref<400x128xf32, #tpu.memory_space<vmem>>, vector<16xf32>,
        %add3A_963 = arith.addf %get3A_959, %get3A_962 : vector<16xf32>
        %mul3A_964 = arith.constant 0.00999999977 : f32
        %mul3A_965 = vector.broadcast %mul3A_964 : f32 to vector<16xf32>
        %mul3A_966 = arith.mulf %add3A_963, %mul3A_965 : vector<16xf32>
        %max3A_967 = arith.maximumf %add3A_963, %mul3A_966 : vector<16xf32>
        %mul3A_968 = arith.mulf %max3A_967, %get3A_337 : vector<16xf32>
        %add3A_969 = arith.addf %add3A_956, %mul3A_968 : vector<16xf32>
        %get3A_970 = arith.index_cast %add3A_879 : i32 to index
        %get3A_971 = arith.constant 112 : index
        %get3A_972 = tpu.vector_load %arg12[%get3A_970, %get3A_971] {strides = array<i32>} : memref<400x128xf32, #tpu.memory_space<vmem>>, vector<16xf32>,
        %get3A_973 = arith.index_cast %add3A_879 : i32 to index
        %get3A_974 = arith.constant 112 : index
        %get3A_975 = tpu.vector_load %arg13[%get3A_973, %get3A_974] {strides = array<i32>} : memref<400x128xf32, #tpu.memory_space<vmem>>, vector<16xf32>,
        %add3A_976 = arith.addf %get3A_972, %get3A_975 : vector<16xf32>
        %mul3A_977 = arith.constant 0.00999999977 : f32
        %mul3A_978 = vector.broadcast %mul3A_977 : f32 to vector<16xf32>
        %mul3A_979 = arith.mulf %add3A_976, %mul3A_978 : vector<16xf32>
        %max3A_980 = arith.maximumf %add3A_976, %mul3A_979 : vector<16xf32>
        %mul3A_981 = arith.mulf %max3A_980, %get3A_339 : vector<16xf32>
        %add3A_982 = arith.addf %add3A_969, %mul3A_981 : vector<16xf32>
        %broadcast_in_dim3A_983 = vector.broadcast %add3A_879 : i32 to vector<16xi32>
        tpu.vector_store_idx %arg14[%broadcast_in_dim3A_983], %add3A_982 {add = true} : memref<400xf32, #tpu.memory_space<vmem>>[vector<16xi32>], vector<16xf32>,
        %mul3A_984 = arith.constant 4 : i32
        %mul3A_985 = arith.muli %scan3A_875, %mul3A_984 : i32
        %add3A_986 = arith.constant 1 : i32
        %add3A_987 = arith.addi %mul3A_985, %add3A_986 : i32
        %get3A_988 = arith.index_cast %add3A_987 : i32 to index
        %get3A_989 = arith.constant 0 : index
        %get3A_990 = tpu.vector_load %arg12[%get3A_988, %get3A_989] {strides = array<i32>} : memref<400x128xf32, #tpu.memory_space<vmem>>, vector<16xf32>,
        %get3A_991 = arith.index_cast %add3A_987 : i32 to index
        %get3A_992 = arith.constant 0 : index
        %get3A_993 = tpu.vector_load %arg13[%get3A_991, %get3A_992] {strides = array<i32>} : memref<400x128xf32, #tpu.memory_space<vmem>>, vector<16xf32>,
        %add3A_994 = arith.addf %get3A_990, %get3A_993 : vector<16xf32>
        %mul3A_995 = arith.constant 0.00999999977 : f32
        %mul3A_996 = vector.broadcast %mul3A_995 : f32 to vector<16xf32>
        %mul3A_997 = arith.mulf %add3A_994, %mul3A_996 : vector<16xf32>
        %max3A_998 = arith.maximumf %add3A_994, %mul3A_997 : vector<16xf32>
        %mul3A_999 = arith.mulf %max3A_998, %get3A_325 : vector<16xf32>
        %add3A_1000 = arith.addf %get3A_341, %mul3A_999 : vector<16xf32>
        %get3A_1001 = arith.index_cast %add3A_987 : i32 to index
        %get3A_1002 = arith.constant 16 : index
        %get3A_1003 = tpu.vector_load %arg12[%get3A_1001, %get3A_1002] {strides = array<i32>} : memref<400x128xf32, #tpu.memory_space<vmem>>, vector<16xf32>,
        %get3A_1004 = arith.index_cast %add3A_987 : i32 to index
        %get3A_1005 = arith.constant 16 : index
        %get3A_1006 = tpu.vector_load %arg13[%get3A_1004, %get3A_1005] {strides = array<i32>} : memref<400x128xf32, #tpu.memory_space<vmem>>, vector<16xf32>,
        %add3A_1007 = arith.addf %get3A_1003, %get3A_1006 : vector<16xf32>
        %mul3A_1008 = arith.constant 0.00999999977 : f32
        %mul3A_1009 = vector.broadcast %mul3A_1008 : f32 to vector<16xf32>
        %mul3A_1010 = arith.mulf %add3A_1007, %mul3A_1009 : vector<16xf32>
        %max3A_1011 = arith.maximumf %add3A_1007, %mul3A_1010 : vector<16xf32>
        %mul3A_1012 = arith.mulf %max3A_1011, %get3A_327 : vector<16xf32>
        %add3A_1013 = arith.addf %add3A_1000, %mul3A_1012 : vector<16xf32>
        %get3A_1014 = arith.index_cast %add3A_987 : i32 to index
        %get3A_1015 = arith.constant 32 : index
        %get3A_1016 = tpu.vector_load %arg12[%get3A_1014, %get3A_1015] {strides = array<i32>} : memref<400x128xf32, #tpu.memory_space<vmem>>, vector<16xf32>,
        %get3A_1017 = arith.index_cast %add3A_987 : i32 to index
        %get3A_1018 = arith.constant 32 : index
        %get3A_1019 = tpu.vector_load %arg13[%get3A_1017, %get3A_1018] {strides = array<i32>} : memref<400x128xf32, #tpu.memory_space<vmem>>, vector<16xf32>,
        %add3A_1020 = arith.addf %get3A_1016, %get3A_1019 : vector<16xf32>
        %mul3A_1021 = arith.constant 0.00999999977 : f32
        %mul3A_1022 = vector.broadcast %mul3A_1021 : f32 to vector<16xf32>
        %mul3A_1023 = arith.mulf %add3A_1020, %mul3A_1022 : vector<16xf32>
        %max3A_1024 = arith.maximumf %add3A_1020, %mul3A_1023 : vector<16xf32>
        %mul3A_1025 = arith.mulf %max3A_1024, %get3A_329 : vector<16xf32>
        %add3A_1026 = arith.addf %add3A_1013, %mul3A_1025 : vector<16xf32>
        %get3A_1027 = arith.index_cast %add3A_987 : i32 to index
        %get3A_1028 = arith.constant 48 : index
        %get3A_1029 = tpu.vector_load %arg12[%get3A_1027, %get3A_1028] {strides = array<i32>} : memref<400x128xf32, #tpu.memory_space<vmem>>, vector<16xf32>,
        %get3A_1030 = arith.index_cast %add3A_987 : i32 to index
        %get3A_1031 = arith.constant 48 : index
        %get3A_1032 = tpu.vector_load %arg13[%get3A_1030, %get3A_1031] {strides = array<i32>} : memref<400x128xf32, #tpu.memory_space<vmem>>, vector<16xf32>,
        %add3A_1033 = arith.addf %get3A_1029, %get3A_1032 : vector<16xf32>
        %mul3A_1034 = arith.constant 0.00999999977 : f32
        %mul3A_1035 = vector.broadcast %mul3A_1034 : f32 to vector<16xf32>
        %mul3A_1036 = arith.mulf %add3A_1033, %mul3A_1035 : vector<16xf32>
        %max3A_1037 = arith.maximumf %add3A_1033, %mul3A_1036 : vector<16xf32>
        %mul3A_1038 = arith.mulf %max3A_1037, %get3A_331 : vector<16xf32>
        %add3A_1039 = arith.addf %add3A_1026, %mul3A_1038 : vector<16xf32>
        %get3A_1040 = arith.index_cast %add3A_987 : i32 to index
        %get3A_1041 = arith.constant 64 : index
        %get3A_1042 = tpu.vector_load %arg12[%get3A_1040, %get3A_1041] {strides = array<i32>} : memref<400x128xf32, #tpu.memory_space<vmem>>, vector<16xf32>,
        %get3A_1043 = arith.index_cast %add3A_987 : i32 to index
        %get3A_1044 = arith.constant 64 : index
        %get3A_1045 = tpu.vector_load %arg13[%get3A_1043, %get3A_1044] {strides = array<i32>} : memref<400x128xf32, #tpu.memory_space<vmem>>, vector<16xf32>,
        %add3A_1046 = arith.addf %get3A_1042, %get3A_1045 : vector<16xf32>
        %mul3A_1047 = arith.constant 0.00999999977 : f32
        %mul3A_1048 = vector.broadcast %mul3A_1047 : f32 to vector<16xf32>
        %mul3A_1049 = arith.mulf %add3A_1046, %mul3A_1048 : vector<16xf32>
        %max3A_1050 = arith.maximumf %add3A_1046, %mul3A_1049 : vector<16xf32>
        %mul3A_1051 = arith.mulf %max3A_1050, %get3A_333 : vector<16xf32>
        %add3A_1052 = arith.addf %add3A_1039, %mul3A_1051 : vector<16xf32>
        %get3A_1053 = arith.index_cast %add3A_987 : i32 to index
        %get3A_1054 = arith.constant 80 : index
        %get3A_1055 = tpu.vector_load %arg12[%get3A_1053, %get3A_1054] {strides = array<i32>} : memref<400x128xf32, #tpu.memory_space<vmem>>, vector<16xf32>,
        %get3A_1056 = arith.index_cast %add3A_987 : i32 to index
        %get3A_1057 = arith.constant 80 : index
        %get3A_1058 = tpu.vector_load %arg13[%get3A_1056, %get3A_1057] {strides = array<i32>} : memref<400x128xf32, #tpu.memory_space<vmem>>, vector<16xf32>,
        %add3A_1059 = arith.addf %get3A_1055, %get3A_1058 : vector<16xf32>
        %mul3A_1060 = arith.constant 0.00999999977 : f32
        %mul3A_1061 = vector.broadcast %mul3A_1060 : f32 to vector<16xf32>
        %mul3A_1062 = arith.mulf %add3A_1059, %mul3A_1061 : vector<16xf32>
        %max3A_1063 = arith.maximumf %add3A_1059, %mul3A_1062 : vector<16xf32>
        %mul3A_1064 = arith.mulf %max3A_1063, %get3A_335 : vector<16xf32>
        %add3A_1065 = arith.addf %add3A_1052, %mul3A_1064 : vector<16xf32>
        %get3A_1066 = arith.index_cast %add3A_987 : i32 to index
        %get3A_1067 = arith.constant 96 : index
        %get3A_1068 = tpu.vector_load %arg12[%get3A_1066, %get3A_1067] {strides = array<i32>} : memref<400x128xf32, #tpu.memory_space<vmem>>, vector<16xf32>,
        %get3A_1069 = arith.index_cast %add3A_987 : i32 to index
        %get3A_1070 = arith.constant 96 : index
        %get3A_1071 = tpu.vector_load %arg13[%get3A_1069, %get3A_1070] {strides = array<i32>} : memref<400x128xf32, #tpu.memory_space<vmem>>, vector<16xf32>,
        %add3A_1072 = arith.addf %get3A_1068, %get3A_1071 : vector<16xf32>
        %mul3A_1073 = arith.constant 0.00999999977 : f32
        %mul3A_1074 = vector.broadcast %mul3A_1073 : f32 to vector<16xf32>
        %mul3A_1075 = arith.mulf %add3A_1072, %mul3A_1074 : vector<16xf32>
        %max3A_1076 = arith.maximumf %add3A_1072, %mul3A_1075 : vector<16xf32>
        %mul3A_1077 = arith.mulf %max3A_1076, %get3A_337 : vector<16xf32>
        %add3A_1078 = arith.addf %add3A_1065, %mul3A_1077 : vector<16xf32>
        %get3A_1079 = arith.index_cast %add3A_987 : i32 to index
        %get3A_1080 = arith.constant 112 : index
        %get3A_1081 = tpu.vector_load %arg12[%get3A_1079, %get3A_1080] {strides = array<i32>} : memref<400x128xf32, #tpu.memory_space<vmem>>, vector<16xf32>,
        %get3A_1082 = arith.index_cast %add3A_987 : i32 to index
        %get3A_1083 = arith.constant 112 : index
        %get3A_1084 = tpu.vector_load %arg13[%get3A_1082, %get3A_1083] {strides = array<i32>} : memref<400x128xf32, #tpu.memory_space<vmem>>, vector<16xf32>,
        %add3A_1085 = arith.addf %get3A_1081, %get3A_1084 : vector<16xf32>
        %mul3A_1086 = arith.constant 0.00999999977 : f32
        %mul3A_1087 = vector.broadcast %mul3A_1086 : f32 to vector<16xf32>
        %mul3A_1088 = arith.mulf %add3A_1085, %mul3A_1087 : vector<16xf32>
        %max3A_1089 = arith.maximumf %add3A_1085, %mul3A_1088 : vector<16xf32>
        %mul3A_1090 = arith.mulf %max3A_1089, %get3A_339 : vector<16xf32>
        %add3A_1091 = arith.addf %add3A_1078, %mul3A_1090 : vector<16xf32>
        %broadcast_in_dim3A_1092 = vector.broadcast %add3A_987 : i32 to vector<16xi32>
        tpu.vector_store_idx %arg14[%broadcast_in_dim3A_1092], %add3A_1091 {add = true} : memref<400xf32, #tpu.memory_space<vmem>>[vector<16xi32>], vector<16xf32>,
        %mul3A_1093 = arith.constant 4 : i32
        %mul3A_1094 = arith.muli %scan3A_875, %mul3A_1093 : i32
        %add3A_1095 = arith.constant 2 : i32
        %add3A_1096 = arith.addi %mul3A_1094, %add3A_1095 : i32
        %get3A_1097 = arith.index_cast %add3A_1096 : i32 to index
        %get3A_1098 = arith.constant 0 : index
        %get3A_1099 = tpu.vector_load %arg12[%get3A_1097, %get3A_1098] {strides = array<i32>} : memref<400x128xf32, #tpu.memory_space<vmem>>, vector<16xf32>,
        %get3A_1100 = arith.index_cast %add3A_1096 : i32 to index
        %get3A_1101 = arith.constant 0 : index
        %get3A_1102 = tpu.vector_load %arg13[%get3A_1100, %get3A_1101] {strides = array<i32>} : memref<400x128xf32, #tpu.memory_space<vmem>>, vector<16xf32>,
        %add3A_1103 = arith.addf %get3A_1099, %get3A_1102 : vector<16xf32>
        %mul3A_1104 = arith.constant 0.00999999977 : f32
        %mul3A_1105 = vector.broadcast %mul3A_1104 : f32 to vector<16xf32>
        %mul3A_1106 = arith.mulf %add3A_1103, %mul3A_1105 : vector<16xf32>
        %max3A_1107 = arith.maximumf %add3A_1103, %mul3A_1106 : vector<16xf32>
        %mul3A_1108 = arith.mulf %max3A_1107, %get3A_325 : vector<16xf32>
        %add3A_1109 = arith.addf %get3A_341, %mul3A_1108 : vector<16xf32>
        %get3A_1110 = arith.index_cast %add3A_1096 : i32 to index
        %get3A_1111 = arith.constant 16 : index
        %get3A_1112 = tpu.vector_load %arg12[%get3A_1110, %get3A_1111] {strides = array<i32>} : memref<400x128xf32, #tpu.memory_space<vmem>>, vector<16xf32>,
        %get3A_1113 = arith.index_cast %add3A_1096 : i32 to index
        %get3A_1114 = arith.constant 16 : index
        %get3A_1115 = tpu.vector_load %arg13[%get3A_1113, %get3A_1114] {strides = array<i32>} : memref<400x128xf32, #tpu.memory_space<vmem>>, vector<16xf32>,
        %add3A_1116 = arith.addf %get3A_1112, %get3A_1115 : vector<16xf32>
        %mul3A_1117 = arith.constant 0.00999999977 : f32
        %mul3A_1118 = vector.broadcast %mul3A_1117 : f32 to vector<16xf32>
        %mul3A_1119 = arith.mulf %add3A_1116, %mul3A_1118 : vector<16xf32>
        %max3A_1120 = arith.maximumf %add3A_1116, %mul3A_1119 : vector<16xf32>
        %mul3A_1121 = arith.mulf %max3A_1120, %get3A_327 : vector<16xf32>
        %add3A_1122 = arith.addf %add3A_1109, %mul3A_1121 : vector<16xf32>
        %get3A_1123 = arith.index_cast %add3A_1096 : i32 to index
        %get3A_1124 = arith.constant 32 : index
        %get3A_1125 = tpu.vector_load %arg12[%get3A_1123, %get3A_1124] {strides = array<i32>} : memref<400x128xf32, #tpu.memory_space<vmem>>, vector<16xf32>,
        %get3A_1126 = arith.index_cast %add3A_1096 : i32 to index
        %get3A_1127 = arith.constant 32 : index
        %get3A_1128 = tpu.vector_load %arg13[%get3A_1126, %get3A_1127] {strides = array<i32>} : memref<400x128xf32, #tpu.memory_space<vmem>>, vector<16xf32>,
        %add3A_1129 = arith.addf %get3A_1125, %get3A_1128 : vector<16xf32>
        %mul3A_1130 = arith.constant 0.00999999977 : f32
        %mul3A_1131 = vector.broadcast %mul3A_1130 : f32 to vector<16xf32>
        %mul3A_1132 = arith.mulf %add3A_1129, %mul3A_1131 : vector<16xf32>
        %max3A_1133 = arith.maximumf %add3A_1129, %mul3A_1132 : vector<16xf32>
        %mul3A_1134 = arith.mulf %max3A_1133, %get3A_329 : vector<16xf32>
        %add3A_1135 = arith.addf %add3A_1122, %mul3A_1134 : vector<16xf32>
        %get3A_1136 = arith.index_cast %add3A_1096 : i32 to index
        %get3A_1137 = arith.constant 48 : index
        %get3A_1138 = tpu.vector_load %arg12[%get3A_1136, %get3A_1137] {strides = array<i32>} : memref<400x128xf32, #tpu.memory_space<vmem>>, vector<16xf32>,
        %get3A_1139 = arith.index_cast %add3A_1096 : i32 to index
        %get3A_1140 = arith.constant 48 : index
        %get3A_1141 = tpu.vector_load %arg13[%get3A_1139, %get3A_1140] {strides = array<i32>} : memref<400x128xf32, #tpu.memory_space<vmem>>, vector<16xf32>,
        %add3A_1142 = arith.addf %get3A_1138, %get3A_1141 : vector<16xf32>
        %mul3A_1143 = arith.constant 0.00999999977 : f32
        %mul3A_1144 = vector.broadcast %mul3A_1143 : f32 to vector<16xf32>
        %mul3A_1145 = arith.mulf %add3A_1142, %mul3A_1144 : vector<16xf32>
        %max3A_1146 = arith.maximumf %add3A_1142, %mul3A_1145 : vector<16xf32>
        %mul3A_1147 = arith.mulf %max3A_1146, %get3A_331 : vector<16xf32>
        %add3A_1148 = arith.addf %add3A_1135, %mul3A_1147 : vector<16xf32>
        %get3A_1149 = arith.index_cast %add3A_1096 : i32 to index
        %get3A_1150 = arith.constant 64 : index
        %get3A_1151 = tpu.vector_load %arg12[%get3A_1149, %get3A_1150] {strides = array<i32>} : memref<400x128xf32, #tpu.memory_space<vmem>>, vector<16xf32>,
        %get3A_1152 = arith.index_cast %add3A_1096 : i32 to index
        %get3A_1153 = arith.constant 64 : index
        %get3A_1154 = tpu.vector_load %arg13[%get3A_1152, %get3A_1153] {strides = array<i32>} : memref<400x128xf32, #tpu.memory_space<vmem>>, vector<16xf32>,
        %add3A_1155 = arith.addf %get3A_1151, %get3A_1154 : vector<16xf32>
        %mul3A_1156 = arith.constant 0.00999999977 : f32
        %mul3A_1157 = vector.broadcast %mul3A_1156 : f32 to vector<16xf32>
        %mul3A_1158 = arith.mulf %add3A_1155, %mul3A_1157 : vector<16xf32>
        %max3A_1159 = arith.maximumf %add3A_1155, %mul3A_1158 : vector<16xf32>
        %mul3A_1160 = arith.mulf %max3A_1159, %get3A_333 : vector<16xf32>
        %add3A_1161 = arith.addf %add3A_1148, %mul3A_1160 : vector<16xf32>
        %get3A_1162 = arith.index_cast %add3A_1096 : i32 to index
        %get3A_1163 = arith.constant 80 : index
        %get3A_1164 = tpu.vector_load %arg12[%get3A_1162, %get3A_1163] {strides = array<i32>} : memref<400x128xf32, #tpu.memory_space<vmem>>, vector<16xf32>,
        %get3A_1165 = arith.index_cast %add3A_1096 : i32 to index
        %get3A_1166 = arith.constant 80 : index
        %get3A_1167 = tpu.vector_load %arg13[%get3A_1165, %get3A_1166] {strides = array<i32>} : memref<400x128xf32, #tpu.memory_space<vmem>>, vector<16xf32>,
        %add3A_1168 = arith.addf %get3A_1164, %get3A_1167 : vector<16xf32>
        %mul3A_1169 = arith.constant 0.00999999977 : f32
        %mul3A_1170 = vector.broadcast %mul3A_1169 : f32 to vector<16xf32>
        %mul3A_1171 = arith.mulf %add3A_1168, %mul3A_1170 : vector<16xf32>
        %max3A_1172 = arith.maximumf %add3A_1168, %mul3A_1171 : vector<16xf32>
        %mul3A_1173 = arith.mulf %max3A_1172, %get3A_335 : vector<16xf32>
        %add3A_1174 = arith.addf %add3A_1161, %mul3A_1173 : vector<16xf32>
        %get3A_1175 = arith.index_cast %add3A_1096 : i32 to index
        %get3A_1176 = arith.constant 96 : index
        %get3A_1177 = tpu.vector_load %arg12[%get3A_1175, %get3A_1176] {strides = array<i32>} : memref<400x128xf32, #tpu.memory_space<vmem>>, vector<16xf32>,
        %get3A_1178 = arith.index_cast %add3A_1096 : i32 to index
        %get3A_1179 = arith.constant 96 : index
        %get3A_1180 = tpu.vector_load %arg13[%get3A_1178, %get3A_1179] {strides = array<i32>} : memref<400x128xf32, #tpu.memory_space<vmem>>, vector<16xf32>,
        %add3A_1181 = arith.addf %get3A_1177, %get3A_1180 : vector<16xf32>
        %mul3A_1182 = arith.constant 0.00999999977 : f32
        %mul3A_1183 = vector.broadcast %mul3A_1182 : f32 to vector<16xf32>
        %mul3A_1184 = arith.mulf %add3A_1181, %mul3A_1183 : vector<16xf32>
        %max3A_1185 = arith.maximumf %add3A_1181, %mul3A_1184 : vector<16xf32>
        %mul3A_1186 = arith.mulf %max3A_1185, %get3A_337 : vector<16xf32>
        %add3A_1187 = arith.addf %add3A_1174, %mul3A_1186 : vector<16xf32>
        %get3A_1188 = arith.index_cast %add3A_1096 : i32 to index
        %get3A_1189 = arith.constant 112 : index
        %get3A_1190 = tpu.vector_load %arg12[%get3A_1188, %get3A_1189] {strides = array<i32>} : memref<400x128xf32, #tpu.memory_space<vmem>>, vector<16xf32>,
        %get3A_1191 = arith.index_cast %add3A_1096 : i32 to index
        %get3A_1192 = arith.constant 112 : index
        %get3A_1193 = tpu.vector_load %arg13[%get3A_1191, %get3A_1192] {strides = array<i32>} : memref<400x128xf32, #tpu.memory_space<vmem>>, vector<16xf32>,
        %add3A_1194 = arith.addf %get3A_1190, %get3A_1193 : vector<16xf32>
        %mul3A_1195 = arith.constant 0.00999999977 : f32
        %mul3A_1196 = vector.broadcast %mul3A_1195 : f32 to vector<16xf32>
        %mul3A_1197 = arith.mulf %add3A_1194, %mul3A_1196 : vector<16xf32>
        %max3A_1198 = arith.maximumf %add3A_1194, %mul3A_1197 : vector<16xf32>
        %mul3A_1199 = arith.mulf %max3A_1198, %get3A_339 : vector<16xf32>
        %add3A_1200 = arith.addf %add3A_1187, %mul3A_1199 : vector<16xf32>
        %broadcast_in_dim3A_1201 = vector.broadcast %add3A_1096 : i32 to vector<16xi32>
        tpu.vector_store_idx %arg14[%broadcast_in_dim3A_1201], %add3A_1200 {add = true} : memref<400xf32, #tpu.memory_space<vmem>>[vector<16xi32>], vector<16xf32>,
        %mul3A_1202 = arith.constant 4 : i32
        %mul3A_1203 = arith.muli %scan3A_875, %mul3A_1202 : i32
        %add3A_1204 = arith.constant 3 : i32
        %add3A_1205 = arith.addi %mul3A_1203, %add3A_1204 : i32
        %get3A_1206 = arith.index_cast %add3A_1205 : i32 to index
        %get3A_1207 = arith.constant 0 : index
        %get3A_1208 = tpu.vector_load %arg12[%get3A_1206, %get3A_1207] {strides = array<i32>} : memref<400x128xf32, #tpu.memory_space<vmem>>, vector<16xf32>,
        %get3A_1209 = arith.index_cast %add3A_1205 : i32 to index
        %get3A_1210 = arith.constant 0 : index
        %get3A_1211 = tpu.vector_load %arg13[%get3A_1209, %get3A_1210] {strides = array<i32>} : memref<400x128xf32, #tpu.memory_space<vmem>>, vector<16xf32>,
        %add3A_1212 = arith.addf %get3A_1208, %get3A_1211 : vector<16xf32>
        %mul3A_1213 = arith.constant 0.00999999977 : f32
        %mul3A_1214 = vector.broadcast %mul3A_1213 : f32 to vector<16xf32>
        %mul3A_1215 = arith.mulf %add3A_1212, %mul3A_1214 : vector<16xf32>
        %max3A_1216 = arith.maximumf %add3A_1212, %mul3A_1215 : vector<16xf32>
        %mul3A_1217 = arith.mulf %max3A_1216, %get3A_325 : vector<16xf32>
        %add3A_1218 = arith.addf %get3A_341, %mul3A_1217 : vector<16xf32>
        %get3A_1219 = arith.index_cast %add3A_1205 : i32 to index
        %get3A_1220 = arith.constant 16 : index
        %get3A_1221 = tpu.vector_load %arg12[%get3A_1219, %get3A_1220] {strides = array<i32>} : memref<400x128xf32, #tpu.memory_space<vmem>>, vector<16xf32>,
        %get3A_1222 = arith.index_cast %add3A_1205 : i32 to index
        %get3A_1223 = arith.constant 16 : index
        %get3A_1224 = tpu.vector_load %arg13[%get3A_1222, %get3A_1223] {strides = array<i32>} : memref<400x128xf32, #tpu.memory_space<vmem>>, vector<16xf32>,
        %add3A_1225 = arith.addf %get3A_1221, %get3A_1224 : vector<16xf32>
        %mul3A_1226 = arith.constant 0.00999999977 : f32
        %mul3A_1227 = vector.broadcast %mul3A_1226 : f32 to vector<16xf32>
        %mul3A_1228 = arith.mulf %add3A_1225, %mul3A_1227 : vector<16xf32>
        %max3A_1229 = arith.maximumf %add3A_1225, %mul3A_1228 : vector<16xf32>
        %mul3A_1230 = arith.mulf %max3A_1229, %get3A_327 : vector<16xf32>
        %add3A_1231 = arith.addf %add3A_1218, %mul3A_1230 : vector<16xf32>
        %get3A_1232 = arith.index_cast %add3A_1205 : i32 to index
        %get3A_1233 = arith.constant 32 : index
        %get3A_1234 = tpu.vector_load %arg12[%get3A_1232, %get3A_1233] {strides = array<i32>} : memref<400x128xf32, #tpu.memory_space<vmem>>, vector<16xf32>,
        %get3A_1235 = arith.index_cast %add3A_1205 : i32 to index
        %get3A_1236 = arith.constant 32 : index
        %get3A_1237 = tpu.vector_load %arg13[%get3A_1235, %get3A_1236] {strides = array<i32>} : memref<400x128xf32, #tpu.memory_space<vmem>>, vector<16xf32>,
        %add3A_1238 = arith.addf %get3A_1234, %get3A_1237 : vector<16xf32>
        %mul3A_1239 = arith.constant 0.00999999977 : f32
        %mul3A_1240 = vector.broadcast %mul3A_1239 : f32 to vector<16xf32>
        %mul3A_1241 = arith.mulf %add3A_1238, %mul3A_1240 : vector<16xf32>
        %max3A_1242 = arith.maximumf %add3A_1238, %mul3A_1241 : vector<16xf32>
        %mul3A_1243 = arith.mulf %max3A_1242, %get3A_329 : vector<16xf32>
        %add3A_1244 = arith.addf %add3A_1231, %mul3A_1243 : vector<16xf32>
        %get3A_1245 = arith.index_cast %add3A_1205 : i32 to index
        %get3A_1246 = arith.constant 48 : index
        %get3A_1247 = tpu.vector_load %arg12[%get3A_1245, %get3A_1246] {strides = array<i32>} : memref<400x128xf32, #tpu.memory_space<vmem>>, vector<16xf32>,
        %get3A_1248 = arith.index_cast %add3A_1205 : i32 to index
        %get3A_1249 = arith.constant 48 : index
        %get3A_1250 = tpu.vector_load %arg13[%get3A_1248, %get3A_1249] {strides = array<i32>} : memref<400x128xf32, #tpu.memory_space<vmem>>, vector<16xf32>,
        %add3A_1251 = arith.addf %get3A_1247, %get3A_1250 : vector<16xf32>
        %mul3A_1252 = arith.constant 0.00999999977 : f32
        %mul3A_1253 = vector.broadcast %mul3A_1252 : f32 to vector<16xf32>
        %mul3A_1254 = arith.mulf %add3A_1251, %mul3A_1253 : vector<16xf32>
        %max3A_1255 = arith.maximumf %add3A_1251, %mul3A_1254 : vector<16xf32>
        %mul3A_1256 = arith.mulf %max3A_1255, %get3A_331 : vector<16xf32>
        %add3A_1257 = arith.addf %add3A_1244, %mul3A_1256 : vector<16xf32>
        %get3A_1258 = arith.index_cast %add3A_1205 : i32 to index
        %get3A_1259 = arith.constant 64 : index
        %get3A_1260 = tpu.vector_load %arg12[%get3A_1258, %get3A_1259] {strides = array<i32>} : memref<400x128xf32, #tpu.memory_space<vmem>>, vector<16xf32>,
        %get3A_1261 = arith.index_cast %add3A_1205 : i32 to index
        %get3A_1262 = arith.constant 64 : index
        %get3A_1263 = tpu.vector_load %arg13[%get3A_1261, %get3A_1262] {strides = array<i32>} : memref<400x128xf32, #tpu.memory_space<vmem>>, vector<16xf32>,
        %add3A_1264 = arith.addf %get3A_1260, %get3A_1263 : vector<16xf32>
        %mul3A_1265 = arith.constant 0.00999999977 : f32
        %mul3A_1266 = vector.broadcast %mul3A_1265 : f32 to vector<16xf32>
        %mul3A_1267 = arith.mulf %add3A_1264, %mul3A_1266 : vector<16xf32>
        %max3A_1268 = arith.maximumf %add3A_1264, %mul3A_1267 : vector<16xf32>
        %mul3A_1269 = arith.mulf %max3A_1268, %get3A_333 : vector<16xf32>
        %add3A_1270 = arith.addf %add3A_1257, %mul3A_1269 : vector<16xf32>
        %get3A_1271 = arith.index_cast %add3A_1205 : i32 to index
        %get3A_1272 = arith.constant 80 : index
        %get3A_1273 = tpu.vector_load %arg12[%get3A_1271, %get3A_1272] {strides = array<i32>} : memref<400x128xf32, #tpu.memory_space<vmem>>, vector<16xf32>,
        %get3A_1274 = arith.index_cast %add3A_1205 : i32 to index
        %get3A_1275 = arith.constant 80 : index
        %get3A_1276 = tpu.vector_load %arg13[%get3A_1274, %get3A_1275] {strides = array<i32>} : memref<400x128xf32, #tpu.memory_space<vmem>>, vector<16xf32>,
        %add3A_1277 = arith.addf %get3A_1273, %get3A_1276 : vector<16xf32>
        %mul3A_1278 = arith.constant 0.00999999977 : f32
        %mul3A_1279 = vector.broadcast %mul3A_1278 : f32 to vector<16xf32>
        %mul3A_1280 = arith.mulf %add3A_1277, %mul3A_1279 : vector<16xf32>
        %max3A_1281 = arith.maximumf %add3A_1277, %mul3A_1280 : vector<16xf32>
        %mul3A_1282 = arith.mulf %max3A_1281, %get3A_335 : vector<16xf32>
        %add3A_1283 = arith.addf %add3A_1270, %mul3A_1282 : vector<16xf32>
        %get3A_1284 = arith.index_cast %add3A_1205 : i32 to index
        %get3A_1285 = arith.constant 96 : index
        %get3A_1286 = tpu.vector_load %arg12[%get3A_1284, %get3A_1285] {strides = array<i32>} : memref<400x128xf32, #tpu.memory_space<vmem>>, vector<16xf32>,
        %get3A_1287 = arith.index_cast %add3A_1205 : i32 to index
        %get3A_1288 = arith.constant 96 : index
        %get3A_1289 = tpu.vector_load %arg13[%get3A_1287, %get3A_1288] {strides = array<i32>} : memref<400x128xf32, #tpu.memory_space<vmem>>, vector<16xf32>,
        %add3A_1290 = arith.addf %get3A_1286, %get3A_1289 : vector<16xf32>
        %mul3A_1291 = arith.constant 0.00999999977 : f32
        %mul3A_1292 = vector.broadcast %mul3A_1291 : f32 to vector<16xf32>
        %mul3A_1293 = arith.mulf %add3A_1290, %mul3A_1292 : vector<16xf32>
        %max3A_1294 = arith.maximumf %add3A_1290, %mul3A_1293 : vector<16xf32>
        %mul3A_1295 = arith.mulf %max3A_1294, %get3A_337 : vector<16xf32>
        %add3A_1296 = arith.addf %add3A_1283, %mul3A_1295 : vector<16xf32>
        %get3A_1297 = arith.index_cast %add3A_1205 : i32 to index
        %get3A_1298 = arith.constant 112 : index
        %get3A_1299 = tpu.vector_load %arg12[%get3A_1297, %get3A_1298] {strides = array<i32>} : memref<400x128xf32, #tpu.memory_space<vmem>>, vector<16xf32>,
        %get3A_1300 = arith.index_cast %add3A_1205 : i32 to index
        %get3A_1301 = arith.constant 112 : index
        %get3A_1302 = tpu.vector_load %arg13[%get3A_1300, %get3A_1301] {strides = array<i32>} : memref<400x128xf32, #tpu.memory_space<vmem>>, vector<16xf32>,
        %add3A_1303 = arith.addf %get3A_1299, %get3A_1302 : vector<16xf32>
        %mul3A_1304 = arith.constant 0.00999999977 : f32
        %mul3A_1305 = vector.broadcast %mul3A_1304 : f32 to vector<16xf32>
        %mul3A_1306 = arith.mulf %add3A_1303, %mul3A_1305 : vector<16xf32>
        %max3A_1307 = arith.maximumf %add3A_1303, %mul3A_1306 : vector<16xf32>
        %mul3A_1308 = arith.mulf %max3A_1307, %get3A_339 : vector<16xf32>
        %add3A_1309 = arith.addf %add3A_1296, %mul3A_1308 : vector<16xf32>
        %broadcast_in_dim3A_1310 = vector.broadcast %add3A_1205 : i32 to vector<16xi32>
        tpu.vector_store_idx %arg14[%broadcast_in_dim3A_1310], %add3A_1309 {add = true} : memref<400xf32, #tpu.memory_space<vmem>>[vector<16xi32>], vector<16xf32>,
      }
      %scan3A_626 = arith.constant 100 : i32
      %get3A_627 = arith.constant 0 : index
      %get3A_628 = tpu.vector_load %arg10[%get3A_627] {strides = array<i32>} : memref<400xi32, #tpu.memory_space<vmem>>, vector<16xi32>,
      %get3A_629 = arith.constant 0 : index
      %get3A_630 = tpu.vector_load %arg14[%get3A_629] {strides = array<i32>} : memref<400xf32, #tpu.memory_space<vmem>>, vector<16xf32>,
      %shift_right_logical3A = arith.constant 4 : i32
      %shift_right_logical3A_631 = vector.broadcast %shift_right_logical3A : i32 to vector<16xi32>
      %shift_right_logical3A_632 = arith.shrui %get3A_628, %shift_right_logical3A_631 : vector<16xi32>
      %and3A = arith.constant 15 : i32
      %and3A_633 = vector.broadcast %and3A : i32 to vector<16xi32>
      %and3A_634 = arith.andi %get3A_628, %and3A_633 : vector<16xi32>
      tpu.vector_store_idx %arg15[%shift_right_logical3A_632, %and3A_634], %get3A_630 {add = true} : memref<640x16xf32, #tpu.memory_space<vmem>>[vector<16xi32>, vector<16xi32>], vector<16xf32>,
      %get3A_635 = arith.constant 16 : index
      %get3A_636 = tpu.vector_load %arg10[%get3A_635] {strides = array<i32>} : memref<400xi32, #tpu.memory_space<vmem>>, vector<16xi32>,
      %get3A_637 = arith.constant 16 : index
      %get3A_638 = tpu.vector_load %arg14[%get3A_637] {strides = array<i32>} : memref<400xf32, #tpu.memory_space<vmem>>, vector<16xf32>,
      %shift_right_logical3A_639 = arith.constant 4 : i32
      %shift_right_logical3A_640 = vector.broadcast %shift_right_logical3A_639 : i32 to vector<16xi32>
      %shift_right_logical3A_641 = arith.shrui %get3A_636, %shift_right_logical3A_640 : vector<16xi32>
      %and3A_642 = arith.constant 15 : i32
      %and3A_643 = vector.broadcast %and3A_642 : i32 to vector<16xi32>
      %and3A_644 = arith.andi %get3A_636, %and3A_643 : vector<16xi32>
      tpu.vector_store_idx %arg15[%shift_right_logical3A_641, %and3A_644], %get3A_638 {add = true} : memref<640x16xf32, #tpu.memory_space<vmem>>[vector<16xi32>, vector<16xi32>], vector<16xf32>,
      %get3A_645 = arith.constant 32 : index
      %get3A_646 = tpu.vector_load %arg10[%get3A_645] {strides = array<i32>} : memref<400xi32, #tpu.memory_space<vmem>>, vector<16xi32>,
      %get3A_647 = arith.constant 32 : index
      %get3A_648 = tpu.vector_load %arg14[%get3A_647] {strides = array<i32>} : memref<400xf32, #tpu.memory_space<vmem>>, vector<16xf32>,
      %shift_right_logical3A_649 = arith.constant 4 : i32
      %shift_right_logical3A_650 = vector.broadcast %shift_right_logical3A_649 : i32 to vector<16xi32>
      %shift_right_logical3A_651 = arith.shrui %get3A_646, %shift_right_logical3A_650 : vector<16xi32>
      %and3A_652 = arith.constant 15 : i32
      %and3A_653 = vector.broadcast %and3A_652 : i32 to vector<16xi32>
      %and3A_654 = arith.andi %get3A_646, %and3A_653 : vector<16xi32>
      tpu.vector_store_idx %arg15[%shift_right_logical3A_651, %and3A_654], %get3A_648 {add = true} : memref<640x16xf32, #tpu.memory_space<vmem>>[vector<16xi32>, vector<16xi32>], vector<16xf32>,
      %get3A_655 = arith.constant 48 : index
      %get3A_656 = tpu.vector_load %arg10[%get3A_655] {strides = array<i32>} : memref<400xi32, #tpu.memory_space<vmem>>, vector<16xi32>,
      %get3A_657 = arith.constant 48 : index
      %get3A_658 = tpu.vector_load %arg14[%get3A_657] {strides = array<i32>} : memref<400xf32, #tpu.memory_space<vmem>>, vector<16xf32>,
      %shift_right_logical3A_659 = arith.constant 4 : i32
      %shift_right_logical3A_660 = vector.broadcast %shift_right_logical3A_659 : i32 to vector<16xi32>
      %shift_right_logical3A_661 = arith.shrui %get3A_656, %shift_right_logical3A_660 : vector<16xi32>
      %and3A_662 = arith.constant 15 : i32
      %and3A_663 = vector.broadcast %and3A_662 : i32 to vector<16xi32>
      %and3A_664 = arith.andi %get3A_656, %and3A_663 : vector<16xi32>
      tpu.vector_store_idx %arg15[%shift_right_logical3A_661, %and3A_664], %get3A_658 {add = true} : memref<640x16xf32, #tpu.memory_space<vmem>>[vector<16xi32>, vector<16xi32>], vector<16xf32>,
      %get3A_665 = arith.constant 64 : index
      %get3A_666 = tpu.vector_load %arg10[%get3A_665] {strides = array<i32>} : memref<400xi32, #tpu.memory_space<vmem>>, vector<16xi32>,
      %get3A_667 = arith.constant 64 : index
      %get3A_668 = tpu.vector_load %arg14[%get3A_667] {strides = array<i32>} : memref<400xf32, #tpu.memory_space<vmem>>, vector<16xf32>,
      %shift_right_logical3A_669 = arith.constant 4 : i32
      %shift_right_logical3A_670 = vector.broadcast %shift_right_logical3A_669 : i32 to vector<16xi32>
      %shift_right_logical3A_671 = arith.shrui %get3A_666, %shift_right_logical3A_670 : vector<16xi32>
      %and3A_672 = arith.constant 15 : i32
      %and3A_673 = vector.broadcast %and3A_672 : i32 to vector<16xi32>
      %and3A_674 = arith.andi %get3A_666, %and3A_673 : vector<16xi32>
      tpu.vector_store_idx %arg15[%shift_right_logical3A_671, %and3A_674], %get3A_668 {add = true} : memref<640x16xf32, #tpu.memory_space<vmem>>[vector<16xi32>, vector<16xi32>], vector<16xf32>,
      %get3A_675 = arith.constant 80 : index
      %get3A_676 = tpu.vector_load %arg10[%get3A_675] {strides = array<i32>} : memref<400xi32, #tpu.memory_space<vmem>>, vector<16xi32>,
      %get3A_677 = arith.constant 80 : index
      %get3A_678 = tpu.vector_load %arg14[%get3A_677] {strides = array<i32>} : memref<400xf32, #tpu.memory_space<vmem>>, vector<16xf32>,
      %shift_right_logical3A_679 = arith.constant 4 : i32
      %shift_right_logical3A_680 = vector.broadcast %shift_right_logical3A_679 : i32 to vector<16xi32>
      %shift_right_logical3A_681 = arith.shrui %get3A_676, %shift_right_logical3A_680 : vector<16xi32>
      %and3A_682 = arith.constant 15 : i32
      %and3A_683 = vector.broadcast %and3A_682 : i32 to vector<16xi32>
      %and3A_684 = arith.andi %get3A_676, %and3A_683 : vector<16xi32>
      tpu.vector_store_idx %arg15[%shift_right_logical3A_681, %and3A_684], %get3A_678 {add = true} : memref<640x16xf32, #tpu.memory_space<vmem>>[vector<16xi32>, vector<16xi32>], vector<16xf32>,
      %get3A_685 = arith.constant 96 : index
      %get3A_686 = tpu.vector_load %arg10[%get3A_685] {strides = array<i32>} : memref<400xi32, #tpu.memory_space<vmem>>, vector<16xi32>,
      %get3A_687 = arith.constant 96 : index
      %get3A_688 = tpu.vector_load %arg14[%get3A_687] {strides = array<i32>} : memref<400xf32, #tpu.memory_space<vmem>>, vector<16xf32>,
      %shift_right_logical3A_689 = arith.constant 4 : i32
      %shift_right_logical3A_690 = vector.broadcast %shift_right_logical3A_689 : i32 to vector<16xi32>
      %shift_right_logical3A_691 = arith.shrui %get3A_686, %shift_right_logical3A_690 : vector<16xi32>
      %and3A_692 = arith.constant 15 : i32
      %and3A_693 = vector.broadcast %and3A_692 : i32 to vector<16xi32>
      %and3A_694 = arith.andi %get3A_686, %and3A_693 : vector<16xi32>
      tpu.vector_store_idx %arg15[%shift_right_logical3A_691, %and3A_694], %get3A_688 {add = true} : memref<640x16xf32, #tpu.memory_space<vmem>>[vector<16xi32>, vector<16xi32>], vector<16xf32>,
      %get3A_695 = arith.constant 112 : index
      %get3A_696 = tpu.vector_load %arg10[%get3A_695] {strides = array<i32>} : memref<400xi32, #tpu.memory_space<vmem>>, vector<16xi32>,
      %get3A_697 = arith.constant 112 : index
      %get3A_698 = tpu.vector_load %arg14[%get3A_697] {strides = array<i32>} : memref<400xf32, #tpu.memory_space<vmem>>, vector<16xf32>,
      %shift_right_logical3A_699 = arith.constant 4 : i32
      %shift_right_logical3A_700 = vector.broadcast %shift_right_logical3A_699 : i32 to vector<16xi32>
      %shift_right_logical3A_701 = arith.shrui %get3A_696, %shift_right_logical3A_700 : vector<16xi32>
      %and3A_702 = arith.constant 15 : i32
      %and3A_703 = vector.broadcast %and3A_702 : i32 to vector<16xi32>
      %and3A_704 = arith.andi %get3A_696, %and3A_703 : vector<16xi32>
      tpu.vector_store_idx %arg15[%shift_right_logical3A_701, %and3A_704], %get3A_698 {add = true} : memref<640x16xf32, #tpu.memory_space<vmem>>[vector<16xi32>, vector<16xi32>], vector<16xf32>,
      %get3A_705 = arith.constant 128 : index
      %get3A_706 = tpu.vector_load %arg10[%get3A_705] {strides = array<i32>} : memref<400xi32, #tpu.memory_space<vmem>>, vector<16xi32>,
      %get3A_707 = arith.constant 128 : index
      %get3A_708 = tpu.vector_load %arg14[%get3A_707] {strides = array<i32>} : memref<400xf32, #tpu.memory_space<vmem>>, vector<16xf32>,
      %shift_right_logical3A_709 = arith.constant 4 : i32
      %shift_right_logical3A_710 = vector.broadcast %shift_right_logical3A_709 : i32 to vector<16xi32>
      %shift_right_logical3A_711 = arith.shrui %get3A_706, %shift_right_logical3A_710 : vector<16xi32>
      %and3A_712 = arith.constant 15 : i32
      %and3A_713 = vector.broadcast %and3A_712 : i32 to vector<16xi32>
      %and3A_714 = arith.andi %get3A_706, %and3A_713 : vector<16xi32>
      tpu.vector_store_idx %arg15[%shift_right_logical3A_711, %and3A_714], %get3A_708 {add = true} : memref<640x16xf32, #tpu.memory_space<vmem>>[vector<16xi32>, vector<16xi32>], vector<16xf32>,
      %get3A_715 = arith.constant 144 : index
      %get3A_716 = tpu.vector_load %arg10[%get3A_715] {strides = array<i32>} : memref<400xi32, #tpu.memory_space<vmem>>, vector<16xi32>,
      %get3A_717 = arith.constant 144 : index
      %get3A_718 = tpu.vector_load %arg14[%get3A_717] {strides = array<i32>} : memref<400xf32, #tpu.memory_space<vmem>>, vector<16xf32>,
      %shift_right_logical3A_719 = arith.constant 4 : i32
      %shift_right_logical3A_720 = vector.broadcast %shift_right_logical3A_719 : i32 to vector<16xi32>
      %shift_right_logical3A_721 = arith.shrui %get3A_716, %shift_right_logical3A_720 : vector<16xi32>
      %and3A_722 = arith.constant 15 : i32
      %and3A_723 = vector.broadcast %and3A_722 : i32 to vector<16xi32>
      %and3A_724 = arith.andi %get3A_716, %and3A_723 : vector<16xi32>
      tpu.vector_store_idx %arg15[%shift_right_logical3A_721, %and3A_724], %get3A_718 {add = true} : memref<640x16xf32, #tpu.memory_space<vmem>>[vector<16xi32>, vector<16xi32>], vector<16xf32>,
      %get3A_725 = arith.constant 160 : index
      %get3A_726 = tpu.vector_load %arg10[%get3A_725] {strides = array<i32>} : memref<400xi32, #tpu.memory_space<vmem>>, vector<16xi32>,
      %get3A_727 = arith.constant 160 : index
      %get3A_728 = tpu.vector_load %arg14[%get3A_727] {strides = array<i32>} : memref<400xf32, #tpu.memory_space<vmem>>, vector<16xf32>,
      %shift_right_logical3A_729 = arith.constant 4 : i32
      %shift_right_logical3A_730 = vector.broadcast %shift_right_logical3A_729 : i32 to vector<16xi32>
      %shift_right_logical3A_731 = arith.shrui %get3A_726, %shift_right_logical3A_730 : vector<16xi32>
      %and3A_732 = arith.constant 15 : i32
      %and3A_733 = vector.broadcast %and3A_732 : i32 to vector<16xi32>
      %and3A_734 = arith.andi %get3A_726, %and3A_733 : vector<16xi32>
      tpu.vector_store_idx %arg15[%shift_right_logical3A_731, %and3A_734], %get3A_728 {add = true} : memref<640x16xf32, #tpu.memory_space<vmem>>[vector<16xi32>, vector<16xi32>], vector<16xf32>,
      %get3A_735 = arith.constant 176 : index
      %get3A_736 = tpu.vector_load %arg10[%get3A_735] {strides = array<i32>} : memref<400xi32, #tpu.memory_space<vmem>>, vector<16xi32>,
      %get3A_737 = arith.constant 176 : index
      %get3A_738 = tpu.vector_load %arg14[%get3A_737] {strides = array<i32>} : memref<400xf32, #tpu.memory_space<vmem>>, vector<16xf32>,
      %shift_right_logical3A_739 = arith.constant 4 : i32
      %shift_right_logical3A_740 = vector.broadcast %shift_right_logical3A_739 : i32 to vector<16xi32>
      %shift_right_logical3A_741 = arith.shrui %get3A_736, %shift_right_logical3A_740 : vector<16xi32>
      %and3A_742 = arith.constant 15 : i32
      %and3A_743 = vector.broadcast %and3A_742 : i32 to vector<16xi32>
      %and3A_744 = arith.andi %get3A_736, %and3A_743 : vector<16xi32>
      tpu.vector_store_idx %arg15[%shift_right_logical3A_741, %and3A_744], %get3A_738 {add = true} : memref<640x16xf32, #tpu.memory_space<vmem>>[vector<16xi32>, vector<16xi32>], vector<16xf32>,
      %get3A_745 = arith.constant 192 : index
      %get3A_746 = tpu.vector_load %arg10[%get3A_745] {strides = array<i32>} : memref<400xi32, #tpu.memory_space<vmem>>, vector<16xi32>,
      %get3A_747 = arith.constant 192 : index
      %get3A_748 = tpu.vector_load %arg14[%get3A_747] {strides = array<i32>} : memref<400xf32, #tpu.memory_space<vmem>>, vector<16xf32>,
      %shift_right_logical3A_749 = arith.constant 4 : i32
      %shift_right_logical3A_750 = vector.broadcast %shift_right_logical3A_749 : i32 to vector<16xi32>
      %shift_right_logical3A_751 = arith.shrui %get3A_746, %shift_right_logical3A_750 : vector<16xi32>
      %and3A_752 = arith.constant 15 : i32
      %and3A_753 = vector.broadcast %and3A_752 : i32 to vector<16xi32>
      %and3A_754 = arith.andi %get3A_746, %and3A_753 : vector<16xi32>
      tpu.vector_store_idx %arg15[%shift_right_logical3A_751, %and3A_754], %get3A_748 {add = true} : memref<640x16xf32, #tpu.memory_space<vmem>>[vector<16xi32>, vector<16xi32>], vector<16xf32>,
      %get3A_755 = arith.constant 208 : index
      %get3A_756 = tpu.vector_load %arg10[%get3A_755] {strides = array<i32>} : memref<400xi32, #tpu.memory_space<vmem>>, vector<16xi32>,
      %get3A_757 = arith.constant 208 : index
      %get3A_758 = tpu.vector_load %arg14[%get3A_757] {strides = array<i32>} : memref<400xf32, #tpu.memory_space<vmem>>, vector<16xf32>,
      %shift_right_logical3A_759 = arith.constant 4 : i32
      %shift_right_logical3A_760 = vector.broadcast %shift_right_logical3A_759 : i32 to vector<16xi32>
      %shift_right_logical3A_761 = arith.shrui %get3A_756, %shift_right_logical3A_760 : vector<16xi32>
      %and3A_762 = arith.constant 15 : i32
      %and3A_763 = vector.broadcast %and3A_762 : i32 to vector<16xi32>
      %and3A_764 = arith.andi %get3A_756, %and3A_763 : vector<16xi32>
      tpu.vector_store_idx %arg15[%shift_right_logical3A_761, %and3A_764], %get3A_758 {add = true} : memref<640x16xf32, #tpu.memory_space<vmem>>[vector<16xi32>, vector<16xi32>], vector<16xf32>,
      %get3A_765 = arith.constant 224 : index
      %get3A_766 = tpu.vector_load %arg10[%get3A_765] {strides = array<i32>} : memref<400xi32, #tpu.memory_space<vmem>>, vector<16xi32>,
      %get3A_767 = arith.constant 224 : index
      %get3A_768 = tpu.vector_load %arg14[%get3A_767] {strides = array<i32>} : memref<400xf32, #tpu.memory_space<vmem>>, vector<16xf32>,
      %shift_right_logical3A_769 = arith.constant 4 : i32
      %shift_right_logical3A_770 = vector.broadcast %shift_right_logical3A_769 : i32 to vector<16xi32>
      %shift_right_logical3A_771 = arith.shrui %get3A_766, %shift_right_logical3A_770 : vector<16xi32>
      %and3A_772 = arith.constant 15 : i32
      %and3A_773 = vector.broadcast %and3A_772 : i32 to vector<16xi32>
      %and3A_774 = arith.andi %get3A_766, %and3A_773 : vector<16xi32>
      tpu.vector_store_idx %arg15[%shift_right_logical3A_771, %and3A_774], %get3A_768 {add = true} : memref<640x16xf32, #tpu.memory_space<vmem>>[vector<16xi32>, vector<16xi32>], vector<16xf32>,
      %get3A_775 = arith.constant 240 : index
      %get3A_776 = tpu.vector_load %arg10[%get3A_775] {strides = array<i32>} : memref<400xi32, #tpu.memory_space<vmem>>, vector<16xi32>,
      %get3A_777 = arith.constant 240 : index
      %get3A_778 = tpu.vector_load %arg14[%get3A_777] {strides = array<i32>} : memref<400xf32, #tpu.memory_space<vmem>>, vector<16xf32>,
      %shift_right_logical3A_779 = arith.constant 4 : i32
      %shift_right_logical3A_780 = vector.broadcast %shift_right_logical3A_779 : i32 to vector<16xi32>
      %shift_right_logical3A_781 = arith.shrui %get3A_776, %shift_right_logical3A_780 : vector<16xi32>
      %and3A_782 = arith.constant 15 : i32
      %and3A_783 = vector.broadcast %and3A_782 : i32 to vector<16xi32>
      %and3A_784 = arith.andi %get3A_776, %and3A_783 : vector<16xi32>
      tpu.vector_store_idx %arg15[%shift_right_logical3A_781, %and3A_784], %get3A_778 {add = true} : memref<640x16xf32, #tpu.memory_space<vmem>>[vector<16xi32>, vector<16xi32>], vector<16xf32>,
      %get3A_785 = arith.constant 256 : index
      %get3A_786 = tpu.vector_load %arg10[%get3A_785] {strides = array<i32>} : memref<400xi32, #tpu.memory_space<vmem>>, vector<16xi32>,
      %get3A_787 = arith.constant 256 : index
      %get3A_788 = tpu.vector_load %arg14[%get3A_787] {strides = array<i32>} : memref<400xf32, #tpu.memory_space<vmem>>, vector<16xf32>,
      %shift_right_logical3A_789 = arith.constant 4 : i32
      %shift_right_logical3A_790 = vector.broadcast %shift_right_logical3A_789 : i32 to vector<16xi32>
      %shift_right_logical3A_791 = arith.shrui %get3A_786, %shift_right_logical3A_790 : vector<16xi32>
      %and3A_792 = arith.constant 15 : i32
      %and3A_793 = vector.broadcast %and3A_792 : i32 to vector<16xi32>
      %and3A_794 = arith.andi %get3A_786, %and3A_793 : vector<16xi32>
      tpu.vector_store_idx %arg15[%shift_right_logical3A_791, %and3A_794], %get3A_788 {add = true} : memref<640x16xf32, #tpu.memory_space<vmem>>[vector<16xi32>, vector<16xi32>], vector<16xf32>,
      %get3A_795 = arith.constant 272 : index
      %get3A_796 = tpu.vector_load %arg10[%get3A_795] {strides = array<i32>} : memref<400xi32, #tpu.memory_space<vmem>>, vector<16xi32>,
      %get3A_797 = arith.constant 272 : index
      %get3A_798 = tpu.vector_load %arg14[%get3A_797] {strides = array<i32>} : memref<400xf32, #tpu.memory_space<vmem>>, vector<16xf32>,
      %shift_right_logical3A_799 = arith.constant 4 : i32
      %shift_right_logical3A_800 = vector.broadcast %shift_right_logical3A_799 : i32 to vector<16xi32>
      %shift_right_logical3A_801 = arith.shrui %get3A_796, %shift_right_logical3A_800 : vector<16xi32>
      %and3A_802 = arith.constant 15 : i32
      %and3A_803 = vector.broadcast %and3A_802 : i32 to vector<16xi32>
      %and3A_804 = arith.andi %get3A_796, %and3A_803 : vector<16xi32>
      tpu.vector_store_idx %arg15[%shift_right_logical3A_801, %and3A_804], %get3A_798 {add = true} : memref<640x16xf32, #tpu.memory_space<vmem>>[vector<16xi32>, vector<16xi32>], vector<16xf32>,
      %get3A_805 = arith.constant 288 : index
      %get3A_806 = tpu.vector_load %arg10[%get3A_805] {strides = array<i32>} : memref<400xi32, #tpu.memory_space<vmem>>, vector<16xi32>,
      %get3A_807 = arith.constant 288 : index
      %get3A_808 = tpu.vector_load %arg14[%get3A_807] {strides = array<i32>} : memref<400xf32, #tpu.memory_space<vmem>>, vector<16xf32>,
      %shift_right_logical3A_809 = arith.constant 4 : i32
      %shift_right_logical3A_810 = vector.broadcast %shift_right_logical3A_809 : i32 to vector<16xi32>
      %shift_right_logical3A_811 = arith.shrui %get3A_806, %shift_right_logical3A_810 : vector<16xi32>
      %and3A_812 = arith.constant 15 : i32
      %and3A_813 = vector.broadcast %and3A_812 : i32 to vector<16xi32>
      %and3A_814 = arith.andi %get3A_806, %and3A_813 : vector<16xi32>
      tpu.vector_store_idx %arg15[%shift_right_logical3A_811, %and3A_814], %get3A_808 {add = true} : memref<640x16xf32, #tpu.memory_space<vmem>>[vector<16xi32>, vector<16xi32>], vector<16xf32>,
      %get3A_815 = arith.constant 304 : index
      %get3A_816 = tpu.vector_load %arg10[%get3A_815] {strides = array<i32>} : memref<400xi32, #tpu.memory_space<vmem>>, vector<16xi32>,
      %get3A_817 = arith.constant 304 : index
      %get3A_818 = tpu.vector_load %arg14[%get3A_817] {strides = array<i32>} : memref<400xf32, #tpu.memory_space<vmem>>, vector<16xf32>,
      %shift_right_logical3A_819 = arith.constant 4 : i32
      %shift_right_logical3A_820 = vector.broadcast %shift_right_logical3A_819 : i32 to vector<16xi32>
      %shift_right_logical3A_821 = arith.shrui %get3A_816, %shift_right_logical3A_820 : vector<16xi32>
      %and3A_822 = arith.constant 15 : i32
      %and3A_823 = vector.broadcast %and3A_822 : i32 to vector<16xi32>
      %and3A_824 = arith.andi %get3A_816, %and3A_823 : vector<16xi32>
      tpu.vector_store_idx %arg15[%shift_right_logical3A_821, %and3A_824], %get3A_818 {add = true} : memref<640x16xf32, #tpu.memory_space<vmem>>[vector<16xi32>, vector<16xi32>], vector<16xf32>,
      %get3A_825 = arith.constant 320 : index
      %get3A_826 = tpu.vector_load %arg10[%get3A_825] {strides = array<i32>} : memref<400xi32, #tpu.memory_space<vmem>>, vector<16xi32>,
      %get3A_827 = arith.constant 320 : index
      %get3A_828 = tpu.vector_load %arg14[%get3A_827] {strides = array<i32>} : memref<400xf32, #tpu.memory_space<vmem>>, vector<16xf32>,
      %shift_right_logical3A_829 = arith.constant 4 : i32
      %shift_right_logical3A_830 = vector.broadcast %shift_right_logical3A_829 : i32 to vector<16xi32>
      %shift_right_logical3A_831 = arith.shrui %get3A_826, %shift_right_logical3A_830 : vector<16xi32>
      %and3A_832 = arith.constant 15 : i32
      %and3A_833 = vector.broadcast %and3A_832 : i32 to vector<16xi32>
      %and3A_834 = arith.andi %get3A_826, %and3A_833 : vector<16xi32>
      tpu.vector_store_idx %arg15[%shift_right_logical3A_831, %and3A_834], %get3A_828 {add = true} : memref<640x16xf32, #tpu.memory_space<vmem>>[vector<16xi32>, vector<16xi32>], vector<16xf32>,
      %get3A_835 = arith.constant 336 : index
      %get3A_836 = tpu.vector_load %arg10[%get3A_835] {strides = array<i32>} : memref<400xi32, #tpu.memory_space<vmem>>, vector<16xi32>,
      %get3A_837 = arith.constant 336 : index
      %get3A_838 = tpu.vector_load %arg14[%get3A_837] {strides = array<i32>} : memref<400xf32, #tpu.memory_space<vmem>>, vector<16xf32>,
      %shift_right_logical3A_839 = arith.constant 4 : i32
      %shift_right_logical3A_840 = vector.broadcast %shift_right_logical3A_839 : i32 to vector<16xi32>
      %shift_right_logical3A_841 = arith.shrui %get3A_836, %shift_right_logical3A_840 : vector<16xi32>
      %and3A_842 = arith.constant 15 : i32
      %and3A_843 = vector.broadcast %and3A_842 : i32 to vector<16xi32>
      %and3A_844 = arith.andi %get3A_836, %and3A_843 : vector<16xi32>
      tpu.vector_store_idx %arg15[%shift_right_logical3A_841, %and3A_844], %get3A_838 {add = true} : memref<640x16xf32, #tpu.memory_space<vmem>>[vector<16xi32>, vector<16xi32>], vector<16xf32>,
      %get3A_845 = arith.constant 352 : index
      %get3A_846 = tpu.vector_load %arg10[%get3A_845] {strides = array<i32>} : memref<400xi32, #tpu.memory_space<vmem>>, vector<16xi32>,
      %get3A_847 = arith.constant 352 : index
      %get3A_848 = tpu.vector_load %arg14[%get3A_847] {strides = array<i32>} : memref<400xf32, #tpu.memory_space<vmem>>, vector<16xf32>,
      %shift_right_logical3A_849 = arith.constant 4 : i32
      %shift_right_logical3A_850 = vector.broadcast %shift_right_logical3A_849 : i32 to vector<16xi32>
      %shift_right_logical3A_851 = arith.shrui %get3A_846, %shift_right_logical3A_850 : vector<16xi32>
      %and3A_852 = arith.constant 15 : i32
      %and3A_853 = vector.broadcast %and3A_852 : i32 to vector<16xi32>
      %and3A_854 = arith.andi %get3A_846, %and3A_853 : vector<16xi32>
      tpu.vector_store_idx %arg15[%shift_right_logical3A_851, %and3A_854], %get3A_848 {add = true} : memref<640x16xf32, #tpu.memory_space<vmem>>[vector<16xi32>, vector<16xi32>], vector<16xf32>,
      %get3A_855 = arith.constant 368 : index
      %get3A_856 = tpu.vector_load %arg10[%get3A_855] {strides = array<i32>} : memref<400xi32, #tpu.memory_space<vmem>>, vector<16xi32>,
      %get3A_857 = arith.constant 368 : index
      %get3A_858 = tpu.vector_load %arg14[%get3A_857] {strides = array<i32>} : memref<400xf32, #tpu.memory_space<vmem>>, vector<16xf32>,
      %shift_right_logical3A_859 = arith.constant 4 : i32
      %shift_right_logical3A_860 = vector.broadcast %shift_right_logical3A_859 : i32 to vector<16xi32>
      %shift_right_logical3A_861 = arith.shrui %get3A_856, %shift_right_logical3A_860 : vector<16xi32>
      %and3A_862 = arith.constant 15 : i32
      %and3A_863 = vector.broadcast %and3A_862 : i32 to vector<16xi32>
      %and3A_864 = arith.andi %get3A_856, %and3A_863 : vector<16xi32>
      tpu.vector_store_idx %arg15[%shift_right_logical3A_861, %and3A_864], %get3A_858 {add = true} : memref<640x16xf32, #tpu.memory_space<vmem>>[vector<16xi32>, vector<16xi32>], vector<16xf32>,
      %get3A_865 = arith.constant 384 : index
      %get3A_866 = tpu.vector_load %arg10[%get3A_865] {strides = array<i32>} : memref<400xi32, #tpu.memory_space<vmem>>, vector<16xi32>,
      %get3A_867 = arith.constant 384 : index
      %get3A_868 = tpu.vector_load %arg14[%get3A_867] {strides = array<i32>} : memref<400xf32, #tpu.memory_space<vmem>>, vector<16xf32>,
      %shift_right_logical3A_869 = arith.constant 4 : i32
      %shift_right_logical3A_870 = vector.broadcast %shift_right_logical3A_869 : i32 to vector<16xi32>
      %shift_right_logical3A_871 = arith.shrui %get3A_866, %shift_right_logical3A_870 : vector<16xi32>
      %and3A_872 = arith.constant 15 : i32
      %and3A_873 = vector.broadcast %and3A_872 : i32 to vector<16xi32>
      %and3A_874 = arith.andi %get3A_866, %and3A_873 : vector<16xi32>
      tpu.vector_store_idx %arg15[%shift_right_logical3A_871, %and3A_874], %get3A_868 {add = true} : memref<640x16xf32, #tpu.memory_space<vmem>>[vector<16xi32>, vector<16xi32>], vector<16xf32>,
      "tpu.region"() ({
        %run_scoped3A = tpu.sem_alloc : memref<!tpu.dma_semaphore, #tpu.memory_space<semaphore_mem>>
        %dma_start3A_875 = tpu.memref_slice %arg8[%add3A_364] : memref<320000xf32, #tpu.memory_space<hbm>> -> memref<400xf32, #tpu.memory_space<hbm>>
        %dma_start3A_876 = tpu.memref_slice %arg8[%add3A_364] : memref<320000xf32, #tpu.memory_space<hbm>> -> memref<400xf32, #tpu.memory_space<hbm>>
        tpu.enqueue_dma source(%arg14 : memref<400xf32, #tpu.memory_space<vmem>>) target(%dma_start3A_876 : memref<400xf32, #tpu.memory_space<hbm>>) target_semaphore(%run_scoped3A : memref<!tpu.dma_semaphore, #tpu.memory_space<semaphore_mem>>)
        %dma_wait3A_877 = tpu.memref_slice %arg8[%add3A_364] : memref<320000xf32, #tpu.memory_space<hbm>> -> memref<400xf32, #tpu.memory_space<hbm>>
        %dma_wait3A_878 = tpu.memref_slice %arg8[%add3A_364] : memref<320000xf32, #tpu.memory_space<hbm>> -> memref<400xf32, #tpu.memory_space<hbm>>
        tpu.wait_dma2 semaphore(%run_scoped3A : memref<!tpu.dma_semaphore, #tpu.memory_space<semaphore_mem>>) src(%arg14 : memref<400xf32, #tpu.memory_space<vmem>>) dst(%dma_wait3A_878 : memref<400xf32, #tpu.memory_space<hbm>>)
        tpu.yield
      }) : () -> ()
    }
    %scan3A_346 = arith.constant 25 : i32
    %eq3A = arith.constant 0 : i32
    %eq3A_347 = arith.cmpi eq, %arg1, %eq3A : i32
    %convert_element_type3A = arith.extui %eq3A_347 : i1 to i32
    %cond3A = arith.constant 0 : i32
    %cond3A_348 = arith.cmpi ne, %convert_element_type3A, %cond3A : i32
    scf.if %cond3A_348 {
      "tpu.region"() ({
        %run_scoped3A = tpu.sem_alloc : memref<!tpu.dma_semaphore, #tpu.memory_space<semaphore_mem>>
        tpu.enqueue_dma source(%arg15 : memref<640x16xf32, #tpu.memory_space<vmem>>) target(%arg19 : memref<640x16xf32, #tpu.memory_space<vmem_shared>>) target_semaphore(%run_scoped3A : memref<!tpu.dma_semaphore, #tpu.memory_space<semaphore_mem>>)
        tpu.wait_dma2 semaphore(%run_scoped3A : memref<!tpu.dma_semaphore, #tpu.memory_space<semaphore_mem>>) src(%arg15 : memref<640x16xf32, #tpu.memory_space<vmem>>) dst(%arg19 : memref<640x16xf32, #tpu.memory_space<vmem_shared>>)
        tpu.yield
      }) : () -> ()
    } else {
    }
    %barrier3A = arith.constant 0 : index
    tpu.barrier barrier_id(%barrier3A)
    %ne3A = arith.constant 0 : i32
    %ne3A_349 = arith.cmpi ne, %arg1, %ne3A : i32
    %convert_element_type3A_350 = arith.extui %ne3A_349 : i1 to i32
    %cond3A_351 = arith.constant 0 : i32
    %cond3A_352 = arith.cmpi ne, %convert_element_type3A_350, %cond3A_351 : i32
    scf.if %cond3A_352 {
      %run_scoped3A = arith.constant 0 : i32
      "tpu.region"() ({
        %run_scoped3A_363 = tpu.sem_alloc : memref<!tpu.dma_semaphore, #tpu.memory_space<semaphore_mem>>
        %dma_start3A = arith.constant 0 : i32
        %dma_start3A_364 = arith.constant 0 : i32
        %dma_start3A_365 = tpu.memref_slice %arg15[%dma_start3A, %dma_start3A_364] : memref<640x16xf32, #tpu.memory_space<vmem>> -> memref<128x16xf32, #tpu.memory_space<vmem>>
        %dma_start3A_366 = arith.constant 0 : i32
        %dma_start3A_367 = tpu.memref_slice %arg18[%run_scoped3A, %dma_start3A_366] : memref<5x128xi32, #tpu.memory_space<vmem>> -> memref<1x128xi32, #tpu.memory_space<vmem>>
        %dma_start3A_368 = tpu.memref_squeeze %dma_start3A_367 : memref<1x128xi32, #tpu.memory_space<vmem>> -> memref<128xi32, #tpu.memory_space<vmem>>
        %dma_start3A_369 = arith.constant 0 : i32
        %dma_start3A_370 = arith.constant 0 : i32
        %dma_start3A_371 = tpu.memref_slice %arg19[%dma_start3A_369, %dma_start3A_370] : memref<640x16xf32, #tpu.memory_space<vmem_shared>> -> memref<640x16xf32, #tpu.memory_space<vmem_shared>>
        tpu.enqueue_indirect_dma source(%dma_start3A_365 : memref<128x16xf32, #tpu.memory_space<vmem>>) target(%dma_start3A_371 : memref<640x16xf32, #tpu.memory_space<vmem_shared>>) offsets(%dma_start3A_368 : memref<128xi32, #tpu.memory_space<vmem>>) semaphore(%run_scoped3A_363 : memref<!tpu.dma_semaphore, #tpu.memory_space<semaphore_mem>>) {add = true}
        %dma_wait3A = arith.constant 0 : i32
        %dma_wait3A_372 = arith.constant 0 : i32
        %dma_wait3A_373 = tpu.memref_slice %arg15[%dma_wait3A, %dma_wait3A_372] : memref<640x16xf32, #tpu.memory_space<vmem>> -> memref<128x16xf32, #tpu.memory_space<vmem>>
        %dma_wait3A_374 = arith.constant 0 : i32
        %dma_wait3A_375 = tpu.memref_slice %arg18[%run_scoped3A, %dma_wait3A_374] : memref<5x128xi32, #tpu.memory_space<vmem>> -> memref<1x128xi32, #tpu.memory_space<vmem>>
        %dma_wait3A_376 = tpu.memref_squeeze %dma_wait3A_375 : memref<1x128xi32, #tpu.memory_space<vmem>> -> memref<128xi32, #tpu.memory_space<vmem>>
        %dma_wait3A_377 = arith.constant 0 : i32
        %dma_wait3A_378 = arith.constant 0 : i32
        %dma_wait3A_379 = tpu.memref_slice %arg19[%dma_wait3A_377, %dma_wait3A_378] : memref<640x16xf32, #tpu.memory_space<vmem_shared>> -> memref<640x16xf32, #tpu.memory_space<vmem_shared>>
        tpu.wait_indirect_dma semaphore(%run_scoped3A_363 : memref<!tpu.dma_semaphore, #tpu.memory_space<semaphore_mem>>) src(%dma_wait3A_373 : memref<128x16xf32, #tpu.memory_space<vmem>>) dst(%dma_wait3A_379 : memref<640x16xf32, #tpu.memory_space<vmem_shared>>)
        tpu.yield
      }) : () -> ()
      %run_scoped3A_359 = arith.constant 1 : i32
      "tpu.region"() ({
        %run_scoped3A_363 = tpu.sem_alloc : memref<!tpu.dma_semaphore, #tpu.memory_space<semaphore_mem>>
        %dma_start3A = arith.constant 128 : i32
        %dma_start3A_364 = arith.constant 0 : i32
        %dma_start3A_365 = tpu.memref_slice %arg15[%dma_start3A, %dma_start3A_364] : memref<640x16xf32, #tpu.memory_space<vmem>> -> memref<128x16xf32, #tpu.memory_space<vmem>>
        %dma_start3A_366 = arith.constant 0 : i32
        %dma_start3A_367 = tpu.memref_slice %arg18[%run_scoped3A_359, %dma_start3A_366] : memref<5x128xi32, #tpu.memory_space<vmem>> -> memref<1x128xi32, #tpu.memory_space<vmem>>
        %dma_start3A_368 = tpu.memref_squeeze %dma_start3A_367 : memref<1x128xi32, #tpu.memory_space<vmem>> -> memref<128xi32, #tpu.memory_space<vmem>>
        %dma_start3A_369 = arith.constant 0 : i32
        %dma_start3A_370 = arith.constant 0 : i32
        %dma_start3A_371 = tpu.memref_slice %arg19[%dma_start3A_369, %dma_start3A_370] : memref<640x16xf32, #tpu.memory_space<vmem_shared>> -> memref<640x16xf32, #tpu.memory_space<vmem_shared>>
        tpu.enqueue_indirect_dma source(%dma_start3A_365 : memref<128x16xf32, #tpu.memory_space<vmem>>) target(%dma_start3A_371 : memref<640x16xf32, #tpu.memory_space<vmem_shared>>) offsets(%dma_start3A_368 : memref<128xi32, #tpu.memory_space<vmem>>) semaphore(%run_scoped3A_363 : memref<!tpu.dma_semaphore, #tpu.memory_space<semaphore_mem>>) {add = true}
        %dma_wait3A = arith.constant 128 : i32
        %dma_wait3A_372 = arith.constant 0 : i32
        %dma_wait3A_373 = tpu.memref_slice %arg15[%dma_wait3A, %dma_wait3A_372] : memref<640x16xf32, #tpu.memory_space<vmem>> -> memref<128x16xf32, #tpu.memory_space<vmem>>
        %dma_wait3A_374 = arith.constant 0 : i32
        %dma_wait3A_375 = tpu.memref_slice %arg18[%run_scoped3A_359, %dma_wait3A_374] : memref<5x128xi32, #tpu.memory_space<vmem>> -> memref<1x128xi32, #tpu.memory_space<vmem>>
        %dma_wait3A_376 = tpu.memref_squeeze %dma_wait3A_375 : memref<1x128xi32, #tpu.memory_space<vmem>> -> memref<128xi32, #tpu.memory_space<vmem>>
        %dma_wait3A_377 = arith.constant 0 : i32
        %dma_wait3A_378 = arith.constant 0 : i32
        %dma_wait3A_379 = tpu.memref_slice %arg19[%dma_wait3A_377, %dma_wait3A_378] : memref<640x16xf32, #tpu.memory_space<vmem_shared>> -> memref<640x16xf32, #tpu.memory_space<vmem_shared>>
        tpu.wait_indirect_dma semaphore(%run_scoped3A_363 : memref<!tpu.dma_semaphore, #tpu.memory_space<semaphore_mem>>) src(%dma_wait3A_373 : memref<128x16xf32, #tpu.memory_space<vmem>>) dst(%dma_wait3A_379 : memref<640x16xf32, #tpu.memory_space<vmem_shared>>)
        tpu.yield
      }) : () -> ()
      %run_scoped3A_360 = arith.constant 2 : i32
      "tpu.region"() ({
        %run_scoped3A_363 = tpu.sem_alloc : memref<!tpu.dma_semaphore, #tpu.memory_space<semaphore_mem>>
        %dma_start3A = arith.constant 256 : i32
        %dma_start3A_364 = arith.constant 0 : i32
        %dma_start3A_365 = tpu.memref_slice %arg15[%dma_start3A, %dma_start3A_364] : memref<640x16xf32, #tpu.memory_space<vmem>> -> memref<128x16xf32, #tpu.memory_space<vmem>>
        %dma_start3A_366 = arith.constant 0 : i32
        %dma_start3A_367 = tpu.memref_slice %arg18[%run_scoped3A_360, %dma_start3A_366] : memref<5x128xi32, #tpu.memory_space<vmem>> -> memref<1x128xi32, #tpu.memory_space<vmem>>
        %dma_start3A_368 = tpu.memref_squeeze %dma_start3A_367 : memref<1x128xi32, #tpu.memory_space<vmem>> -> memref<128xi32, #tpu.memory_space<vmem>>
        %dma_start3A_369 = arith.constant 0 : i32
        %dma_start3A_370 = arith.constant 0 : i32
        %dma_start3A_371 = tpu.memref_slice %arg19[%dma_start3A_369, %dma_start3A_370] : memref<640x16xf32, #tpu.memory_space<vmem_shared>> -> memref<640x16xf32, #tpu.memory_space<vmem_shared>>
        tpu.enqueue_indirect_dma source(%dma_start3A_365 : memref<128x16xf32, #tpu.memory_space<vmem>>) target(%dma_start3A_371 : memref<640x16xf32, #tpu.memory_space<vmem_shared>>) offsets(%dma_start3A_368 : memref<128xi32, #tpu.memory_space<vmem>>) semaphore(%run_scoped3A_363 : memref<!tpu.dma_semaphore, #tpu.memory_space<semaphore_mem>>) {add = true}
        %dma_wait3A = arith.constant 256 : i32
        %dma_wait3A_372 = arith.constant 0 : i32
        %dma_wait3A_373 = tpu.memref_slice %arg15[%dma_wait3A, %dma_wait3A_372] : memref<640x16xf32, #tpu.memory_space<vmem>> -> memref<128x16xf32, #tpu.memory_space<vmem>>
        %dma_wait3A_374 = arith.constant 0 : i32
        %dma_wait3A_375 = tpu.memref_slice %arg18[%run_scoped3A_360, %dma_wait3A_374] : memref<5x128xi32, #tpu.memory_space<vmem>> -> memref<1x128xi32, #tpu.memory_space<vmem>>
        %dma_wait3A_376 = tpu.memref_squeeze %dma_wait3A_375 : memref<1x128xi32, #tpu.memory_space<vmem>> -> memref<128xi32, #tpu.memory_space<vmem>>
        %dma_wait3A_377 = arith.constant 0 : i32
        %dma_wait3A_378 = arith.constant 0 : i32
        %dma_wait3A_379 = tpu.memref_slice %arg19[%dma_wait3A_377, %dma_wait3A_378] : memref<640x16xf32, #tpu.memory_space<vmem_shared>> -> memref<640x16xf32, #tpu.memory_space<vmem_shared>>
        tpu.wait_indirect_dma semaphore(%run_scoped3A_363 : memref<!tpu.dma_semaphore, #tpu.memory_space<semaphore_mem>>) src(%dma_wait3A_373 : memref<128x16xf32, #tpu.memory_space<vmem>>) dst(%dma_wait3A_379 : memref<640x16xf32, #tpu.memory_space<vmem_shared>>)
        tpu.yield
      }) : () -> ()
      %run_scoped3A_361 = arith.constant 3 : i32
      "tpu.region"() ({
        %run_scoped3A_363 = tpu.sem_alloc : memref<!tpu.dma_semaphore, #tpu.memory_space<semaphore_mem>>
        %dma_start3A = arith.constant 384 : i32
        %dma_start3A_364 = arith.constant 0 : i32
        %dma_start3A_365 = tpu.memref_slice %arg15[%dma_start3A, %dma_start3A_364] : memref<640x16xf32, #tpu.memory_space<vmem>> -> memref<128x16xf32, #tpu.memory_space<vmem>>
        %dma_start3A_366 = arith.constant 0 : i32
        %dma_start3A_367 = tpu.memref_slice %arg18[%run_scoped3A_361, %dma_start3A_366] : memref<5x128xi32, #tpu.memory_space<vmem>> -> memref<1x128xi32, #tpu.memory_space<vmem>>
        %dma_start3A_368 = tpu.memref_squeeze %dma_start3A_367 : memref<1x128xi32, #tpu.memory_space<vmem>> -> memref<128xi32, #tpu.memory_space<vmem>>
        %dma_start3A_369 = arith.constant 0 : i32
        %dma_start3A_370 = arith.constant 0 : i32
        %dma_start3A_371 = tpu.memref_slice %arg19[%dma_start3A_369, %dma_start3A_370] : memref<640x16xf32, #tpu.memory_space<vmem_shared>> -> memref<640x16xf32, #tpu.memory_space<vmem_shared>>
        tpu.enqueue_indirect_dma source(%dma_start3A_365 : memref<128x16xf32, #tpu.memory_space<vmem>>) target(%dma_start3A_371 : memref<640x16xf32, #tpu.memory_space<vmem_shared>>) offsets(%dma_start3A_368 : memref<128xi32, #tpu.memory_space<vmem>>) semaphore(%run_scoped3A_363 : memref<!tpu.dma_semaphore, #tpu.memory_space<semaphore_mem>>) {add = true}
        %dma_wait3A = arith.constant 384 : i32
        %dma_wait3A_372 = arith.constant 0 : i32
        %dma_wait3A_373 = tpu.memref_slice %arg15[%dma_wait3A, %dma_wait3A_372] : memref<640x16xf32, #tpu.memory_space<vmem>> -> memref<128x16xf32, #tpu.memory_space<vmem>>
        %dma_wait3A_374 = arith.constant 0 : i32
        %dma_wait3A_375 = tpu.memref_slice %arg18[%run_scoped3A_361, %dma_wait3A_374] : memref<5x128xi32, #tpu.memory_space<vmem>> -> memref<1x128xi32, #tpu.memory_space<vmem>>
        %dma_wait3A_376 = tpu.memref_squeeze %dma_wait3A_375 : memref<1x128xi32, #tpu.memory_space<vmem>> -> memref<128xi32, #tpu.memory_space<vmem>>
        %dma_wait3A_377 = arith.constant 0 : i32
        %dma_wait3A_378 = arith.constant 0 : i32
        %dma_wait3A_379 = tpu.memref_slice %arg19[%dma_wait3A_377, %dma_wait3A_378] : memref<640x16xf32, #tpu.memory_space<vmem_shared>> -> memref<640x16xf32, #tpu.memory_space<vmem_shared>>
        tpu.wait_indirect_dma semaphore(%run_scoped3A_363 : memref<!tpu.dma_semaphore, #tpu.memory_space<semaphore_mem>>) src(%dma_wait3A_373 : memref<128x16xf32, #tpu.memory_space<vmem>>) dst(%dma_wait3A_379 : memref<640x16xf32, #tpu.memory_space<vmem_shared>>)
        tpu.yield
      }) : () -> ()
      %run_scoped3A_362 = arith.constant 4 : i32
      "tpu.region"() ({
        %run_scoped3A_363 = tpu.sem_alloc : memref<!tpu.dma_semaphore, #tpu.memory_space<semaphore_mem>>
        %dma_start3A = arith.constant 512 : i32
        %dma_start3A_364 = arith.constant 0 : i32
        %dma_start3A_365 = tpu.memref_slice %arg15[%dma_start3A, %dma_start3A_364] : memref<640x16xf32, #tpu.memory_space<vmem>> -> memref<128x16xf32, #tpu.memory_space<vmem>>
        %dma_start3A_366 = arith.constant 0 : i32
        %dma_start3A_367 = tpu.memref_slice %arg18[%run_scoped3A_362, %dma_start3A_366] : memref<5x128xi32, #tpu.memory_space<vmem>> -> memref<1x128xi32, #tpu.memory_space<vmem>>
        %dma_start3A_368 = tpu.memref_squeeze %dma_start3A_367 : memref<1x128xi32, #tpu.memory_space<vmem>> -> memref<128xi32, #tpu.memory_space<vmem>>
        %dma_start3A_369 = arith.constant 0 : i32
        %dma_start3A_370 = arith.constant 0 : i32
        %dma_start3A_371 = tpu.memref_slice %arg19[%dma_start3A_369, %dma_start3A_370] : memref<640x16xf32, #tpu.memory_space<vmem_shared>> -> memref<640x16xf32, #tpu.memory_space<vmem_shared>>
        tpu.enqueue_indirect_dma source(%dma_start3A_365 : memref<128x16xf32, #tpu.memory_space<vmem>>) target(%dma_start3A_371 : memref<640x16xf32, #tpu.memory_space<vmem_shared>>) offsets(%dma_start3A_368 : memref<128xi32, #tpu.memory_space<vmem>>) semaphore(%run_scoped3A_363 : memref<!tpu.dma_semaphore, #tpu.memory_space<semaphore_mem>>) {add = true}
        %dma_wait3A = arith.constant 512 : i32
        %dma_wait3A_372 = arith.constant 0 : i32
        %dma_wait3A_373 = tpu.memref_slice %arg15[%dma_wait3A, %dma_wait3A_372] : memref<640x16xf32, #tpu.memory_space<vmem>> -> memref<128x16xf32, #tpu.memory_space<vmem>>
        %dma_wait3A_374 = arith.constant 0 : i32
        %dma_wait3A_375 = tpu.memref_slice %arg18[%run_scoped3A_362, %dma_wait3A_374] : memref<5x128xi32, #tpu.memory_space<vmem>> -> memref<1x128xi32, #tpu.memory_space<vmem>>
        %dma_wait3A_376 = tpu.memref_squeeze %dma_wait3A_375 : memref<1x128xi32, #tpu.memory_space<vmem>> -> memref<128xi32, #tpu.memory_space<vmem>>
        %dma_wait3A_377 = arith.constant 0 : i32
        %dma_wait3A_378 = arith.constant 0 : i32
        %dma_wait3A_379 = tpu.memref_slice %arg19[%dma_wait3A_377, %dma_wait3A_378] : memref<640x16xf32, #tpu.memory_space<vmem_shared>> -> memref<640x16xf32, #tpu.memory_space<vmem_shared>>
        tpu.wait_indirect_dma semaphore(%run_scoped3A_363 : memref<!tpu.dma_semaphore, #tpu.memory_space<semaphore_mem>>) src(%dma_wait3A_373 : memref<128x16xf32, #tpu.memory_space<vmem>>) dst(%dma_wait3A_379 : memref<640x16xf32, #tpu.memory_space<vmem_shared>>)
        tpu.yield
      }) : () -> ()
    } else {
    }
    %barrier3A_353 = arith.constant 0 : index
    tpu.barrier barrier_id(%barrier3A_353)
    %eq3A_354 = arith.constant 0 : i32
    %eq3A_355 = arith.cmpi eq, %arg1, %eq3A_354 : i32
    %convert_element_type3A_356 = arith.extui %eq3A_355 : i1 to i32
    %cond3A_357 = arith.constant 0 : i32
    %cond3A_358 = arith.cmpi ne, %convert_element_type3A_356, %cond3A_357 : i32
    scf.if %cond3A_358 {
      "tpu.region"() ({
        %run_scoped3A = tpu.sem_alloc : memref<!tpu.dma_semaphore, #tpu.memory_space<semaphore_mem>>
        %dma_start3A = arith.constant 0 : i32
        %dma_start3A_359 = arith.constant 0 : i32
        %dma_start3A_360 = tpu.memref_slice %arg9[%arg0, %dma_start3A, %dma_start3A_359] : memref<2x640x16xf32, #tpu.memory_space<hbm>> -> memref<1x640x16xf32, #tpu.memory_space<hbm>>
        %dma_start3A_361 = tpu.memref_squeeze %dma_start3A_360 : memref<1x640x16xf32, #tpu.memory_space<hbm>> -> memref<640x16xf32, #tpu.memory_space<hbm>>
        tpu.enqueue_dma source(%arg19 : memref<640x16xf32, #tpu.memory_space<vmem_shared>>) target(%dma_start3A_361 : memref<640x16xf32, #tpu.memory_space<hbm>>) target_semaphore(%run_scoped3A : memref<!tpu.dma_semaphore, #tpu.memory_space<semaphore_mem>>)
        %dma_wait3A = arith.constant 0 : i32
        %dma_wait3A_362 = arith.constant 0 : i32
        %dma_wait3A_363 = tpu.memref_slice %arg9[%arg0, %dma_wait3A, %dma_wait3A_362] : memref<2x640x16xf32, #tpu.memory_space<hbm>> -> memref<1x640x16xf32, #tpu.memory_space<hbm>>
        %dma_wait3A_364 = tpu.memref_squeeze %dma_wait3A_363 : memref<1x640x16xf32, #tpu.memory_space<hbm>> -> memref<640x16xf32, #tpu.memory_space<hbm>>
        tpu.wait_dma2 semaphore(%run_scoped3A : memref<!tpu.dma_semaphore, #tpu.memory_space<semaphore_mem>>) src(%arg19 : memref<640x16xf32, #tpu.memory_space<vmem_shared>>) dst(%dma_wait3A_364 : memref<640x16xf32, #tpu.memory_space<hbm>>)
        tpu.yield
      }) : () -> ()
    } else {
    }
    return
  }
}

module attributes {stable_mosaic.version = 14 : i64} {
  func.func @_proj_body(%arg0: i32, %arg1: memref<1000x128xf32, #tpu.memory_space<vmem>>, %arg2: memref<128x128xf32, #tpu.memory_space<vmem>>, %arg3: memref<128x128xf32, #tpu.memory_space<vmem>>, %arg4: memref<1x128xf32, #tpu.memory_space<vmem>>, %arg5: memref<1000x128xf32, #tpu.memory_space<vmem>>, %arg6: memref<1000x128xf32, #tpu.memory_space<vmem>>) attributes {dimension_semantics = [#tpu.dimension_semantics<arbitrary>], iteration_bounds = array<i64: 10>, scalar_prefetch = 0 : i64, scratch_operands = 0 : i64, tpu.core_type = #tpu.core_type<tc>, window_params = [{transform_indices = @transform_0, window_bounds = array<i64: 1000, 128>}, {pipeline_mode = #tpu.pipeline_mode<synchronous>, transform_indices = @transform_1, window_bounds = array<i64: 128, 128>}, {pipeline_mode = #tpu.pipeline_mode<synchronous>, transform_indices = @transform_2, window_bounds = array<i64: 128, 128>}, {pipeline_mode = #tpu.pipeline_mode<synchronous>, transform_indices = @transform_3, window_bounds = array<i64: 1, 128>}, {transform_indices = @transform_4, window_bounds = array<i64: 1000, 128>}, {transform_indices = @transform_5, window_bounds = array<i64: 1000, 128>}]} {
    %get3A = arith.constant 0 : index
    %get3A_0 = arith.constant 0 : index
    %get3A_1 = vector.load %arg1[%get3A, %get3A_0] : memref<1000x128xf32, #tpu.memory_space<vmem>>, vector<1000x128xf32>
    %get3A_2 = arith.constant 0 : index
    %get3A_3 = arith.constant 0 : index
    %get3A_4 = vector.load %arg4[%get3A_2, %get3A_3] : memref<1x128xf32, #tpu.memory_space<vmem>>, vector<1x128xf32>
    %get3A_5 = arith.constant 0 : index
    %get3A_6 = arith.constant 0 : index
    %get3A_7 = vector.load %arg2[%get3A_5, %get3A_6] : memref<128x128xf32, #tpu.memory_space<vmem>>, vector<128x128xf32>
    %dot_general3A = arith.constant dense<0.000000e+00> : vector<1000x128xf32>
    %dot_general3A_8 = tpu.matmul %get3A_1, %get3A_7, %dot_general3A {dimension_numbers = #tpu.dot_dimension_numbers<[1], [0], [0], [1], [0, 0, 1, 1], [], []>, transpose_lhs_hint = false} : vector<1000x128xf32>, vector<128x128xf32>, vector<1000x128xf32> -> vector<1000x128xf32>
    %add3A = vector.broadcast %get3A_4 : vector<1x128xf32> to vector<1000x128xf32>
    %add3A_9 = arith.addf %dot_general3A_8, %add3A : vector<1000x128xf32>
    %swap3A = arith.constant 0 : index
    %swap3A_10 = arith.constant 0 : index
    %swap3A_11 = vector.load %arg5[%swap3A, %swap3A_10] : memref<1000x128xf32, #tpu.memory_space<vmem>>, vector<1000x128xf32>
    tpu.vector_store %arg5[%swap3A, %swap3A_10], %add3A_9 {strides = array<i32>} : memref<1000x128xf32, #tpu.memory_space<vmem>>, vector<1000x128xf32>,
    %get3A_12 = arith.constant 0 : index
    %get3A_13 = arith.constant 0 : index
    %get3A_14 = vector.load %arg3[%get3A_12, %get3A_13] : memref<128x128xf32, #tpu.memory_space<vmem>>, vector<128x128xf32>
    %dot_general3A_15 = arith.constant dense<0.000000e+00> : vector<1000x128xf32>
    %dot_general3A_16 = tpu.matmul %get3A_1, %get3A_14, %dot_general3A_15 {dimension_numbers = #tpu.dot_dimension_numbers<[1], [0], [0], [1], [0, 0, 1, 1], [], []>, transpose_lhs_hint = false} : vector<1000x128xf32>, vector<128x128xf32>, vector<1000x128xf32> -> vector<1000x128xf32>
    %add3A_17 = vector.broadcast %get3A_4 : vector<1x128xf32> to vector<1000x128xf32>
    %add3A_18 = arith.addf %dot_general3A_16, %add3A_17 : vector<1000x128xf32>
    %swap3A_19 = arith.constant 0 : index
    %swap3A_20 = arith.constant 0 : index
    %swap3A_21 = vector.load %arg6[%swap3A_19, %swap3A_20] : memref<1000x128xf32, #tpu.memory_space<vmem>>, vector<1000x128xf32>
    tpu.vector_store %arg6[%swap3A_19, %swap3A_20], %add3A_18 {strides = array<i32>} : memref<1000x128xf32, #tpu.memory_space<vmem>>, vector<1000x128xf32>,
    return
  }
  func.func @transform_0(%arg0: i32) -> (i32, i32) {
    %c0_i32 = arith.constant 0 : i32
    %c0_i32_0 = arith.constant 0 : i32
    return %arg0, %c0_i32 : i32, i32
  }
  func.func @transform_1(%arg0: i32) -> (i32, i32) {
    %c0_i32 = arith.constant 0 : i32
    %c0_i32_0 = arith.constant 0 : i32
    %c0_i32_1 = arith.constant 0 : i32
    return %c0_i32, %c0_i32_0 : i32, i32
  }
  func.func @transform_2(%arg0: i32) -> (i32, i32) {
    %c0_i32 = arith.constant 0 : i32
    %c0_i32_0 = arith.constant 0 : i32
    %c0_i32_1 = arith.constant 0 : i32
    return %c0_i32, %c0_i32_0 : i32, i32
  }
  func.func @transform_3(%arg0: i32) -> (i32, i32) {
    %c0_i32 = arith.constant 0 : i32
    %c0_i32_0 = arith.constant 0 : i32
    %c0_i32_1 = arith.constant 0 : i32
    return %c0_i32, %c0_i32_0 : i32, i32
  }
  func.func @transform_4(%arg0: i32) -> (i32, i32) {
    %c0_i32 = arith.constant 0 : i32
    %c0_i32_0 = arith.constant 0 : i32
    return %arg0, %c0_i32 : i32, i32
  }
  func.func @transform_5(%arg0: i32) -> (i32, i32) {
    %c0_i32 = arith.constant 0 : i32
    %c0_i32_0 = arith.constant 0 : i32
    return %arg0, %c0_i32 : i32, i32
  }
}

</mosaic_0001>

<sc_bundles>
// kernel: kernel.5.cloned.1.call-start
scs
__scs_entry_jumppad:
0x0: {  	(pc) =	sbr.rel $0x88, $3  }
0x1: {  	(tag) =	ssettag $0x0;
	lr =	simm.s32 $0x1  }
0x2: {  	[smem:$0x3F9A] =	sst lr;
	_ =	strace $0xD0000000  }
0x3: {  	_ = 	snop  }
0x4: {  	_ = 	snop  }
0x5: {  	_ = 	snop  }
0x6: {  	_ = 	snop  }
0x7: {  	_ = 	snop  }
__scs_overlays_trampoline_lowered:
0x8: {  	[smem:$0x3FA9] =	sst s0  }
0x9: {  	[smem:$0x3FAA] =	sst s1  }
0xa: {  	[smem:$0x3FAB] =	sst s2  }
0xb: {  	[smem:$0x3FAC] =	sst s3  }
0xc: {  	[smem:$0x3FAD] =	sst s4  }
0xd: {  	[smem:$0x3FAE] =	sst s5  }
0xe: {  	[smem:$0x3FAF] =	sst s6  }
0xf: {  	[smem:$0x3FB0] =	sst s7  }
0x10: {  	[smem:$0x3FB1] =	sst s8  }
0x11: {  	[smem:$0x3FB2] =	sst s9;
	s0 =	simm.s32 @!p0 $0x0  }
0x12: {  	s1 =	sld [smem:$0x3F98];
	s0 =	simm.s32 @p0 $0x1  }
0x13: {  	[smem:$0x3FB3] =	sst s0;
	s0 =	simm.s32 @!p1 $0x0  }
0x14: {  	s2 =	sld [smem:$0x3F97];
	s0 =	simm.s32 @p1 $0x1  }
0x15: {  	[smem:$0x3FB4] =	sst s0;
	s0 =	simm.s32 @!p2 $0x0  }
0x16: {  	s3 =	sld [smem:$0x3FDB];
	s0 =	simm.s32 @p2 $0x1  }
0x17: {  	s4 =	simm.s32 $0x1BF5;
	[smem:$0x3FB6] =	sst s0  }
0x18: {  	s0 =	sld [smem:$0x3F99];
	_ =	swait.ge [sflag:s4], $0x0  }
0x19: {  	s7 =	sld [smem:$0x3F9A]  }
0x1a: {  	s8 =	sadd.s32 $0xFFFFE003, lr  }
0x1b: {  	s9 =	sadd.s32 $0xFFFFFEF7, lr;
	s5 =	simm.s32 $0xFFFFFFFF;
	p2 =	slt.u32 s8, $0xFFFFF086  }
0x1c: {  	p1 =	slt.u32 s9, $0xF7A;
	s5 =	simm.s32 @!p2 $0x0  }
0x1d: {  	s5 =	simm.s32 @p1 $0x1;
	p0 =	seq.s32 s7, s2  }
0x1e: {  	s7 =	smul.u32 @!p0 $0xF7A, s2;
	p2 =	seq.s32 @!p0 s5, $0x0  }
0x1f: {  	s9 =	smul.u32 $0xF7A, s1;
	s8 =	simm.s32 @!p0 $0x1BF5;
	p2 =	por !p2, p0  }
0x20: {  	[sflag:s8] =	ssyncset.s32 @!p0 $0xFFFFF086;
	s6 =	sadd.s32 @!p0 s3, s7;
	s7 =	simm.s32 @!p0 $0x108  }
0x21: {  	s3 =	sadd.s32 s3, s9;
	s6 =	sadd.s32 @!p0 $0x88, s6;
	s7 =	simm.s32 @p2 $0x1082  }
0x22: {  	[simem:s7], [sflag:s8] =	dma.local @!p0 [hbm:s6], $0xF7A  }
0x23: {  	s9 =	sor.u32 $0xD0000000, s2;
	s6 =	simm.s32 $0x108;
	_ =	swait.ge @!p0 [sflag:s8], $0x0  }
0x24: {  	s3 =	sadd.s32 $0x88, s3;
	s6 =	simm.s32 @!p1 $0x1082;
	[sflag:s4] =	ssyncset.s32 $0xFFFFF086  }
0x25: {  	[simem:s6], [sflag:s4] =	dma.local [hbm:s3], $0xF7A  }
0x26: {  	[smem:$0x3F9A] =	sst s1;
	(tag) =	ssettag s2;
	_ =	strace s9  }
0x27: {  	s1 =	sld [smem:$0x3FAA]  }
0x28: {  	s2 =	sld [smem:$0x3FAB]  }
0x29: {  	s4 =	sld [smem:$0x3FAD]  }
0x2a: {  	p0 =	seq.s32 s5, $0x0;
	s5 =	sld [smem:$0x3FAE]  }
0x2b: {  	s6 =	sld [smem:$0x3FAF]  }
0x2c: {  	s7 =	sld [smem:$0x3FB0]  }
0x2d: {  	s3 =	simm.s32 $0x108;
	s8 =	sld [smem:$0x3FB1]  }
0x2e: {  	s3 =	simm.s32 @!p0 $0x1082;
	s9 =	sld [smem:$0x3FB2]  }
0x2f: {  	lr =	sadd.s32 s0, s3;
	s0 =	sld [smem:$0x3FA9]  }
0x30: {  	s3 =	sld [smem:$0x3FAC]  }
0x31: {  	[smem:$0x3FB5] =	sst s10  }
0x32: {  	s10 =	sld [smem:$0x3FB3];
	_ =	sdelay $0x3  }
0x33: {  	p0 =	seq.s32 s10, $0x1;
	s10 =	sld [smem:$0x3FB5];
	_ =	sdelay $0x3  }
0x34: {  	[smem:$0x3FB5] =	sst s10  }
0x35: {  	s10 =	sld [smem:$0x3FB4];
	_ =	sdelay $0x3  }
0x36: {  	p1 =	seq.s32 s10, $0x1;
	s10 =	sld [smem:$0x3FB5];
	_ =	sdelay $0x3  }
0x37: {  	[smem:$0x3FB5] =	sst s10  }
0x38: {  	s10 =	sld [smem:$0x3FB6]  }
0x39: {  	_ = 	snop;
	(pc) =	sbr.ind lr, $3  }
0x3a: {  	_ = 	snop  }
0x3b: {  	_ = 	snop  }
0x3c: {  	p2 =	seq.s32 s10, $0x1;
	s10 =	sld [smem:$0x3FB5]  }
0x3d: {  	_ =	shalt  }
0x3e: {  	_ =	shalt  }
0x3f: {  	_ =	shalt  }
0x40: {  	_ =	shalt  }
0x41: {  	_ =	shalt  }
0x42: {  	_ =	shalt  }
0x43: {  	_ =	shalt  }
0x44: {  	_ =	shalt  }
0x45: {  	_ =	shalt  }
0x46: {  	_ =	shalt  }
0x47: {  	_ =	shalt  }
0x48: {  	_ =	shalt  }
0x49: {  	_ =	shalt  }
0x4a: {  	_ =	shalt  }
0x4b: {  	_ =	shalt  }
0x4c: {  	_ =	shalt  }
0x4d: {  	_ =	shalt  }
0x4e: {  	_ =	shalt  }
0x4f: {  	_ =	shalt  }
0x50: {  	_ =	shalt  }
0x51: {  	_ =	shalt  }
0x52: {  	_ =	shalt  }
0x53: {  	_ =	shalt  }
0x54: {  	_ =	shalt  }
0x55: {  	_ =	shalt  }
0x56: {  	_ =	shalt  }
0x57: {  	_ =	shalt  }
0x58: {  	_ =	shalt  }
0x59: {  	_ =	shalt  }
0x5a: {  	_ =	shalt  }
0x5b: {  	_ =	shalt  }
0x5c: {  	_ =	shalt  }
0x5d: {  	_ =	shalt  }
0x5e: {  	_ =	shalt  }
0x5f: {  	_ =	shalt  }
0x60: {  	_ =	shalt  }
0x61: {  	_ =	shalt  }
0x62: {  	_ =	shalt  }
0x63: {  	_ =	shalt  }
0x64: {  	_ =	shalt  }
0x65: {  	_ =	shalt  }
0x66: {  	_ =	shalt  }
0x67: {  	_ =	shalt  }
0x68: {  	_ =	shalt  }
0x69: {  	_ =	shalt  }
0x6a: {  	_ =	shalt  }
0x6b: {  	_ =	shalt  }
0x6c: {  	_ =	shalt  }
0x6d: {  	_ =	shalt  }
0x6e: {  	_ =	shalt  }
0x6f: {  	_ =	shalt  }
0x70: {  	_ =	shalt  }
0x71: {  	_ =	shalt  }
0x72: {  	_ =	shalt  }
0x73: {  	_ =	shalt  }
0x74: {  	_ =	shalt  }
0x75: {  	_ =	shalt  }
0x76: {  	_ =	shalt  }
0x77: {  	_ =	shalt  }
0x78: {  	_ =	shalt  }
0x79: {  	_ =	shalt  }
0x7a: {  	_ =	shalt  }
0x7b: {  	_ =	shalt  }
0x7c: {  	_ =	shalt  }
0x7d: {  	_ =	shalt  }
0x7e: {  	_ =	shalt  }
0x7f: {  	_ =	shalt  }
0x80: {  	_ =	shalt  }
0x81: {  	_ =	shalt  }
0x82: {  	_ =	shalt  }
0x83: {  	_ =	shalt  }
0x84: {  	_ =	shalt  }
0x85: {  	_ =	shalt  }
0x86: {  	_ =	shalt  }
0x87: {  	_ =	shalt  }
.Lfunc_end0:
.L_simem_size_0:
called_computation_lowered:
.L_overlay_start_0:
0x88: {  	s2 =	sld [smem:$0x3FD9]  }
0x89: {  	s3 =	sld [smem:$0x3FFE];
	_ =	sdelay $0x1  }
0x8a: {  	s1 =	srdreg.scid  }
0x8b: {  	s0 =	sand.u32 $0x1, s1  }
0x8c: {  	s14 =	sshll.u32 s0, $0xA;
	s2 =	sadd.s32 s3, s2  }
0x8d: {  	s2 =	sadd.s32 s2, s14  }
0x8e: {  	[smem:$0x3FC1] =	sst s2  }
0x8f: {  	_ = 	snop  }
0x90: {  	s2 =	sld [smem:$0x3FD0];
	_ =	sdelay $0x2  }
0x91: {  	s4 =	simm.s32 $0xA;
	s5 =	simm.s32 $0x10;
	s15 =	sld [smem:$0x3FC6]  }
0x92: {  	[smem:s5], [sflag:s4] =	dma.local [hbm:s2], $0x1  }
0x93: {  	_ =	swait.eq [sflag:s4], $0x1  }
0x94: {  	[sflag:s4] =	ssyncset.done $0x0  }
0x95: {  	s16 =	sld [smem:$0x10];
	[sflag:s4] =	ssyncadd.s32 $0xFFFFFFFF  }
0x96: {  	s17 =	sld [smem:$0x12];
	(tm) =	ssettm $0x1  }
0x97: {  	s18 =	sld [smem:$0x3FFB];
	_ =	sdelay $0x3  }
0x98: {  	_ =	strace s18  }
0x99: {  	s5 =	sld [smem:$0x3FFC];
	_ =	sdelay $0x3  }
0x9a: {  	_ =	strace s5  }
0x9b: {  	s5 =	sld [smem:$0x3FFD];
	_ =	sdelay $0x3  }
0x9c: {  	_ =	strace s5  }
0x9d: {  	_ =	strace $0x8FFFFFFF  }
0x9e: {  	s19 =	sld [smem:$0x3FDB];
	_ =	sdelay $0x1  }
0x9f: {  	s6 =	simm.s32 $_scs_section_size  }
0xa0: {  	s7 =	simm.s32 $_size__tile_overlayer_lowered;
	s8 =	simm.s32 $_tile_overlayer_lowered  }
0xa1: {  	s22 =	simm.s32 $0x1BFF;
	s21 =	sshll.u32 s8, $0x1;
	s5 =	sadd.s32 s6, s19  }
0xa2: {  	s9 =	simm.s32 $0x0;
	s20 =	sshll.u32 s7, $0x1;
	s7 =	sadd.s32 s21, s5  }
0xa3: {  	[timem:s9], [sflag:s22] =	dma.local [hbm:s7], s20  }
0xa4: {  	_ =	swait.ge [sflag:s22], s20  }
0xa5: {  	s6 =	ssub.s32 $0x0, s20;
	[sflag:s22] =	ssyncset.done $0x0  }
0xa6: {  	[sflag:s22] =	ssyncadd.s32 s6;
	_ =	sdelay $0x1  }
0xa7: {  	s23 =	simm.s32 $0x1B8B  }
0xa8: {  	_ =	swait.ge [sflag:s23], $0x1  }
0xa9: {  	[sflag:s23] =	ssyncset.done $0x0  }
0xaa: {  	s25 =	simm.s32 $0x1B8E;
	s24 =	sld [smem:$0x3FFE];
	[sflag:s23] =	ssyncadd.s32 $0xFFFFFFFF  }
0xab: {  	s26 =	simm.s32 $execute0_lowered;
	[smem:$0x3FD2] =	sst s25  }
0xac: {  	s7 =	sshll.u32 s26, $0x1;
	_ =	strace $0x80000046;
	[dreg:$0x1] =	wrdreg $0xFFFFFFFF  }
0xad: {  	s28 =	simm.s32 $_size_execute0_lowered;
	s5 =	sadd.s32 s5, s7;
	[dreg:$0x0] =	wrdreg $0x0  }
0xae: {  	s7 =	sshll.u32 s28, $0x1;
	[dreg:$0x2] =	wrdreg s5  }
0xaf: {  	[dreg:$0x3] =	wrdreg s7  }
0xb0: {  	[dreg:$0x4] =	wrdreg $0xC0  }
0xb1: {  	_ =	task [dreg:s9], $0x5FFFF  }
0xb2: {  	[dreg:$0x1] =	wrdreg $0xFFFFFFFF  }
0xb3: {  	[dreg:$0x0] =	wrdreg $0x60  }
0xb4: {  	[dreg:$0x2] =	wrdreg s24  }
0xb5: {  	[dreg:$0x3] =	wrdreg s17  }
0xb6: {  	[dreg:$0x4] =	wrdreg s15  }
0xb7: {  	[dreg:$0x5] =	wrdreg s16  }
0xb8: {  	[dreg:$0x6] =	wrdreg $0x1BFC00  }
0xb9: {  	[dreg:$0x7] =	wrdreg $0x9  }
0xba: {  	_ =	task.clear_ibuf [dreg:s9], $0x8FFFF;
	_ =	strace $0x90000046  }
0xbb: {  	s29 =	simm.s32 $0x9;
	_ =	strace $0x80000048  }
0xbc: {  	_ =	swait.ge [sflag:s29], $0x1  }
0xbd: {  	[sflag:s29] =	ssyncadd.s32 $0xFFFFFFFF  }
0xbe: {  	_ =	strace $0x90000048  }
0xbf: {  	_ =	sfence  }
0xc0: {  	s30 =	sld [smem:$0x0];
	_ =	sdelay $0x2  }
0xc1: {  	s31 =	sshll.u32 s1, $0xD;
	s1 =	sshrl.u32 s1, $0x2  }
0xc2: {  	s3 =	sand.u32 $0x4000, s31;
	s1 =	sadd.s32 s1, s30  }
0xc3: {  	s0 =	sor.u32 s3, s0;
	s1 =	sshll.u32 s1, $0x11  }
0xc4: {  	s0 =	sor.u32 s1, s0  }
0xc5: {  	s0 =	sadd.s32 $0x8F2B, s0  }
0xc6: {  	[sflag:s0] =	ssyncadd.remote.s32 $0x1  }
0xc7: {  	_ =	sfence.sel $0xFFFF  }
0xc8: {  	[dreg:$0x0] =	wrdreg $0xFFFFFFFF;
	(pc) =	sbr.abs _section_cstart, $3  }
0xc9: {  	[dreg:$0x1] =	wrdreg $0xFFFFFFFF  }
0xca: {  	_ =	task.clear_ibuf [dreg:s9], $0x2FFFF;
	_ =	strace $0x9FFFFFFF  }
0xcb: {  	(tm) =	ssettm $0x7FFFFFFF  }
tec
execute0_lowered:
.L_overlay_start_1:
0x0: {  	(tag) =	ssettag $0x1  }
0x1: {  	s0 =	rddreg [dreg:$0x0]  }
0x2: {  	s5 =	simm.s32 $0x0;
	s1 =	srdreg.scid;
	s10 =	stileid.u32  }
0x3: {  	v0 =	vlaneseq.u32;
	s15 =	simm.s32 $0x2;
	s17 =	simm.s32 $0x190;
	s18 =	simm.s32 $0x50;
	v40 =	vimm.f32 $0.0e+00  }
0x4: {  	s22 =	simm.s32 $0x1E0;
	s23 =	simm.s32 $0xF320;
	s28 =	simm.s32 $0x11B20;
	v1 =	vor.u32 $0x10, v0;
	v2 =	vor.u32 $0x20, v0;
	v3 =	vor.u32 $0x30, v0  }
0x5: {  	s29 =	simm.s32 $0xF0;
	s30 =	simm.s32 $0x7B20;
	s31 =	simm.s32 $0x280;
	v4 =	vor.u32 $0x40, v0;
	v5 =	vor.u32 $0x50, v0;
	v6 =	vor.u32 $0x60, v0  }
0x6: {  	s14 =	simm.s32 $0x2D0;
	s16 =	simm.s32 $0x16B20;
	s12 =	simm.s32 $0x19320;
	v7 =	vor.u32 $0x70, v0;
	v8 =	vor.u32 $0x80, v0;
	v9 =	vor.u32 $0x90, v0  }
0x7: {  	s13 =	simm.s32 $0x194B0;
	[smem:$0x7FF] =	sst s5;
	s6 =	sadd.s32 $0xAC00, s0;
	v10 =	vor.u32 $0xA0, v0;
	v11 =	vor.u32 $0xB0, v0;
	v12 =	vor.u32 $0xC0, v0  }
0x8: {  	s7 =	sadd.s32 $0x31E00, s0;
	s8 =	sadd.s32 $0xE00, s0;
	s1 =	sand.u32 $0x1, s1;
	v13 =	vor.u32 $0xD0, v0;
	v14 =	vor.u32 $0xE0, v0;
	v15 =	vor.u32 $0xF0, v0  }
0x9: {  	s4 =	sadd.s32 $0x59000, s0;
	s9 =	sshll.u32 s10, $0x1;
	v16 =	vor.u32 $0x100, v0;
	v17 =	vor.u32 $0x110, v0;
	v18 =	vor.u32 $0x120, v0;
	p0 =	seq.s32 s10, $0x0  }
0xa: {  	v19 =	vor.u32 $0x130, v0;
	v20 =	vor.u32 $0x140, v0;
	v21 =	vor.u32 $0x150, v0;
	s10 =	simm.s32 $0x1;
	_ =	strace $0x80000047;
	s2 =	smul.u32 $0x500, s1  }
0xb: {  	v22 =	vor.u32 $0x160, v0;
	v23 =	vor.u32 $0x170, v0;
	v24 =	vor.u32 $0x180, v0;
	s3 =	ssub.s32 $0x2, s1;
	[dreg:$0x6] =	wrdreg s4;
	s1 =	sor.u32 s1, s9  }
0xc: {  	v25 =	vor.u32 $0x190, v0;
	v26 =	vor.u32 $0x1A0, v0;
	v27 =	vor.u32 $0x1B0, v0;
	s9 =	simm.s32 $0x140;
	s4 =	simm.s32 $0x0;
	s24 =	sshrl.u32 s3, $0x1  }
0xd: {  	v28 =	vor.u32 $0x1C0, v0;
	v29 =	vor.u32 $0x1D0, v0;
	v30 =	vor.u32 $0x1E0, v0;
	s11 =	smul.u32 $0x2710, s1;
	s0 =	sadd.s32 s2, s0;
	s25 =	ssub.s32 s3, s24  }
0xe: {  	v31 =	vor.u32 $0x1F0, v0;
	v32 =	vor.u32 $0x200, v0;
	v33 =	vor.u32 $0x210, v0;
	s24 =	simm.s32 $0xA0;
	s2 =	simm.s32 $0xA320;
	s0 =	sadd.s32 $0x59200, s0  }
0xf: {  	v34 =	vor.u32 $0x220, v0;
	v35 =	vor.u32 $0x230, v0;
	v36 =	vor.u32 $0x240, v0;
	s26 =	smax.u32 s25, $0x1;
	s25 =	simm.s32 $0x5320;
	[dreg:$0x7] =	wrdreg s0  }
0x10: {  	v37 =	vor.u32 $0x250, v0;
	v38 =	vor.u32 $0x260, v0;
	v39 =	vor.u32 $0x270, v0;
	[dreg:$0x8] =	wrdreg s26;
	s26 =	simm.s32 $0x230;
	s0 =	simm.s32 $0x14320  }
.LBB2_1:
0x11: {  	[dreg:$0x9] =	wrdreg s4  }
0x12: {  	s1 =	rddreg [dreg:$0x2];
	s3 =	simm.s32 $0x1BCB0  }
0x13: {  	[tilespmem:s3], [sflag:$0x2] =	stream.linear.gather [hbm4b:s1+s5], $0x80, $0x38;
	[tilespmem:$0x1C240] =	vst v63  }
0x14: {  	_ =	swait.ge [sflag:s15], $0x80  }
0x15: {  	[sflag:s15] =	ssyncset.done $0x0  }
0x16: {  	s21 =	simm.s32 $0x1BD30;
	s20 =	rddreg [dreg:$0x6];
	[sflag:s15] =	ssyncadd.s32 $0xFFFFFF80  }
0x17: {  	[tilespmem:s21], [sflag:$0x2] =	stream.linear.gather [hbm4b:s20+s5], $0x10, $0x38;
	[tilespmem:$0x1C240] =	vst v63  }
0x18: {  	_ =	swait.ge [sflag:s15], $0x10  }
0x19: {  	[sflag:s15] =	ssyncset.done $0x0  }
0x1a: {  	[sflag:s15] =	ssyncadd.s32 $0xFFFFFFF0  }
0x1b: {  	[tilespmem:$0x1BD40] =	vst v0  }
0x1c: {  	[tilespmem:$0x1BD50] =	vst v1  }
0x1d: {  	[tilespmem:$0x1BD60] =	vst v2  }
0x1e: {  	[tilespmem:$0x1BD70] =	vst v3  }
0x1f: {  	[tilespmem:$0x1BD80] =	vst v4  }
0x20: {  	[tilespmem:$0x1BD90] =	vst v5  }
0x21: {  	[tilespmem:$0x1BDA0] =	vst v6  }
0x22: {  	[tilespmem:$0x1BDB0] =	vst v7  }
0x23: {  	[tilespmem:$0x1BDC0] =	vst v8  }
0x24: {  	[tilespmem:$0x1BDD0] =	vst v9  }
0x25: {  	[tilespmem:$0x1BDE0] =	vst v10  }
0x26: {  	[tilespmem:$0x1BDF0] =	vst v11  }
0x27: {  	[tilespmem:$0x1BE00] =	vst v12  }
0x28: {  	[tilespmem:$0x1BE10] =	vst v13  }
0x29: {  	[tilespmem:$0x1BE20] =	vst v14  }
0x2a: {  	[tilespmem:$0x1BE30] =	vst v15  }
0x2b: {  	[tilespmem:$0x1BE40] =	vst v16  }
0x2c: {  	[tilespmem:$0x1BE50] =	vst v17  }
0x2d: {  	[tilespmem:$0x1BE60] =	vst v18  }
0x2e: {  	[tilespmem:$0x1BE70] =	vst v19  }
0x2f: {  	[tilespmem:$0x1BE80] =	vst v20  }
0x30: {  	[tilespmem:$0x1BE90] =	vst v21  }
0x31: {  	[tilespmem:$0x1BEA0] =	vst v22  }
0x32: {  	[tilespmem:$0x1BEB0] =	vst v23  }
0x33: {  	[tilespmem:$0x1BEC0] =	vst v24  }
0x34: {  	[tilespmem:$0x1BED0] =	vst v25  }
0x35: {  	[tilespmem:$0x1BEE0] =	vst v26  }
0x36: {  	[tilespmem:$0x1BEF0] =	vst v27  }
0x37: {  	[tilespmem:$0x1BF00] =	vst v28  }
0x38: {  	[tilespmem:$0x1BF10] =	vst v29  }
0x39: {  	[tilespmem:$0x1BF20] =	vst v30  }
0x3a: {  	[tilespmem:$0x1BF30] =	vst v31  }
0x3b: {  	[tilespmem:$0x1BF40] =	vst v32  }
0x3c: {  	[tilespmem:$0x1BF50] =	vst v33  }
0x3d: {  	[tilespmem:$0x1BF60] =	vst v34  }
0x3e: {  	[tilespmem:$0x1BF70] =	vst v35  }
0x3f: {  	[tilespmem:$0x1BF80] =	vst v36  }
0x40: {  	[tilespmem:$0x1BF90] =	vst v37  }
0x41: {  	[tilespmem:$0x1BFA0] =	vst v38  }
0x42: {  	s1 =	simm.s32 $0x40;
	s3 =	simm.s32 $0x0;
	[tilespmem:$0x1BFB0] =	vst v39  }
.LBB2_2:
0x43: {  	p1 =	sne.s32 s1, $0x9FC0;
	[tilespmem:s3+$0x194B0] =	vst v40;
	s3 =	smov.u32 s1;
	s1 =	sadd.s32 $0x40, s1  }
.Ltmp0:
0x44: {  	(pc) =	sbr.rel @p1 .LBB2_2-.Ltmp0, $2  }
0x45: {  	_ =	sdelay $0x2  }
0x46: {  	s3 =	sshra.s32 s3, $0x2  }
0x47: {  	[tilespmem:s3+$0x194B0] =	vst v40  }
0x48: {  	v41 =	vld [tilespmem:$0x1BCB0]  }
0x49: {  	v42 =	vld [tilespmem:$0x1BCC0]  }
0x4a: {  	v43 =	vld [tilespmem:$0x1BCD0]  }
0x4b: {  	v44 =	vld [tilespmem:$0x1BCE0]  }
0x4c: {  	v45 =	vld [tilespmem:$0x1BCF0]  }
0x4d: {  	v46 =	vld [tilespmem:$0x1BD00]  }
0x4e: {  	v47 =	vld [tilespmem:$0x1BD10]  }
0x4f: {  	v48 =	vld [tilespmem:$0x1BD20]  }
0x50: {  	s4 =	simm.s32 $0x0;
	v49 =	vld [tilespmem:$0x1BD30]  }
.LBB2_4:
0x51: {  	s1 =	smul.u32 $0x190, s4;
	_ =	sdelay $0x1  }
0x52: {  	s1 =	sadd.s32 s11, s1  }
0x53: {  	s1 =	sshrl.u32 s1, $0x3  }
0x54: {  	s3 =	sadd.s32 s8, s1  }
0x55: {  	[tilespmem:s5], [sflag:$0x2] =	stream.linear.gather [hbm4b:s3+s5], $0x190, $0x38;
	[tilespmem:$0x1C240] =	vst v63  }
0x56: {  	_ =	swait.ge [sflag:s15], $0x190  }
0x57: {  	[sflag:s15] =	ssyncset.done $0x0  }
0x58: {  	[sflag:s15] =	ssyncadd.s32 $0xFFFFFE70  }
0x59: {  	s21 =	rddreg [dreg:$0x1]  }
0x5a: {  	s3 =	sadd.s32 s21, s1  }
0x5b: {  	[tilespmem:s17], [sflag:$0x2] =	stream.linear.gather [hbm4b:s3+s5], $0x190, $0x38;
	[tilespmem:$0x1C240] =	vst v63  }
0x5c: {  	_ =	swait.ge [sflag:s15], $0x190  }
0x5d: {  	[sflag:s15] =	ssyncset.done $0x0  }
0x5e: {  	s19 =	simm.s32 $0x320;
	[sflag:s15] =	ssyncadd.s32 $0xFFFFFE70  }
0x5f: {  	[tilespmem:s19], [sflag:$0x1] =	stream.indirect.gather [hbm4b:s6+s18], $0x80, s5, s18, $0xb8;
	[tilespmem:$0x1C240] =	vst v63  }
0x60: {  	s20 =	simm.s32 $0xCB20  }
0x61: {  	[tilespmem:s20], [sflag:$0x1] =	stream.indirect.gather [hbm4b:s7+s18], $0x80, s17, s18, $0xb8;
	[tilespmem:$0x1C240] =	vst v63  }
0x62: {  	s21 =	simm.s32 $0x2B20  }
0x63: {  	[tilespmem:s21], [sflag:$0x1] =	stream.indirect.gather [hbm4b:s6+s18], $0x80, s18, s18, $0xb8;
	[tilespmem:$0x1C240] =	vst v63  }
0x64: {  	_ = 	snop  }
0x65: {  	[tilespmem:s23], [sflag:$0x1] =	stream.indirect.gather [hbm4b:s7+s18], $0x80, s22, s18, $0xb8;
	[tilespmem:$0x1C240] =	vst v63  }
0x66: {  	_ = 	snop  }
0x67: {  	[tilespmem:s25], [sflag:$0x1] =	stream.indirect.gather [hbm4b:s6+s18], $0x80, s24, s18, $0xb8;
	[tilespmem:$0x1C240] =	vst v63  }
0x68: {  	_ = 	snop  }
0x69: {  	[tilespmem:s28], [sflag:$0x1] =	stream.indirect.gather [hbm4b:s7+s18], $0x80, s26, s18, $0xb8;
	[tilespmem:$0x1C240] =	vst v63  }
0x6a: {  	_ = 	snop  }
0x6b: {  	[tilespmem:s30], [sflag:$0x1] =	stream.indirect.gather [hbm4b:s6+s18], $0x80, s29, s18, $0xb8;
	[tilespmem:$0x1C240] =	vst v63  }
0x6c: {  	_ = 	snop  }
0x6d: {  	[tilespmem:s0], [sflag:$0x1] =	stream.indirect.gather [hbm4b:s7+s18], $0x80, s31, s18, $0xb8;
	[tilespmem:$0x1C240] =	vst v63  }
0x6e: {  	_ = 	snop  }
0x6f: {  	[tilespmem:s2], [sflag:$0x1] =	stream.indirect.gather [hbm4b:s6+s18], $0x80, s9, s18, $0xb8;
	[tilespmem:$0x1C240] =	vst v63  }
0x70: {  	_ = 	snop  }
0x71: {  	[tilespmem:s16], [sflag:$0x1] =	stream.indirect.gather [hbm4b:s7+s18], $0x80, s14, s18, $0xb8;
	[tilespmem:$0x1C240] =	vst v63  }
0x72: {  	_ =	swait.ge [sflag:s10], $0x2800  }
0x73: {  	[sflag:s10] =	ssyncset.done $0x0  }
0x74: {  	[sflag:s10] =	ssyncadd.s32 $0xFFFFD800  }
0x75: {  	_ =	swait.ge [sflag:s10], $0x2800  }
0x76: {  	[sflag:s10] =	ssyncset.done $0x0  }
0x77: {  	[sflag:s10] =	ssyncadd.s32 $0xFFFFD800  }
0x78: {  	_ =	swait.ge [sflag:s10], $0x2800  }
0x79: {  	[sflag:s10] =	ssyncset.done $0x0  }
0x7a: {  	[sflag:s10] =	ssyncadd.s32 $0xFFFFD800  }
0x7b: {  	_ =	swait.ge [sflag:s10], $0x2800  }
0x7c: {  	[sflag:s10] =	ssyncset.done $0x0  }
0x7d: {  	[sflag:s10] =	ssyncadd.s32 $0xFFFFD800  }
0x7e: {  	_ =	swait.ge [sflag:s10], $0x2800  }
0x7f: {  	[sflag:s10] =	ssyncset.done $0x0  }
0x80: {  	[sflag:s10] =	ssyncadd.s32 $0xFFFFD800  }
0x81: {  	_ =	swait.ge [sflag:s10], $0x2800  }
0x82: {  	[sflag:s10] =	ssyncset.done $0x0  }
0x83: {  	[sflag:s10] =	ssyncadd.s32 $0xFFFFD800  }
0x84: {  	_ =	swait.ge [sflag:s10], $0x2800  }
0x85: {  	[sflag:s10] =	ssyncset.done $0x0  }
0x86: {  	[sflag:s10] =	ssyncadd.s32 $0xFFFFD800  }
0x87: {  	_ =	swait.ge [sflag:s10], $0x2800  }
0x88: {  	[sflag:s10] =	ssyncset.done $0x0  }
0x89: {  	[sflag:s10] =	ssyncadd.s32 $0xFFFFD800  }
0x8a: {  	_ =	swait.ge [sflag:s10], $0x2800  }
0x8b: {  	[sflag:s10] =	ssyncset.done $0x0  }
0x8c: {  	[sflag:s10] =	ssyncadd.s32 $0xFFFFD800  }
0x8d: {  	_ =	swait.ge [sflag:s10], $0x2800  }
0x8e: {  	[sflag:s10] =	ssyncset.done $0x0  }
0x8f: {  	[sflag:s10] =	ssyncadd.s32 $0xFFFFD800  }
0x90: {  	[tilespmem:$0x19320] =	vst v40  }
0x91: {  	[tilespmem:$0x19330] =	vst v40  }
0x92: {  	[tilespmem:$0x19340] =	vst v40  }
0x93: {  	[tilespmem:$0x19350] =	vst v40  }
0x94: {  	[tilespmem:$0x19360] =	vst v40  }
0x95: {  	[tilespmem:$0x19370] =	vst v40  }
0x96: {  	[tilespmem:$0x19380] =	vst v40  }
0x97: {  	[tilespmem:$0x19390] =	vst v40  }
0x98: {  	[tilespmem:$0x193A0] =	vst v40  }
0x99: {  	[tilespmem:$0x193B0] =	vst v40  }
0x9a: {  	[tilespmem:$0x193C0] =	vst v40  }
0x9b: {  	[tilespmem:$0x193D0] =	vst v40  }
0x9c: {  	[tilespmem:$0x193E0] =	vst v40  }
0x9d: {  	[tilespmem:$0x193F0] =	vst v40  }
0x9e: {  	[tilespmem:$0x19400] =	vst v40  }
0x9f: {  	[tilespmem:$0x19410] =	vst v40  }
0xa0: {  	[tilespmem:$0x19420] =	vst v40  }
0xa1: {  	[tilespmem:$0x19430] =	vst v40  }
0xa2: {  	[tilespmem:$0x19440] =	vst v40  }
0xa3: {  	[tilespmem:$0x19450] =	vst v40  }
0xa4: {  	[tilespmem:$0x19460] =	vst v40  }
0xa5: {  	[tilespmem:$0x19470] =	vst v40  }
0xa6: {  	[tilespmem:$0x19480] =	vst v40  }
0xa7: {  	[tilespmem:$0x19490] =	vst v40  }
0xa8: {  	s3 =	simm.s32 $0x3;
	s19 =	simm.s32 $0x420;
	s20 =	simm.s32 $0xCC20;
	[tilespmem:$0x194A0] =	vst v40  }
.LBB2_5:
0xa9: {  	v50 =	vld [tilespmem:s19+$0xFFFFFF00]  }
0xaa: {  	v51 =	vld [tilespmem:s20+$0xFFFFFF00]  }
0xab: {  	v52 =	vld [tilespmem:s19+$0xFFFFFF10]  }
0xac: {  	v53 =	vld [tilespmem:s20+$0xFFFFFF10]  }
0xad: {  	v54 =	vld [tilespmem:s19+$0xFFFFFF20]  }
0xae: {  	v55 =	vld [tilespmem:s20+$0xFFFFFF20]  }
0xaf: {  	v60 =	vld [tilespmem:s19+$0xFFFFFF30];
	v50 =	vadd.f32 v51, v50  }
0xb0: {  	v56 =	vld [tilespmem:s20+$0xFFFFFF30]  }
0xb1: {  	v58 =	vld [tilespmem:s20+$0xFFFFFF40];
	v52 =	vadd.f32 v53, v52;
	v57 =	vmul.f32 $9.999999770e-03, v50  }
0xb2: {  	v53 =	vld [tilespmem:s19+$0xFFFFFF40]  }
0xb3: {  	v59 =	vld [tilespmem:s20+$0xFFFFFF50];
	v54 =	vadd.f32 v55, v54;
	v61 =	vmul.f32 $9.999999770e-03, v52;
	v50 =	vmax.f32 v50, v57  }
0xb4: {  	v55 =	vld [tilespmem:s19+$0xFFFFFF50];
	v50 =	vmul.f32 v50, v41  }
0xb5: {  	v51 =	vadd.f32 v56, v60;
	v56 =	vld [tilespmem:s19+$0xFFFFFF60];
	v52 =	vmax.f32 v52, v61;
	v57 =	vmul.f32 $9.999999770e-03, v54  }
0xb6: {  	v60 =	vld [tilespmem:s20+$0xFFFFFF60];
	v52 =	vmul.f32 v52, v42;
	v50 =	vadd.f32 v50, v49  }
0xb7: {  	v62 =	vmul.f32 $9.999999770e-03, v51;
	v53 =	vadd.f32 v58, v53;
	v58 =	vld [tilespmem:s19+$0xFFFFFF70];
	v54 =	vmax.f32 v54, v57  }
0xb8: {  	v63 =	vmul.f32 v54, v43;
	v54 =	vld [tilespmem:s20+$0xFFFFFF70];
	v50 =	vadd.f32 v52, v50  }
0xb9: {  	v51 =	vmax.f32 v51, v62;
	v55 =	vadd.f32 v59, v55;
	v61 =	vmul.f32 $9.999999770e-03, v53  }
0xba: {  	v51 =	vmul.f32 v51, v44;
	v50 =	vadd.f32 v63, v50  }
0xbb: {  	v56 =	vadd.f32 v60, v56;
	v62 =	vmax.f32 v53, v61;
	v63 =	vmul.f32 $9.999999770e-03, v55  }
0xbc: {  	v57 =	vmul.f32 v62, v45;
	v50 =	vadd.f32 v51, v50  }
0xbd: {  	s21 =	sadd.s32 $0xFFFFFFFD, s3;
	v60 =	vmul.f32 $9.999999770e-03, v56;
	v54 =	vadd.f32 v54, v58;
	v59 =	vmax.f32 v55, v63  }
0xbe: {  	v62 =	vmov s21;
	v61 =	vmul.f32 v59, v46;
	v50 =	vadd.f32 v57, v50  }
0xbf: {  	v53 =	vmax.f32 v56, v60;
	v52 =	vand.u32 $0xFFFFFFFC, v62;
	v63 =	vmul.f32 $9.999999770e-03, v54  }
0xc0: {  	v52 =	vbroadcast v52, $0x0;
	v57 =	vmul.f32 v53, v47;
	v50 =	vadd.f32 v61, v50  }
0xc1: {  	v58 =	vmax.f32 v54, v63  }
0xc2: {  	v59 =	vmul.f32 v58, v48;
	v50 =	vadd.f32 v57, v50;
	_ =	sdelay $0x1  }
0xc3: {  	v50 =	vadd.f32 v59, v50;
	_ =	sdelay $0x1  }
0xc4: {  	[tilespmem:v52+s12+$0x0] =	vst.idx.add.f32.msk $0xffff, v50  }
0xc5: {  	v50 =	vld [tilespmem:s19+$0xFFFFFF80]  }
0xc6: {  	v60 =	vld [tilespmem:s20+$0xFFFFFF80]  }
0xc7: {  	v52 =	vld [tilespmem:s19+$0xFFFFFF90]  }
0xc8: {  	v61 =	vld [tilespmem:s20+$0xFFFFFF90]  }
0xc9: {  	v54 =	vld [tilespmem:s19+$0xFFFFFFA0]  }
0xca: {  	v55 =	vld [tilespmem:s20+$0xFFFFFFA0]  }
0xcb: {  	v62 =	vld [tilespmem:s19+$0xFFFFFFB0];
	v50 =	vadd.f32 v60, v50  }
0xcc: {  	v63 =	vld [tilespmem:s20+$0xFFFFFFB0]  }
0xcd: {  	v53 =	vld [tilespmem:s19+$0xFFFFFFC0];
	v52 =	vadd.f32 v61, v52;
	v60 =	vmul.f32 $9.999999770e-03, v50  }
0xce: {  	v58 =	vld [tilespmem:s20+$0xFFFFFFC0]  }
0xcf: {  	v59 =	vld [tilespmem:s20+$0xFFFFFFD0];
	v54 =	vadd.f32 v55, v54;
	v61 =	vmul.f32 $9.999999770e-03, v52;
	v50 =	vmax.f32 v50, v60  }
0xd0: {  	v55 =	vld [tilespmem:s19+$0xFFFFFFD0];
	v50 =	vmul.f32 v50, v41  }
0xd1: {  	v56 =	vld [tilespmem:s19+$0xFFFFFFE0];
	v51 =	vadd.f32 v63, v62;
	v57 =	vmul.f32 $9.999999770e-03, v54;
	v52 =	vmax.f32 v52, v61  }
0xd2: {  	v60 =	vld [tilespmem:s20+$0xFFFFFFE0];
	v52 =	vmul.f32 v52, v42;
	v50 =	vadd.f32 v50, v49  }
0xd3: {  	v53 =	vadd.f32 v58, v53;
	v58 =	vld [tilespmem:s19+$0xFFFFFFF0];
	v62 =	vmul.f32 $9.999999770e-03, v51;
	v54 =	vmax.f32 v54, v57  }
0xd4: {  	v63 =	vmul.f32 v54, v43;
	v54 =	vld [tilespmem:s20+$0xFFFFFFF0];
	v50 =	vadd.f32 v52, v50  }
0xd5: {  	v51 =	vmax.f32 v51, v62;
	v61 =	vmul.f32 $9.999999770e-03, v53;
	v55 =	vadd.f32 v59, v55  }
0xd6: {  	v51 =	vmul.f32 v51, v44;
	v50 =	vadd.f32 v63, v50  }
0xd7: {  	v62 =	vmax.f32 v53, v61;
	v56 =	vadd.f32 v60, v56;
	v63 =	vmul.f32 $9.999999770e-03, v55  }
0xd8: {  	v57 =	vmul.f32 v62, v45;
	v50 =	vadd.f32 v51, v50  }
0xd9: {  	s21 =	sadd.s32 $0xFFFFFFFE, s3;
	v54 =	vadd.f32 v54, v58;
	v60 =	vmul.f32 $9.999999770e-03, v56;
	v59 =	vmax.f32 v55, v63  }
0xda: {  	v62 =	vmov s21;
	v61 =	vmul.f32 v59, v46;
	v50 =	vadd.f32 v57, v50  }
0xdb: {  	v52 =	vand.u32 $0xFFFFFFFD, v62;
	v53 =	vmax.f32 v56, v60;
	v63 =	vmul.f32 $9.999999770e-03, v54  }
0xdc: {  	v52 =	vbroadcast v52, $0x0;
	v57 =	vmul.f32 v53, v47;
	v50 =	vadd.f32 v61, v50  }
0xdd: {  	v58 =	vmax.f32 v54, v63  }
0xde: {  	v59 =	vmul.f32 v58, v48;
	v50 =	vadd.f32 v57, v50;
	_ =	sdelay $0x1  }
0xdf: {  	v50 =	vadd.f32 v59, v50;
	_ =	sdelay $0x1  }
0xe0: {  	[tilespmem:v52+s12+$0x0] =	vst.idx.add.f32.msk $0xffff, v50  }
0xe1: {  	v50 =	vld [tilespmem:s19+$0x0]  }
0xe2: {  	v60 =	vld [tilespmem:s20+$0x0]  }
0xe3: {  	v52 =	vld [tilespmem:s19+$0x10]  }
0xe4: {  	v61 =	vld [tilespmem:s20+$0x10]  }
0xe5: {  	v54 =	vld [tilespmem:s19+$0x20]  }
0xe6: {  	v55 =	vld [tilespmem:s20+$0x20]  }
0xe7: {  	v62 =	vld [tilespmem:s19+$0x30];
	v50 =	vadd.f32 v60, v50  }
0xe8: {  	v63 =	vld [tilespmem:s20+$0x30]  }
0xe9: {  	v53 =	vld [tilespmem:s19+$0x40];
	v52 =	vadd.f32 v61, v52;
	v60 =	vmul.f32 $9.999999770e-03, v50  }
0xea: {  	v58 =	vld [tilespmem:s20+$0x40]  }
0xeb: {  	v59 =	vld [tilespmem:s20+$0x50];
	v54 =	vadd.f32 v55, v54;
	v61 =	vmul.f32 $9.999999770e-03, v52;
	v50 =	vmax.f32 v50, v60  }
0xec: {  	v55 =	vld [tilespmem:s19+$0x50];
	v50 =	vmul.f32 v50, v41  }
0xed: {  	v56 =	vld [tilespmem:s19+$0x60];
	v51 =	vadd.f32 v63, v62;
	v57 =	vmul.f32 $9.999999770e-03, v54;
	v52 =	vmax.f32 v52, v61  }
0xee: {  	v60 =	vld [tilespmem:s20+$0x60];
	v52 =	vmul.f32 v52, v42;
	v50 =	vadd.f32 v50, v49  }
0xef: {  	v53 =	vadd.f32 v58, v53;
	v58 =	vld [tilespmem:s19+$0x70];
	v62 =	vmul.f32 $9.999999770e-03, v51;
	v54 =	vmax.f32 v54, v57  }
0xf0: {  	v63 =	vmul.f32 v54, v43;
	v54 =	vld [tilespmem:s20+$0x70];
	v50 =	vadd.f32 v52, v50  }
0xf1: {  	v51 =	vmax.f32 v51, v62;
	v61 =	vmul.f32 $9.999999770e-03, v53;
	v55 =	vadd.f32 v59, v55  }
0xf2: {  	v51 =	vmul.f32 v51, v44;
	v50 =	vadd.f32 v63, v50  }
0xf3: {  	v62 =	vmax.f32 v53, v61;
	v56 =	vadd.f32 v60, v56;
	v63 =	vmul.f32 $9.999999770e-03, v55  }
0xf4: {  	v59 =	vmul.f32 v62, v45;
	v50 =	vadd.f32 v51, v50  }
0xf5: {  	s21 =	sadd.s32 $0xFFFFFFFF, s3;
	v54 =	vadd.f32 v54, v58;
	v61 =	vmul.f32 $9.999999770e-03, v56;
	v60 =	vmax.f32 v55, v63  }
0xf6: {  	v63 =	vmov s21;
	v62 =	vmul.f32 v60, v46;
	v50 =	vadd.f32 v59, v50  }
0xf7: {  	v57 =	vmul.f32 $9.999999770e-03, v54;
	v53 =	vmax.f32 v56, v61;
	v52 =	vand.u32 $0xFFFFFFFE, v63  }
0xf8: {  	v58 =	vmul.f32 v53, v47;
	v52 =	vbroadcast v52, $0x0;
	v50 =	vadd.f32 v62, v50  }
0xf9: {  	v59 =	vmax.f32 v54, v57  }
0xfa: {  	v60 =	vmul.f32 v59, v48;
	v50 =	vadd.f32 v58, v50;
	_ =	sdelay $0x1  }
0xfb: {  	v50 =	vadd.f32 v60, v50;
	_ =	sdelay $0x1  }
0xfc: {  	[tilespmem:v52+s12+$0x0] =	vst.idx.add.f32.msk $0xffff, v50  }
0xfd: {  	v50 =	vld [tilespmem:s19+$0x80]  }
0xfe: {  	v61 =	vld [tilespmem:s20+$0x80]  }
0xff: {  	v52 =	vld [tilespmem:s19+$0x90]  }
0x100: {  	v62 =	vld [tilespmem:s20+$0x90]  }
0x101: {  	v54 =	vld [tilespmem:s19+$0xA0]  }
0x102: {  	v55 =	vld [tilespmem:s20+$0xA0]  }
0x103: {  	v63 =	vld [tilespmem:s19+$0xB0];
	v50 =	vadd.f32 v61, v50  }
0x104: {  	v60 =	vld [tilespmem:s20+$0xB0]  }
0x105: {  	v53 =	vld [tilespmem:s19+$0xC0];
	v52 =	vadd.f32 v62, v52;
	v61 =	vmul.f32 $9.999999770e-03, v50  }
0x106: {  	v58 =	vld [tilespmem:s20+$0xC0]  }
0x107: {  	v59 =	vld [tilespmem:s20+$0xD0];
	v54 =	vadd.f32 v55, v54;
	v62 =	vmul.f32 $9.999999770e-03, v52;
	v50 =	vmax.f32 v50, v61  }
0x108: {  	v55 =	vld [tilespmem:s19+$0xD0];
	v50 =	vmul.f32 v50, v41  }
0x109: {  	v56 =	vld [tilespmem:s19+$0xE0];
	v51 =	vadd.f32 v60, v63;
	v57 =	vmul.f32 $9.999999770e-03, v54;
	v52 =	vmax.f32 v52, v62  }
0x10a: {  	v60 =	vld [tilespmem:s20+$0xE0];
	v52 =	vmul.f32 v52, v42;
	v50 =	vadd.f32 v50, v49  }
0x10b: {  	v53 =	vadd.f32 v58, v53;
	v58 =	vld [tilespmem:s19+$0xF0];
	v63 =	vmul.f32 $9.999999770e-03, v51;
	v54 =	vmax.f32 v54, v57  }
0x10c: {  	v61 =	vmul.f32 v54, v43;
	v54 =	vld [tilespmem:s20+$0xF0];
	v50 =	vadd.f32 v52, v50  }
0x10d: {  	v51 =	vmax.f32 v51, v63;
	v62 =	vmul.f32 $9.999999770e-03, v53;
	v55 =	vadd.f32 v59, v55  }
0x10e: {  	v51 =	vmul.f32 v51, v44;
	v50 =	vadd.f32 v61, v50  }
0x10f: {  	v63 =	vmax.f32 v53, v62;
	v53 =	vadd.f32 v60, v56;
	v60 =	vmul.f32 $9.999999770e-03, v55  }
0x110: {  	v61 =	vmul.f32 v63, v45;
	v50 =	vadd.f32 v51, v50  }
0x111: {  	v62 =	vmax.f32 v55, v60;
	v54 =	vadd.f32 v54, v58;
	v63 =	vmul.f32 $9.999999770e-03, v53  }
0x112: {  	v57 =	vmul.f32 v62, v46;
	v50 =	vadd.f32 v61, v50  }
0x113: {  	v59 =	vmul.f32 $9.999999770e-03, v54;
	v58 =	vmax.f32 v53, v63  }
0x114: {  	v60 =	vmul.f32 v58, v47;
	v50 =	vadd.f32 v57, v50  }
0x115: {  	p1 =	sne.s32 s3, $0x18F;
	v62 =	vmov s3;
	v61 =	vmax.f32 v54, v59  }
.Ltmp1:
0x116: {  	v63 =	vmul.f32 v61, v48;
	v50 =	vadd.f32 v60, v50;
	(pc) =	sbr.rel @p1 .LBB2_5-.Ltmp1, $3  }
0x117: {  	_ = 	snop  }
0x118: {  	v50 =	vadd.f32 v63, v50;
	_ =	sdelay $0x1  }
0x119: {  	s19 =	sadd.s32 $0x200, s19;
	s20 =	sadd.s32 $0x200, s20;
	s3 =	sadd.s32 $0x4, s3;
	[tilespmem:v62+s12+$0x0] =	vst.idx.add.f32.msk $0xffff, v50  }
0x11a: {  	v50 =	vld [tilespmem:$0x0];
	_ =	sdelay $0x2  }
0x11b: {  	v51 =	vld [tilespmem:$0x19320];
	_ =	sdelay $0x4  }
0x11c: {  	[tilespmem:v50+s13+$0x0] =	vst.idx.add.f32.msk $0xffff, v51  }
0x11d: {  	v50 =	vld [tilespmem:$0x10];
	_ =	sdelay $0x2  }
0x11e: {  	v51 =	vld [tilespmem:$0x19330];
	_ =	sdelay $0x4  }
0x11f: {  	[tilespmem:v50+s13+$0x0] =	vst.idx.add.f32.msk $0xffff, v51  }
0x120: {  	v50 =	vld [tilespmem:$0x20];
	_ =	sdelay $0x2  }
0x121: {  	v51 =	vld [tilespmem:$0x19340];
	_ =	sdelay $0x4  }
0x122: {  	[tilespmem:v50+s13+$0x0] =	vst.idx.add.f32.msk $0xffff, v51  }
0x123: {  	v50 =	vld [tilespmem:$0x30];
	_ =	sdelay $0x2  }
0x124: {  	v51 =	vld [tilespmem:$0x19350];
	_ =	sdelay $0x4  }
0x125: {  	[tilespmem:v50+s13+$0x0] =	vst.idx.add.f32.msk $0xffff, v51  }
0x126: {  	v50 =	vld [tilespmem:$0x40];
	_ =	sdelay $0x2  }
0x127: {  	v51 =	vld [tilespmem:$0x19360];
	_ =	sdelay $0x4  }
0x128: {  	[tilespmem:v50+s13+$0x0] =	vst.idx.add.f32.msk $0xffff, v51  }
0x129: {  	v50 =	vld [tilespmem:$0x50];
	_ =	sdelay $0x2  }
0x12a: {  	v51 =	vld [tilespmem:$0x19370];
	_ =	sdelay $0x4  }
0x12b: {  	[tilespmem:v50+s13+$0x0] =	vst.idx.add.f32.msk $0xffff, v51  }
0x12c: {  	v50 =	vld [tilespmem:$0x60];
	_ =	sdelay $0x2  }
0x12d: {  	v51 =	vld [tilespmem:$0x19380];
	_ =	sdelay $0x4  }
0x12e: {  	[tilespmem:v50+s13+$0x0] =	vst.idx.add.f32.msk $0xffff, v51  }
0x12f: {  	v50 =	vld [tilespmem:$0x70];
	_ =	sdelay $0x2  }
0x130: {  	v51 =	vld [tilespmem:$0x19390];
	_ =	sdelay $0x4  }
0x131: {  	[tilespmem:v50+s13+$0x0] =	vst.idx.add.f32.msk $0xffff, v51  }
0x132: {  	v50 =	vld [tilespmem:$0x80];
	_ =	sdelay $0x2  }
0x133: {  	v51 =	vld [tilespmem:$0x193A0];
	_ =	sdelay $0x4  }
0x134: {  	[tilespmem:v50+s13+$0x0] =	vst.idx.add.f32.msk $0xffff, v51  }
0x135: {  	v50 =	vld [tilespmem:$0x90];
	_ =	sdelay $0x2  }
0x136: {  	v51 =	vld [tilespmem:$0x193B0];
	_ =	sdelay $0x4  }
0x137: {  	[tilespmem:v50+s13+$0x0] =	vst.idx.add.f32.msk $0xffff, v51  }
0x138: {  	v50 =	vld [tilespmem:$0xA0];
	_ =	sdelay $0x2  }
0x139: {  	v51 =	vld [tilespmem:$0x193C0];
	_ =	sdelay $0x4  }
0x13a: {  	[tilespmem:v50+s13+$0x0] =	vst.idx.add.f32.msk $0xffff, v51  }
0x13b: {  	v50 =	vld [tilespmem:$0xB0];
	_ =	sdelay $0x2  }
0x13c: {  	v51 =	vld [tilespmem:$0x193D0];
	_ =	sdelay $0x4  }
0x13d: {  	[tilespmem:v50+s13+$0x0] =	vst.idx.add.f32.msk $0xffff, v51  }
0x13e: {  	v50 =	vld [tilespmem:$0xC0];
	_ =	sdelay $0x2  }
0x13f: {  	v51 =	vld [tilespmem:$0x193E0];
	_ =	sdelay $0x4  }
0x140: {  	[tilespmem:v50+s13+$0x0] =	vst.idx.add.f32.msk $0xffff, v51  }
0x141: {  	v50 =	vld [tilespmem:$0xD0];
	_ =	sdelay $0x2  }
0x142: {  	v51 =	vld [tilespmem:$0x193F0];
	_ =	sdelay $0x4  }
0x143: {  	[tilespmem:v50+s13+$0x0] =	vst.idx.add.f32.msk $0xffff, v51  }
0x144: {  	v50 =	vld [tilespmem:$0xE0];
	_ =	sdelay $0x2  }
0x145: {  	v51 =	vld [tilespmem:$0x19400];
	_ =	sdelay $0x4  }
0x146: {  	[tilespmem:v50+s13+$0x0] =	vst.idx.add.f32.msk $0xffff, v51  }
0x147: {  	v50 =	vld [tilespmem:$0xF0];
	_ =	sdelay $0x2  }
0x148: {  	v51 =	vld [tilespmem:$0x19410];
	_ =	sdelay $0x4  }
0x149: {  	[tilespmem:v50+s13+$0x0] =	vst.idx.add.f32.msk $0xffff, v51  }
0x14a: {  	v50 =	vld [tilespmem:$0x100];
	_ =	sdelay $0x2  }
0x14b: {  	v51 =	vld [tilespmem:$0x19420];
	_ =	sdelay $0x4  }
0x14c: {  	[tilespmem:v50+s13+$0x0] =	vst.idx.add.f32.msk $0xffff, v51  }
0x14d: {  	v50 =	vld [tilespmem:$0x110];
	_ =	sdelay $0x2  }
0x14e: {  	v51 =	vld [tilespmem:$0x19430];
	_ =	sdelay $0x4  }
0x14f: {  	[tilespmem:v50+s13+$0x0] =	vst.idx.add.f32.msk $0xffff, v51  }
0x150: {  	v50 =	vld [tilespmem:$0x120];
	_ =	sdelay $0x2  }
0x151: {  	v51 =	vld [tilespmem:$0x19440];
	_ =	sdelay $0x4  }
0x152: {  	[tilespmem:v50+s13+$0x0] =	vst.idx.add.f32.msk $0xffff, v51  }
0x153: {  	v50 =	vld [tilespmem:$0x130];
	_ =	sdelay $0x2  }
0x154: {  	v51 =	vld [tilespmem:$0x19450];
	_ =	sdelay $0x4  }
0x155: {  	[tilespmem:v50+s13+$0x0] =	vst.idx.add.f32.msk $0xffff, v51  }
0x156: {  	v50 =	vld [tilespmem:$0x140];
	_ =	sdelay $0x2  }
0x157: {  	v51 =	vld [tilespmem:$0x19460];
	_ =	sdelay $0x4  }
0x158: {  	[tilespmem:v50+s13+$0x0] =	vst.idx.add.f32.msk $0xffff, v51  }
0x159: {  	v50 =	vld [tilespmem:$0x150];
	_ =	sdelay $0x2  }
0x15a: {  	v51 =	vld [tilespmem:$0x19470];
	_ =	sdelay $0x4  }
0x15b: {  	[tilespmem:v50+s13+$0x0] =	vst.idx.add.f32.msk $0xffff, v51  }
0x15c: {  	v50 =	vld [tilespmem:$0x160];
	_ =	sdelay $0x2  }
0x15d: {  	v51 =	vld [tilespmem:$0x19480];
	_ =	sdelay $0x4  }
0x15e: {  	[tilespmem:v50+s13+$0x0] =	vst.idx.add.f32.msk $0xffff, v51  }
0x15f: {  	v50 =	vld [tilespmem:$0x170];
	_ =	sdelay $0x2  }
0x160: {  	v51 =	vld [tilespmem:$0x19490];
	_ =	sdelay $0x4  }
0x161: {  	[tilespmem:v50+s13+$0x0] =	vst.idx.add.f32.msk $0xffff, v51  }
0x162: {  	v50 =	vld [tilespmem:$0x180];
	_ =	sdelay $0x2  }
0x163: {  	v51 =	vld [tilespmem:$0x194A0];
	_ =	sdelay $0x2  }
0x164: {  	s4 =	sadd.s32 $0x1, s4  }
0x165: {  	s3 =	rddreg [dreg:$0x3];
	p1 =	sne.s32 s4, $0x19  }
.Ltmp2:
0x166: {  	s1 =	sadd.s32 s3, s1;
	[tilespmem:v50+s13+$0x0] =	vst.idx.add.f32.msk $0xffff, v51;
	(pc) =	sbr.rel @p1 .LBB2_4-.Ltmp2, $4  }
0x167: {  	[hbm4b:s1+s5] =	stream.linear.scatter [tilespmem:s12], [sflag:$0x2], $0x190, $0x38;
	[tilespmem:$0x1C240] =	vst v63  }
0x168: {  	_ =	swait.ge [sflag:s15], $0x190  }
0x169: {  	[sflag:s15] =	ssyncset.done $0x0  }
0x16a: {  	[sflag:s15] =	ssyncadd.s32 $0xFFFFFE70  }
0x16b: {  	s1 =	simm.s32 @p0 $0x194B0;
	s20 =	rddreg [dreg:$0x4]  }
0x16c: {  	[spmem:s20] =	stream.linear.scatter @p0 [tilespmem:s1], [sflag:$0x2], $0x2800, $0x38;
	[tilespmem:$0x1C240] =	vst v63  }
0x16d: {  	s1 =	simm.s32 @p0 $0x2  }
0x16e: {  	_ =	swait.ge @p0 [sflag:s1], $0x2800  }
0x16f: {  	[sflag:s1] =	ssyncset.done @p0 $0x0  }
0x170: {  	[sflag:s1] =	ssyncadd.s32 @p0 $0xFFFFD800  }
0x171: {  	[bflag:$0x0] =	sbarrier.arrive @p0 $0xFFFF  }
0x172: {  	[bflag:$0x0] =	sbarrier.arrive @p0 $0xFFFF  }
0x173: {  	s4 =	simm.s32 @p0 $0x1C02;
	s3 =	sshrl.u32 @p0 s20, $0x3;
	s19 =	rddreg [dreg:$0x7]  }
0x174: {  	[hbm:s19], [sflag:s4] =	dma.local @p0 [spmem:s3], $0x500  }
0x175: {  	_ =	swait.ge @p0 [sflag:s1], $0x500  }
0x176: {  	[sflag:s1] =	ssyncset.done @p0 $0x0  }
0x177: {  	s3 =	simm.s32 @!p0 $0x1BD40;
	[sflag:s1] =	ssyncadd.s32 @p0 $0xFFFFFB00  }
0x178: {  	s4 =	simm.s32 @!p0 $0x194B0;
	s1 =	simm.s32 @!p0 $0x80;
	[bflag:$0x0] =	sbarrier.arrive @!p0 $0xFFFF  }
0x179: {  	[spmem:s20] =	stream.indirect.scatter.add.f32 @!p0 [tilespmem:s4], [sflag:$0x2], $0x10, s3, s1, $0xb8;
	[tilespmem:$0x1C240] =	vst v63  }
0x17a: {  	s3 =	simm.s32 @!p0 $0x2  }
0x17b: {  	_ =	swait.ge @!p0 [sflag:s3], $0x800  }
0x17c: {  	[sflag:s3] =	ssyncset.done @!p0 $0x0  }
0x17d: {  	s19 =	simm.s32 @!p0 $0x19CB0;
	s4 =	simm.s32 @!p0 $0x1BDC0;
	[sflag:s3] =	ssyncadd.s32 @!p0 $0xFFFFF800  }
0x17e: {  	[spmem:s20] =	stream.indirect.scatter.add.f32 @!p0 [tilespmem:s19], [sflag:$0x2], $0x10, s4, s1, $0xb8;
	[tilespmem:$0x1C240] =	vst v63  }
0x17f: {  	_ =	swait.ge @!p0 [sflag:s3], $0x800  }
0x180: {  	[sflag:s3] =	ssyncset.done @!p0 $0x0  }
0x181: {  	s4 =	simm.s32 @!p0 $0x1BE40;
	s19 =	simm.s32 @!p0 $0x1A4B0;
	[sflag:s3] =	ssyncadd.s32 @!p0 $0xFFFFF800  }
0x182: {  	[spmem:s20] =	stream.indirect.scatter.add.f32 @!p0 [tilespmem:s19], [sflag:$0x2], $0x10, s4, s1, $0xb8;
	[tilespmem:$0x1C240] =	vst v63  }
0x183: {  	_ =	swait.ge @!p0 [sflag:s3], $0x800  }
0x184: {  	[sflag:s3] =	ssyncset.done @!p0 $0x0  }
0x185: {  	s4 =	simm.s32 @!p0 $0x1BEC0;
	s19 =	simm.s32 @!p0 $0x1ACB0;
	[sflag:s3] =	ssyncadd.s32 @!p0 $0xFFFFF800  }
0x186: {  	[spmem:s20] =	stream.indirect.scatter.add.f32 @!p0 [tilespmem:s19], [sflag:$0x2], $0x10, s4, s1, $0xb8;
	[tilespmem:$0x1C240] =	vst v63  }
0x187: {  	_ =	swait.ge @!p0 [sflag:s3], $0x800  }
0x188: {  	[sflag:s3] =	ssyncset.done @!p0 $0x0  }
0x189: {  	s4 =	simm.s32 @!p0 $0x1BF40;
	s19 =	simm.s32 @!p0 $0x1B4B0;
	[sflag:s3] =	ssyncadd.s32 @!p0 $0xFFFFF800  }
0x18a: {  	[spmem:s20] =	stream.indirect.scatter.add.f32 @!p0 [tilespmem:s19], [sflag:$0x2], $0x10, s4, s1, $0xb8;
	[tilespmem:$0x1C240] =	vst v63  }
0x18b: {  	_ =	swait.ge @!p0 [sflag:s3], $0x800  }
0x18c: {  	s20 =	rddreg [dreg:$0x9]  }
0x18d: {  	s21 =	rddreg [dreg:$0x8];
	s4 =	sadd.s32 $0x1, s20  }
0x18e: {  	p1 =	sne.s32 s4, s21  }
.Ltmp3:
0x18f: {  	_ = 	snop;
	(pc) =	sbr.rel @p1 .LBB2_1-.Ltmp3, $3  }
0x190: {  	[sflag:s3] =	ssyncset.done @!p0 $0x0  }
0x191: {  	[sflag:s3] =	ssyncadd.s32 @!p0 $0xFFFFF800  }
0x192: {  	[bflag:$0x0] =	sbarrier.arrive @!p0 $0xFFFF;
	_ =	sdelay $0x1  }
0x193: {  	_ =	sfence.sel $0x180000  }
0x194: {  	[bflag:$0x0] =	sbarrier.arrive $0xFFFF  }
0x195: {  	_ =	strace $0x90000047  }
0x196: {  	s0 =	stileid.u32;
	[bflag:$0x2] =	sbarrier.arrive $0xFFFF  }
0x197: {  	p0 =	sne.s32 s0, $0x0;
	s0 =	rddreg [dreg:$0x5]  }
0x198: {  	s0 =	sadd.s32 @!p0 $0x100000, s0  }
0x199: {  	[sflag:s0] =	ssyncadd.tile.s32 @!p0 $0x1;
	_ =	shalt  }
.Lfunc_end2:
_tile_overlayer_lowered:
.L_overlay_start_2:
0x19a: {  	(tag) =	ssettag $0x2  }
0x19b: {  	s0 =	rddreg [dreg:$0x0];
	s2 =	stileid.u32  }
0x19c: {  	s1 =	rddreg [dreg:$0x1];
	p0 =	sne.s32 s2, $0x0  }
0x19d: {  	s3 =	rddreg [dreg:$0x2];
	[bflag:$0x3] =	sbarrier.arrive $0xFFFF;
	s2 =	simm.s32 @!p0 $0x1C02  }
0x19e: {  	[timem:s3], [sflag:s2] =	dma.local @!p0 [hbm:s0], s1  }
0x19f: {  	s0 =	simm.s32 @!p0 $0x2  }
0x1a0: {  	_ =	swait.ge @!p0 [sflag:s0], s1  }
0x1a1: {  	s1 =	ssub.s32 @!p0 $0x0, s1;
	[sflag:s0] =	ssyncset.done @!p0 $0x0  }
0x1a2: {  	[sflag:s0] =	ssyncadd.s32 @!p0 s1  }
0x1a3: {  	[bflag:$0x3] =	sbarrier.arrive $0xFFFF  }
0x1a4: {  	_ =	shalt  }

// kernel: kernel.8.cloned.1.call-start
scs
__scs_entry_jumppad:
0x0: {  	(pc) =	sbr.rel $0x88, $3  }
0x1: {  	(tag) =	ssettag $0x0;
	lr =	simm.s32 $0x1  }
0x2: {  	[smem:$0x3F9A] =	sst lr;
	_ =	strace $0xD0000000  }
0x3: {  	_ = 	snop  }
0x4: {  	_ = 	snop  }
0x5: {  	_ = 	snop  }
0x6: {  	_ = 	snop  }
0x7: {  	_ = 	snop  }
__scs_overlays_trampoline_lowered:
0x8: {  	[smem:$0x3FA9] =	sst s0  }
0x9: {  	[smem:$0x3FAA] =	sst s1  }
0xa: {  	[smem:$0x3FAB] =	sst s2  }
0xb: {  	[smem:$0x3FAC] =	sst s3  }
0xc: {  	[smem:$0x3FAD] =	sst s4  }
0xd: {  	[smem:$0x3FAE] =	sst s5  }
0xe: {  	[smem:$0x3FAF] =	sst s6  }
0xf: {  	[smem:$0x3FB0] =	sst s7  }
0x10: {  	[smem:$0x3FB1] =	sst s8  }
0x11: {  	[smem:$0x3FB2] =	sst s9;
	s0 =	simm.s32 @!p0 $0x0  }
0x12: {  	s1 =	sld [smem:$0x3F98];
	s0 =	simm.s32 @p0 $0x1  }
0x13: {  	[smem:$0x3FB3] =	sst s0;
	s0 =	simm.s32 @!p1 $0x0  }
0x14: {  	s2 =	sld [smem:$0x3F97];
	s0 =	simm.s32 @p1 $0x1  }
0x15: {  	[smem:$0x3FB4] =	sst s0;
	s0 =	simm.s32 @!p2 $0x0  }
0x16: {  	s3 =	sld [smem:$0x3FDB];
	s0 =	simm.s32 @p2 $0x1  }
0x17: {  	s4 =	simm.s32 $0x1BF5;
	[smem:$0x3FB6] =	sst s0  }
0x18: {  	s0 =	sld [smem:$0x3F99];
	_ =	swait.ge [sflag:s4], $0x0  }
0x19: {  	s7 =	sld [smem:$0x3F9A]  }
0x1a: {  	s8 =	sadd.s32 $0xFFFFE003, lr  }
0x1b: {  	s9 =	sadd.s32 $0xFFFFFEF7, lr;
	s5 =	simm.s32 $0xFFFFFFFF;
	p2 =	slt.u32 s8, $0xFFFFF086  }
0x1c: {  	p1 =	slt.u32 s9, $0xF7A;
	s5 =	simm.s32 @!p2 $0x0  }
0x1d: {  	s5 =	simm.s32 @p1 $0x1;
	p0 =	seq.s32 s7, s2  }
0x1e: {  	s7 =	smul.u32 @!p0 $0xF7A, s2;
	p2 =	seq.s32 @!p0 s5, $0x0  }
0x1f: {  	s9 =	smul.u32 $0xF7A, s1;
	s8 =	simm.s32 @!p0 $0x1BF5;
	p2 =	por !p2, p0  }
0x20: {  	[sflag:s8] =	ssyncset.s32 @!p0 $0xFFFFF086;
	s6 =	sadd.s32 @!p0 s3, s7;
	s7 =	simm.s32 @!p0 $0x108  }
0x21: {  	s3 =	sadd.s32 s3, s9;
	s6 =	sadd.s32 @!p0 $0x88, s6;
	s7 =	simm.s32 @p2 $0x1082  }
0x22: {  	[simem:s7], [sflag:s8] =	dma.local @!p0 [hbm:s6], $0xF7A  }
0x23: {  	s9 =	sor.u32 $0xD0000000, s2;
	s6 =	simm.s32 $0x108;
	_ =	swait.ge @!p0 [sflag:s8], $0x0  }
0x24: {  	s3 =	sadd.s32 $0x88, s3;
	s6 =	simm.s32 @!p1 $0x1082;
	[sflag:s4] =	ssyncset.s32 $0xFFFFF086  }
0x25: {  	[simem:s6], [sflag:s4] =	dma.local [hbm:s3], $0xF7A  }
0x26: {  	[smem:$0x3F9A] =	sst s1;
	(tag) =	ssettag s2;
	_ =	strace s9  }
0x27: {  	s1 =	sld [smem:$0x3FAA]  }
0x28: {  	s2 =	sld [smem:$0x3FAB]  }
0x29: {  	s4 =	sld [smem:$0x3FAD]  }
0x2a: {  	p0 =	seq.s32 s5, $0x0;
	s5 =	sld [smem:$0x3FAE]  }
0x2b: {  	s6 =	sld [smem:$0x3FAF]  }
0x2c: {  	s7 =	sld [smem:$0x3FB0]  }
0x2d: {  	s3 =	simm.s32 $0x108;
	s8 =	sld [smem:$0x3FB1]  }
0x2e: {  	s3 =	simm.s32 @!p0 $0x1082;
	s9 =	sld [smem:$0x3FB2]  }
0x2f: {  	lr =	sadd.s32 s0, s3;
	s0 =	sld [smem:$0x3FA9]  }
0x30: {  	s3 =	sld [smem:$0x3FAC]  }
0x31: {  	[smem:$0x3FB5] =	sst s10  }
0x32: {  	s10 =	sld [smem:$0x3FB3];
	_ =	sdelay $0x3  }
0x33: {  	p0 =	seq.s32 s10, $0x1;
	s10 =	sld [smem:$0x3FB5];
	_ =	sdelay $0x3  }
0x34: {  	[smem:$0x3FB5] =	sst s10  }
0x35: {  	s10 =	sld [smem:$0x3FB4];
	_ =	sdelay $0x3  }
0x36: {  	p1 =	seq.s32 s10, $0x1;
	s10 =	sld [smem:$0x3FB5];
	_ =	sdelay $0x3  }
0x37: {  	[smem:$0x3FB5] =	sst s10  }
0x38: {  	s10 =	sld [smem:$0x3FB6]  }
0x39: {  	_ = 	snop;
	(pc) =	sbr.ind lr, $3  }
0x3a: {  	_ = 	snop  }
0x3b: {  	_ = 	snop  }
0x3c: {  	p2 =	seq.s32 s10, $0x1;
	s10 =	sld [smem:$0x3FB5]  }
0x3d: {  	_ =	shalt  }
0x3e: {  	_ =	shalt  }
0x3f: {  	_ =	shalt  }
0x40: {  	_ =	shalt  }
0x41: {  	_ =	shalt  }
0x42: {  	_ =	shalt  }
0x43: {  	_ =	shalt  }
0x44: {  	_ =	shalt  }
0x45: {  	_ =	shalt  }
0x46: {  	_ =	shalt  }
0x47: {  	_ =	shalt  }
0x48: {  	_ =	shalt  }
0x49: {  	_ =	shalt  }
0x4a: {  	_ =	shalt  }
0x4b: {  	_ =	shalt  }
0x4c: {  	_ =	shalt  }
0x4d: {  	_ =	shalt  }
0x4e: {  	_ =	shalt  }
0x4f: {  	_ =	shalt  }
0x50: {  	_ =	shalt  }
0x51: {  	_ =	shalt  }
0x52: {  	_ =	shalt  }
0x53: {  	_ =	shalt  }
0x54: {  	_ =	shalt  }
0x55: {  	_ =	shalt  }
0x56: {  	_ =	shalt  }
0x57: {  	_ =	shalt  }
0x58: {  	_ =	shalt  }
0x59: {  	_ =	shalt  }
0x5a: {  	_ =	shalt  }
0x5b: {  	_ =	shalt  }
0x5c: {  	_ =	shalt  }
0x5d: {  	_ =	shalt  }
0x5e: {  	_ =	shalt  }
0x5f: {  	_ =	shalt  }
0x60: {  	_ =	shalt  }
0x61: {  	_ =	shalt  }
0x62: {  	_ =	shalt  }
0x63: {  	_ =	shalt  }
0x64: {  	_ =	shalt  }
0x65: {  	_ =	shalt  }
0x66: {  	_ =	shalt  }
0x67: {  	_ =	shalt  }
0x68: {  	_ =	shalt  }
0x69: {  	_ =	shalt  }
0x6a: {  	_ =	shalt  }
0x6b: {  	_ =	shalt  }
0x6c: {  	_ =	shalt  }
0x6d: {  	_ =	shalt  }
0x6e: {  	_ =	shalt  }
0x6f: {  	_ =	shalt  }
0x70: {  	_ =	shalt  }
0x71: {  	_ =	shalt  }
0x72: {  	_ =	shalt  }
0x73: {  	_ =	shalt  }
0x74: {  	_ =	shalt  }
0x75: {  	_ =	shalt  }
0x76: {  	_ =	shalt  }
0x77: {  	_ =	shalt  }
0x78: {  	_ =	shalt  }
0x79: {  	_ =	shalt  }
0x7a: {  	_ =	shalt  }
0x7b: {  	_ =	shalt  }
0x7c: {  	_ =	shalt  }
0x7d: {  	_ =	shalt  }
0x7e: {  	_ =	shalt  }
0x7f: {  	_ =	shalt  }
0x80: {  	_ =	shalt  }
0x81: {  	_ =	shalt  }
0x82: {  	_ =	shalt  }
0x83: {  	_ =	shalt  }
0x84: {  	_ =	shalt  }
0x85: {  	_ =	shalt  }
0x86: {  	_ =	shalt  }
0x87: {  	_ =	shalt  }
.Lfunc_end0:
.L_simem_size_0:
called_computation.1_lowered:
.L_overlay_start_0:
0x88: {  	s2 =	sld [smem:$0x3FD9]  }
0x89: {  	s3 =	sld [smem:$0x3FFE];
	_ =	sdelay $0x1  }
0x8a: {  	s1 =	srdreg.scid  }
0x8b: {  	s0 =	sand.u32 $0x1, s1  }
0x8c: {  	s14 =	sshll.u32 s0, $0xA;
	s2 =	sadd.s32 s3, s2  }
0x8d: {  	s2 =	sadd.s32 s2, s14  }
0x8e: {  	[smem:$0x3FC1] =	sst s2  }
0x8f: {  	_ = 	snop  }
0x90: {  	s2 =	sld [smem:$0x3FD0];
	_ =	sdelay $0x2  }
0x91: {  	s4 =	simm.s32 $0xA;
	s5 =	simm.s32 $0x10;
	s15 =	sld [smem:$0x3FC3]  }
0x92: {  	[smem:s5], [sflag:s4] =	dma.local [hbm:s2], $0x1  }
0x93: {  	_ =	swait.eq [sflag:s4], $0x1  }
0x94: {  	[sflag:s4] =	ssyncset.done $0x0  }
0x95: {  	[sflag:s4] =	ssyncadd.s32 $0xFFFFFFFF  }
0x96: {  	s16 =	sld [smem:$0x11];
	(tm) =	ssettm $0x1  }
0x97: {  	s17 =	sld [smem:$0x3FFB];
	_ =	sdelay $0x3  }
0x98: {  	_ =	strace s17  }
0x99: {  	s4 =	sld [smem:$0x3FFC];
	_ =	sdelay $0x3  }
0x9a: {  	_ =	strace s4  }
0x9b: {  	s4 =	sld [smem:$0x3FFD];
	_ =	sdelay $0x3  }
0x9c: {  	_ =	strace s4  }
0x9d: {  	_ =	strace $0x8FFFFFFF  }
0x9e: {  	s18 =	sld [smem:$0x3FDB];
	_ =	sdelay $0x1  }
0x9f: {  	s19 =	simm.s32 $_scs_section_size  }
0xa0: {  	s6 =	simm.s32 $_size__tile_overlayer_lowered;
	s7 =	simm.s32 $_tile_overlayer_lowered  }
0xa1: {  	s22 =	simm.s32 $0x1BFF;
	s21 =	sshll.u32 s7, $0x1;
	s4 =	sadd.s32 s19, s18  }
0xa2: {  	s8 =	simm.s32 $0x0;
	s20 =	sshll.u32 s6, $0x1;
	s6 =	sadd.s32 s21, s4  }
0xa3: {  	[timem:s8], [sflag:s22] =	dma.local [hbm:s6], s20  }
0xa4: {  	_ =	swait.ge [sflag:s22], s20  }
0xa5: {  	s5 =	ssub.s32 $0x0, s20;
	[sflag:s22] =	ssyncset.done $0x0  }
0xa6: {  	[sflag:s22] =	ssyncadd.s32 s5;
	_ =	sdelay $0x1  }
0xa7: {  	s23 =	simm.s32 $0x1B8B  }
0xa8: {  	_ =	swait.ge [sflag:s23], $0x1  }
0xa9: {  	[sflag:s23] =	ssyncset.done $0x0  }
0xaa: {  	s25 =	simm.s32 $0x1B8E;
	s24 =	sld [smem:$0x3FFE];
	[sflag:s23] =	ssyncadd.s32 $0xFFFFFFFF  }
0xab: {  	s26 =	simm.s32 $execute0_lowered;
	[smem:$0x3FD2] =	sst s25  }
0xac: {  	s6 =	sshll.u32 s26, $0x1;
	_ =	strace $0x80000049;
	[dreg:$0x1] =	wrdreg $0xFFFFFFFF  }
0xad: {  	s28 =	simm.s32 $_size_execute0_lowered;
	s4 =	sadd.s32 s4, s6;
	[dreg:$0x0] =	wrdreg $0x0  }
0xae: {  	s6 =	sshll.u32 s28, $0x1;
	[dreg:$0x2] =	wrdreg s4  }
0xaf: {  	[dreg:$0x3] =	wrdreg s6  }
0xb0: {  	[dreg:$0x4] =	wrdreg $0xC0  }
0xb1: {  	_ =	task [dreg:s8], $0x5FFFF  }
0xb2: {  	[dreg:$0x1] =	wrdreg $0xFFFFFFFF  }
0xb3: {  	[dreg:$0x0] =	wrdreg $0x60  }
0xb4: {  	[dreg:$0x2] =	wrdreg s24  }
0xb5: {  	[dreg:$0x3] =	wrdreg s15  }
0xb6: {  	[dreg:$0x4] =	wrdreg s16  }
0xb7: {  	[dreg:$0x5] =	wrdreg $0x9  }
0xb8: {  	_ =	task.clear_ibuf [dreg:s8], $0x6FFFF;
	_ =	strace $0x90000049  }
0xb9: {  	s29 =	simm.s32 $0x9;
	_ =	strace $0x8000004B  }
0xba: {  	_ =	swait.ge [sflag:s29], $0x1  }
0xbb: {  	[sflag:s29] =	ssyncadd.s32 $0xFFFFFFFF  }
0xbc: {  	_ =	strace $0x9000004B  }
0xbd: {  	_ =	sfence  }
0xbe: {  	s30 =	sld [smem:$0x0];
	_ =	sdelay $0x2  }
0xbf: {  	s31 =	sshll.u32 s1, $0xD;
	s1 =	sshrl.u32 s1, $0x2  }
0xc0: {  	s3 =	sand.u32 $0x4000, s31;
	s1 =	sadd.s32 s1, s30  }
0xc1: {  	s0 =	sor.u32 s3, s0;
	s1 =	sshll.u32 s1, $0x11  }
0xc2: {  	s0 =	sor.u32 s1, s0  }
0xc3: {  	s0 =	sadd.s32 $0x8F2B, s0  }
0xc4: {  	[sflag:s0] =	ssyncadd.remote.s32 $0x1  }
0xc5: {  	_ =	sfence.sel $0xFFFF  }
0xc6: {  	[dreg:$0x0] =	wrdreg $0xFFFFFFFF;
	(pc) =	sbr.abs _section_cstart, $3  }
0xc7: {  	[dreg:$0x1] =	wrdreg $0xFFFFFFFF  }
0xc8: {  	_ =	task.clear_ibuf [dreg:s8], $0x2FFFF;
	_ =	strace $0x9FFFFFFF  }
0xc9: {  	(tm) =	ssettm $0x7FFFFFFF  }
tec
execute0_lowered:
.L_overlay_start_1:
0x0: {  	(tag) =	ssettag $0x1  }
0x1: {  	s0 =	srdreg.scid  }
0x2: {  	s1 =	stileid.u32;
	s5 =	sand.u32 $0x1, s0  }
0x3: {  	s6 =	sor.u32 s1, s5  }
0x4: {  	p0 =	sne.s32 s6, $0x0  }
.Ltmp0:
0x5: {  	s7 =	rddreg [dreg:$0x0];
	(pc) =	sbr.rel @p0 .LBB2_5-.Ltmp0, $4  }
0x6: {  	s2 =	rddreg [dreg:$0x1]  }
0x7: {  	s3 =	rddreg [dreg:$0x2];
	s4 =	simm.s32 $0x0  }
0x8: {  	[smem:$0x7FF] =	sst s4  }
0x9: {  	s0 =	rddreg [dreg:$0x3];
	_ =	strace $0x8000004A  }
0xa: {  	s6 =	ssub.s32 $0x2, s5  }
0xb: {  	s5 =	sadd.s32 $0x59200, s7;
	s7 =	sadd.s32 $0x59700, s7;
	s9 =	simm.s32 $0x2800  }
0xc: {  	s10 =	simm.s32 $0x5000;
	s11 =	simm.s32 $0x5400;
	s8 =	sshrl.u32 s6, $0x1  }
0xd: {  	v0 =	vimm.s32 $0x0;
	s12 =	simm.s32 $0x0;
	s6 =	ssub.s32 s6, s8;
	s8 =	simm.s32 $0x1  }
.LBB2_2:
0xe: {  	s13 =	simm.s32 $0x0  }
0xf: {  	[tilespmem:s13], [sflag:$0x1] =	stream.linear.gather [hbm4b:s5+s13], $0x2800, $0x38;
	[tilespmem:$0x5800] =	vst v63  }
0x10: {  	_ =	swait.ge [sflag:s8], $0x2800  }
0x11: {  	[sflag:s8] =	ssyncset.done $0x0  }
0x12: {  	[sflag:s8] =	ssyncadd.s32 $0xFFFFD800  }
0x13: {  	[tilespmem:s9], [sflag:$0x1] =	stream.linear.gather [hbm4b:s7+s13], $0x2800, $0x38;
	[tilespmem:$0x5800] =	vst v63  }
0x14: {  	_ =	swait.ge [sflag:s8], $0x2800  }
0x15: {  	[sflag:s8] =	ssyncset.done $0x0  }
0x16: {  	[sflag:s8] =	ssyncadd.s32 $0xFFFFD800  }
0x17: {  	[tilespmem:$0x53E0] =	vst v0  }
0x18: {  	[tilespmem:$0x53F0] =	vst v0  }
0x19: {  	[tilespmem:s10], [sflag:$0x1] =	stream.linear.gather [hbm4b:s2+s13], $0x3E8, $0x38;
	[tilespmem:$0x5800] =	vst v63  }
0x1a: {  	_ =	swait.ge [sflag:s8], $0x3E8  }
0x1b: {  	[sflag:s8] =	ssyncset.done $0x0  }
0x1c: {  	s13 =	simm.s32 $0x0;
	[sflag:s8] =	ssyncadd.s32 $0xFFFFFC18  }
0x1d: {  	v1 =	vld [tilespmem:s13+$0x5000];
	_ =	sdelay $0x7  }
0x1e: {  	v2 =	vld.idx.msk [tilespmem:v1+s9+$0x0], $0xffff  }
0x1f: {  	s14 =	simm.s32 $0x10;
	v3 =	vld.idx.msk [tilespmem:v1+s4+$0x0], $0xffff  }
0x20: {  	s15 =	simm.s32 $0x80;
	v1 =	vld [tilespmem:s14+$0x5000]  }
.LBB2_3:
0x21: {  	p0 =	sne.s32 s15, $0xFC0;
	_ =	sdelay $0x3  }
0x22: {  	v2 =	vadd.f32 v2, v3  }
.Ltmp1:
0x23: {  	(pc) =	sbr.rel @p0 .LBB2_3-.Ltmp1, $4  }
0x24: {  	[tilespmem:s13+$0x5400] =	vst v2;
	s13 =	smov.u32 s14  }
0x25: {  	v2 =	vld.idx.msk [tilespmem:v1+s9+$0x0], $0xffff  }
0x26: {  	s14 =	sshra.s32 s15, $0x2;
	v3 =	vld.idx.msk [tilespmem:v1+s4+$0x0], $0xffff  }
0x27: {  	s15 =	sadd.s32 $0x40, s15;
	v1 =	vld [tilespmem:s14+$0x5000]  }
0x28: {  	_ =	sdelay $0x4  }
0x29: {  	v2 =	vadd.f32 v2, v3;
	_ =	sdelay $0x1  }
0x2a: {  	[tilespmem:s13+$0x5400] =	vst v2  }
0x2b: {  	v2 =	vld.idx.msk [tilespmem:v1+s9+$0x0], $0xffff  }
0x2c: {  	v1 =	vld.idx.msk [tilespmem:v1+s4+$0x0], $0xffff;
	_ =	sdelay $0x4  }
0x2d: {  	s12 =	sadd.s32 $0x1, s12;
	v1 =	vadd.f32 v2, v1  }
0x2e: {  	p0 =	sne.s32 s12, s6  }
.Ltmp2:
0x2f: {  	[tilespmem:s14+$0x5400] =	vst v1;
	(pc) =	sbr.rel @p0 .LBB2_2-.Ltmp2, $4  }
0x30: {  	[hbm4b:s3+s4] =	stream.linear.scatter [tilespmem:s11], [sflag:$0x1], $0x3E8, $0x38;
	[tilespmem:$0x5800] =	vst v63  }
0x31: {  	_ =	swait.ge [sflag:s8], $0x3E8  }
0x32: {  	[sflag:s8] =	ssyncset.done $0x0  }
0x33: {  	[sflag:s8] =	ssyncadd.s32 $0xFFFFFC18  }
.LBB2_5:
0x34: {  	_ =	sfence.sel $0x180000  }
0x35: {  	[bflag:$0x0] =	sbarrier.arrive $0xFFFF  }
0x36: {  	p0 =	sne.s32 s1, $0x0;
	_ =	strace $0x9000004A  }
0x37: {  	s0 =	sadd.s32 @!p0 $0x100000, s0;
	[bflag:$0x2] =	sbarrier.arrive $0xFFFF  }
0x38: {  	[sflag:s0] =	ssyncadd.tile.s32 @!p0 $0x1;
	_ =	shalt  }
.Lfunc_end2:
_tile_overlayer_lowered:
.L_overlay_start_2:
0x39: {  	(tag) =	ssettag $0x2  }
0x3a: {  	s0 =	rddreg [dreg:$0x0];
	s2 =	stileid.u32  }
0x3b: {  	s1 =	rddreg [dreg:$0x1];
	p0 =	sne.s32 s2, $0x0  }
0x3c: {  	s3 =	rddreg [dreg:$0x2];
	[bflag:$0x3] =	sbarrier.arrive $0xFFFF;
	s2 =	simm.s32 @!p0 $0x1C01  }
0x3d: {  	[timem:s3], [sflag:s2] =	dma.local @!p0 [hbm:s0], s1  }
0x3e: {  	s0 =	simm.s32 @!p0 $0x1  }
0x3f: {  	_ =	swait.ge @!p0 [sflag:s0], s1  }
0x40: {  	s1 =	ssub.s32 @!p0 $0x0, s1;
	[sflag:s0] =	ssyncset.done @!p0 $0x0  }
0x41: {  	[sflag:s0] =	ssyncadd.s32 @!p0 s1  }
0x42: {  	[bflag:$0x3] =	sbarrier.arrive $0xFFFF  }
0x43: {  	_ =	shalt  }

</sc_bundles>
